<compile_context>
chip_gen: v7x
topology: tpu7x:2x2x1
jax: 0.10.2.dev20260603
libtpu: 0.0.44.dev20260713+nightly
codegen_flags: <defaults>
</compile_context>

<pallas_src>
import functools

import jax
import jax.numpy as jnp
from jax import lax
from jax.experimental import pallas as pl
from jax.experimental.pallas import tpu as pltpu
from jax.experimental.pallas import tpu_sc as plsc

NUM_SEG = 10000
N_ELEM = 320000
X_DIM = 128
Y_DIM = 64
V_ROWS = 100
V_PAD = 128

NC, NS = 2, 16
NW = NC * NS
BLK = 128
NBLK = 80
EPW = NBLK * BLK
N_PAD = EPW * NW
ACC_ROWS = 10240
ROWS_PER_TILE = ACC_ROWS // NS
DUMMY = ACC_ROWS - 1
FCAP = 256


def _bf(v):
    return v.astype(jnp.bfloat16)


def _table_body(emb_ref, w1_ref, b1_ref, w2_ref, b2_ref, out_ref):
    h = jnp.dot(_bf(emb_ref[...]), _bf(w1_ref[...]),
                preferred_element_type=jnp.float32)
    h = jnp.maximum(h + b1_ref[...], 0.0)
    out_ref[...] = jnp.dot(_bf(h), _bf(w2_ref[...]),
                           preferred_element_type=jnp.float32) + b2_ref[...]


def _make_table2(emb_pad, W1, b1, W2, b2):
    return pl.pallas_call(
        _table_body,
        out_shape=jax.ShapeDtypeStruct((V_PAD, Y_DIM), jnp.float32),
    )(emb_pad, W1, b1.reshape(1, X_DIM), W2, b2.reshape(1, Y_DIM))


def _seg_body(x_hbm, b_hbm, tab_hbm, out_hbm,
              xi_v, bi_v, tab_v, frows_v, fidx_v, zer_v, acc_sh, sem0, sem1):
    cid = lax.axis_index("c")
    sid = lax.axis_index("s")
    wid = sid * NC + cid

    ctab = pltpu.async_copy(tab_hbm, tab_v, sem0)
    cxi = pltpu.async_copy(x_hbm.at[pl.ds(wid * EPW, EPW)], xi_v, sem0)
    cbi = pltpu.async_copy(b_hbm.at[pl.ds(wid * EPW, EPW)], bi_v, sem0)

    @pl.loop(0, 128)
    def _zrow(r):
        for c in range(Y_DIM // 16):
            zer_v[r, pl.ds(c * 16, 16)] = jnp.zeros((16,), jnp.float32)

    nz = ROWS_PER_TILE // 128
    for i in range(nz):
        pltpu.async_copy(
            zer_v, acc_sh.at[pl.ds(sid * ROWS_PER_TILE + i * 128, 128)], sem1)
    for i in range(nz):
        pltpu.make_async_copy(
            zer_v, acc_sh.at[pl.ds(sid * ROWS_PER_TILE + i * 128, 128)],
            sem1).wait()
    ctab.wait()
    cxi.wait()
    cbi.wait()
    plsc.subcore_barrier()

    zvec = jnp.zeros((16,), jnp.float32)
    lane = lax.iota(jnp.int32, 16)

    def _drain(d, n, gran):
        @pl.loop(0, (n - d) // gran)
        def _fire(q):
            dd = d + q * gran
            off = pl.multiple_of(dd % FCAP, 16)
            pltpu.sync_copy(
                frows_v.at[pl.ds(off, gran)],
                acc_sh.at[fidx_v.at[pl.ds(off, gran)]],
                add=True)
        return d + ((n - d) // gran) * gran

    def _flush(n, b_prev, fvec, a0, a1, a2, a3):
        s = n % FCAP
        fvec = jnp.where(lane == s % 16, jnp.full((16,), b_prev, jnp.int32),
                         fvec)

        def _stores():
            ridx = jnp.full((16,), s, jnp.int32)
            plsc.store_scatter(frows_v, [ridx, lane], a0)
            plsc.store_scatter(frows_v, [ridx, lane + 16], a1)
            plsc.store_scatter(frows_v, [ridx, lane + 32], a2)
            plsc.store_scatter(frows_v, [ridx, lane + 48], a3)
            fidx_v[pl.ds(pl.multiple_of((s // 16) * 16, 16), 16)] = fvec
        return fvec, _stores

    def _block(j, carry):
        b_prev, n, d, fvec, a0, a1, a2, a3 = carry

        def _group(g, ecarry):
            b_prev, n, fvec, a0, a1, a2, a3 = ecarry
            i = (j * (BLK // 16) + g) * 16
            xv16 = xi_v[pl.ds(i, 16)]
            bv16 = bi_v[pl.ds(i, 16)]
            for k in range(16):
                xv = xv16[k]
                bv = bv16[k]
                new = bv != b_prev
                nfvec, _stores = _flush(n, b_prev, fvec, a0, a1, a2, a3)
                pl.when(new)(_stores)
                fvec = jnp.where(new, nfvec, fvec)
                n = n + new.astype(jnp.int32)
                base = xv * Y_DIM
                t0 = tab_v[pl.ds(base, 16)]
                t1 = tab_v[pl.ds(base + 16, 16)]
                t2 = tab_v[pl.ds(base + 32, 16)]
                t3 = tab_v[pl.ds(base + 48, 16)]
                a0 = t0 + jnp.where(new, zvec, a0)
                a1 = t1 + jnp.where(new, zvec, a1)
                a2 = t2 + jnp.where(new, zvec, a2)
                a3 = t3 + jnp.where(new, zvec, a3)
                b_prev = bv
            return b_prev, n, fvec, a0, a1, a2, a3

        b_prev, n, fvec, a0, a1, a2, a3 = lax.fori_loop(
            0, BLK // 16, _group, (b_prev, n, fvec, a0, a1, a2, a3))
        d = _drain(d, n, 64)
        return b_prev, n, d, fvec, a0, a1, a2, a3

    izvec = jnp.zeros((16,), jnp.int32)
    init = (jnp.int32(DUMMY), jnp.int32(0), jnp.int32(0), izvec,
            zvec, zvec, zvec, zvec)
    carry = lax.fori_loop(0, NBLK, _block, init)
    b_prev, n, d, fvec, a0, a1, a2, a3 = carry

    fvec, _stores = _flush(n, b_prev, fvec, a0, a1, a2, a3)
    _stores()
    n = n + 1
    d = _drain(d, n, 16)
    rem = n - d

    @pl.when(rem > 0)
    def _tail():
        g = pl.multiple_of(d % FCAP, 16)
        row = fidx_v[pl.ds(g, 16)]
        keep = lane < rem
        fidx_v[pl.ds(g, 16)] = jnp.where(keep, row,
                                         jnp.full((16,), DUMMY, jnp.int32))
        pltpu.sync_copy(frows_v.at[pl.ds(g, 16)],
                        acc_sh.at[fidx_v.at[pl.ds(g, 16)]], add=True)

    plsc.subcore_barrier()
    pltpu.sync_copy(acc_sh.at[pl.ds(sid * ROWS_PER_TILE, ROWS_PER_TILE)],
                    out_hbm.at[cid, pl.ds(sid * ROWS_PER_TILE, ROWS_PER_TILE)])


@functools.cache
def _seg_call():
    return pl.kernel(
        _seg_body,
        out_type=jax.ShapeDtypeStruct((NC, ACC_ROWS, Y_DIM), jnp.float32),
        mesh=plsc.VectorSubcoreMesh(core_axis_name="c", subcore_axis_name="s",
                                    num_cores=NC, num_subcores=NS),
        compiler_params=pltpu.CompilerParams(use_tc_tiling_on_sc=False,
                                             needs_layout_passes=False),
        scratch_types=[
            pltpu.VMEM((EPW,), jnp.int32),
            pltpu.VMEM((EPW,), jnp.int32),
            pltpu.VMEM((V_PAD * Y_DIM,), jnp.float32),
            pltpu.VMEM((FCAP, Y_DIM), jnp.float32),
            pltpu.VMEM((FCAP,), jnp.int32),
            pltpu.VMEM((128, Y_DIM), jnp.float32),
            pltpu.VMEM_SHARED((ACC_ROWS, Y_DIM), jnp.float32),
            pltpu.SemaphoreType.DMA,
            pltpu.SemaphoreType.DMA,
        ],
    )


def _head_body(acc_ref, w3_ref, b3_ref, w4_ref, b4_ref, out_ref):
    s = acc_ref[0, :NUM_SEG] + acc_ref[1, :NUM_SEG]
    h = jnp.dot(_bf(s), _bf(w3_ref[...]),
                preferred_element_type=jnp.float32)
    h = jnp.maximum(h + b3_ref[...], 0.0)
    out_ref[...] = (
        jnp.sum(_bf(h).astype(jnp.float32) * _bf(w4_ref[...]).astype(jnp.float32),
                axis=1, keepdims=True) + b4_ref[...]
    )


def _head(acc, W3, b3, W4, b4):
    return pl.pallas_call(
        _head_body,
        out_shape=jax.ShapeDtypeStruct((NUM_SEG, 1), jnp.float32),
    )(acc, W3, b3.reshape(1, Y_DIM), W4.reshape(1, Y_DIM), b4.reshape(1, 1))


def kernel(x, batch, emb_table, W1, b1, W2, b2, W3, b3, W4, b4):
    emb_pad = jnp.pad(emb_table, ((0, V_PAD - V_ROWS), (0, 0)))
    table2 = _make_table2(emb_pad, W1, b1, W2, b2)

    xp = jnp.pad(x.astype(jnp.int32), (0, N_PAD - N_ELEM))
    bp = jnp.pad(batch.astype(jnp.int32), (0, N_PAD - N_ELEM),
                 constant_values=NUM_SEG)

    acc = _seg_call()(xp, bp, table2.reshape(-1))
    return _head(acc, W3, b3, W4, b4)

# --- scband reference (transcript-rebuilt; emitter-appended) ---
"""Pipeline reference for scband-set-model-49563922596321 (READ-ONLY COPY).

The authoritative reference and input builder live on the scoring server;
editing this copy changes nothing except your own understanding.
"""

import jax, jax.numpy as jnp
import numpy as np

NUM_SEGMENTS = 10000
N = 320000
X_DIM = 128
Y_DIM = 64
VOCAB = 100

def setup_inputs(seed: int = 0) -> dict:
    key = jax.random.key(seed)
    ks = jax.random.split(key, 12)
    x = jax.random.randint(ks[0], (N,), 0, VOCAB, dtype=jnp.int64) if jax.config.jax_enable_x64 else jax.random.randint(ks[0], (N,), 0, VOCAB, dtype=jnp.int32)
    batch = jnp.sort(jax.random.randint(ks[1], (N,), 0, NUM_SEGMENTS, dtype=jnp.int32))
    s = 0.05
    emb_table = jax.random.normal(ks[2], (VOCAB, X_DIM), dtype=jnp.float32) * s
    W1 = jax.random.normal(ks[3], (X_DIM, X_DIM), dtype=jnp.float32) * s
    b1 = jnp.zeros((X_DIM,), dtype=jnp.float32)
    W2 = jax.random.normal(ks[4], (X_DIM, Y_DIM), dtype=jnp.float32) * s
    b2 = jnp.zeros((Y_DIM,), dtype=jnp.float32)
    W3 = jax.random.normal(ks[5], (Y_DIM, Y_DIM), dtype=jnp.float32) * s
    b3 = jnp.zeros((Y_DIM,), dtype=jnp.float32)
    W4 = jax.random.normal(ks[6], (Y_DIM, 1), dtype=jnp.float32) * s
    b4 = jnp.zeros((1,), dtype=jnp.float32)
    return {"x": x, "batch": batch, "emb_table": emb_table, "W1": W1, "b1": b1, "W2": W2, "b2": b2, "W3": W3, "b3": b3, "W4": W4, "b4": b4}

def reference(x, batch, emb_table, W1, b1, W2, b2, W3, b3, W4, b4):
    # emb lookup
    h = jnp.take(emb_table, x, axis=0)
    # lin: Linear -> ReLU -> Linear
    h = jax.nn.relu(h @ W1 + b1)
    h = h @ W2 + b2
    # scatter_add over segments
    out = jax.ops.segment_sum(h, batch, num_segments=NUM_SEGMENTS)
    # lin_out: Linear -> ReLU -> Linear
    out = jax.nn.relu(out @ W3 + b3)
    out = out @ W4 + b4
    return out

if __name__ == "__main__":
    import jax
    _d = setup_inputs()
    print(jax.jit(kernel)(*tuple(_d.values())))

</pallas_src>

<mosaic_0001>
#map = affine_map<(d0, d1) -> (0)>
#map1 = affine_map<(d0, d1) -> (0, 0, 0)>
module attributes {stable_mosaic.version = 14 : i64} {
  func.func @_seg_body(%arg0: i32, %arg1: i32, %arg2: memref<327680xi32, #tpu.memory_space<hbm>>, %arg3: memref<327680xi32, #tpu.memory_space<hbm>>, %arg4: memref<8192xf32, #tpu.memory_space<hbm>>, %arg5: memref<2x10240x64xf32, #tpu.memory_space<hbm>>, %arg6: memref<10240xi32, #tpu.memory_space<vmem>>, %arg7: memref<10240xi32, #tpu.memory_space<vmem>>, %arg8: memref<8192xf32, #tpu.memory_space<vmem>>, %arg9: memref<256x64xf32, #tpu.memory_space<vmem>>, %arg10: memref<256xi32, #tpu.memory_space<vmem>>, %arg11: memref<128x64xf32, #tpu.memory_space<vmem>>, %arg12: memref<10240x64xf32, #tpu.memory_space<vmem_shared>>, %arg13: memref<!tpu.dma_semaphore, #tpu.memory_space<semaphore_mem>>, %arg14: memref<!tpu.dma_semaphore, #tpu.memory_space<semaphore_mem>>) attributes {dimension_semantics = [#tpu.dimension_semantics<core_parallel>, #tpu.dimension_semantics<subcore_parallel>], iteration_bounds = array<i64: 2, 16>, scalar_prefetch = 0 : i64, scratch_operands = 9 : i64, tpu.core_type = #tpu.core_type<sc_vector_subcore>, window_params = [{transform_indices = #map}, {transform_indices = #map}, {transform_indices = #map}, {transform_indices = #map1}]} {
    %mul3A = arith.constant 2 : i32
    %mul3A_0 = arith.muli %arg1, %mul3A : i32
    %add3A = arith.addi %mul3A_0, %arg0 : i32
    tpu.enqueue_dma source(%arg4 : memref<8192xf32, #tpu.memory_space<hbm>>) target(%arg8 : memref<8192xf32, #tpu.memory_space<vmem>>) target_semaphore(%arg13 : memref<!tpu.dma_semaphore, #tpu.memory_space<semaphore_mem>>)
    %mul3A_1 = arith.constant 10240 : i32
    %mul3A_2 = arith.muli %add3A, %mul3A_1 : i32
    %dma_start3A = tpu.memref_slice %arg2[%mul3A_2] : memref<327680xi32, #tpu.memory_space<hbm>> -> memref<10240xi32, #tpu.memory_space<hbm>>
    %dma_start3A_3 = tpu.memref_slice %arg2[%mul3A_2] : memref<327680xi32, #tpu.memory_space<hbm>> -> memref<10240xi32, #tpu.memory_space<hbm>>
    tpu.enqueue_dma source(%dma_start3A_3 : memref<10240xi32, #tpu.memory_space<hbm>>) target(%arg6 : memref<10240xi32, #tpu.memory_space<vmem>>) target_semaphore(%arg13 : memref<!tpu.dma_semaphore, #tpu.memory_space<semaphore_mem>>)
    %mul3A_4 = arith.constant 10240 : i32
    %mul3A_5 = arith.muli %add3A, %mul3A_4 : i32
    %dma_start3A_6 = tpu.memref_slice %arg3[%mul3A_5] : memref<327680xi32, #tpu.memory_space<hbm>> -> memref<10240xi32, #tpu.memory_space<hbm>>
    %dma_start3A_7 = tpu.memref_slice %arg3[%mul3A_5] : memref<327680xi32, #tpu.memory_space<hbm>> -> memref<10240xi32, #tpu.memory_space<hbm>>
    tpu.enqueue_dma source(%dma_start3A_7 : memref<10240xi32, #tpu.memory_space<hbm>>) target(%arg7 : memref<10240xi32, #tpu.memory_space<vmem>>) target_semaphore(%arg13 : memref<!tpu.dma_semaphore, #tpu.memory_space<semaphore_mem>>)
    %scan3A = arith.constant 0 : i32
    %scan3A_8 = arith.constant 128 : i32
    %scan3A_9 = arith.addi %scan3A, %scan3A_8 : i32
    %scan3A_10 = arith.constant 1 : i32
    scf.for %scan3A_251 = %scan3A to %scan3A_9 step %scan3A_10  : i32 {
      %mul3A_252 = arith.constant 1 : i32
      %mul3A_253 = arith.muli %scan3A_251, %mul3A_252 : i32
      %add3A_254 = arith.constant 0 : i32
      %add3A_255 = arith.addi %add3A_254, %mul3A_253 : i32
      %broadcast_in_dim3A_256 = arith.constant 0.000000e+00 : f32
      %broadcast_in_dim3A_257 = vector.broadcast %broadcast_in_dim3A_256 : f32 to vector<16xf32>
      %swap3A_258 = arith.index_cast %add3A_255 : i32 to index
      %swap3A_259 = arith.constant 0 : index
      %swap3A_260 = tpu.vector_load %arg11[%swap3A_258, %swap3A_259] {strides = array<i32>} : memref<128x64xf32, #tpu.memory_space<vmem>>, vector<16xf32>,
      tpu.vector_store %arg11[%swap3A_258, %swap3A_259], %broadcast_in_dim3A_257 {strides = array<i32>} : memref<128x64xf32, #tpu.memory_space<vmem>>, vector<16xf32>,
      %broadcast_in_dim3A_261 = arith.constant 0.000000e+00 : f32
      %broadcast_in_dim3A_262 = vector.broadcast %broadcast_in_dim3A_261 : f32 to vector<16xf32>
      %swap3A_263 = arith.index_cast %add3A_255 : i32 to index
      %swap3A_264 = arith.constant 16 : index
      %swap3A_265 = tpu.vector_load %arg11[%swap3A_263, %swap3A_264] {strides = array<i32>} : memref<128x64xf32, #tpu.memory_space<vmem>>, vector<16xf32>,
      tpu.vector_store %arg11[%swap3A_263, %swap3A_264], %broadcast_in_dim3A_262 {strides = array<i32>} : memref<128x64xf32, #tpu.memory_space<vmem>>, vector<16xf32>,
      %broadcast_in_dim3A_266 = arith.constant 0.000000e+00 : f32
      %broadcast_in_dim3A_267 = vector.broadcast %broadcast_in_dim3A_266 : f32 to vector<16xf32>
      %swap3A_268 = arith.index_cast %add3A_255 : i32 to index
      %swap3A_269 = arith.constant 32 : index
      %swap3A_270 = tpu.vector_load %arg11[%swap3A_268, %swap3A_269] {strides = array<i32>} : memref<128x64xf32, #tpu.memory_space<vmem>>, vector<16xf32>,
      tpu.vector_store %arg11[%swap3A_268, %swap3A_269], %broadcast_in_dim3A_267 {strides = array<i32>} : memref<128x64xf32, #tpu.memory_space<vmem>>, vector<16xf32>,
      %broadcast_in_dim3A_271 = arith.constant 0.000000e+00 : f32
      %broadcast_in_dim3A_272 = vector.broadcast %broadcast_in_dim3A_271 : f32 to vector<16xf32>
      %swap3A_273 = arith.index_cast %add3A_255 : i32 to index
      %swap3A_274 = arith.constant 48 : index
      %swap3A_275 = tpu.vector_load %arg11[%swap3A_273, %swap3A_274] {strides = array<i32>} : memref<128x64xf32, #tpu.memory_space<vmem>>, vector<16xf32>,
      tpu.vector_store %arg11[%swap3A_273, %swap3A_274], %broadcast_in_dim3A_272 {strides = array<i32>} : memref<128x64xf32, #tpu.memory_space<vmem>>, vector<16xf32>,
    }
    %scan3A_11 = arith.constant 128 : i32
    %mul3A_12 = arith.constant 640 : i32
    %mul3A_13 = arith.muli %arg1, %mul3A_12 : i32
    %add3A_14 = arith.constant 0 : i32
    %add3A_15 = arith.addi %mul3A_13, %add3A_14 : i32
    %dma_start3A_16 = arith.constant 0 : i32
    %dma_start3A_17 = tpu.memref_slice %arg12[%add3A_15, %dma_start3A_16] : memref<10240x64xf32, #tpu.memory_space<vmem_shared>> -> memref<128x64xf32, #tpu.memory_space<vmem_shared>>
    %dma_start3A_18 = arith.constant 0 : i32
    %dma_start3A_19 = tpu.memref_slice %arg12[%add3A_15, %dma_start3A_18] : memref<10240x64xf32, #tpu.memory_space<vmem_shared>> -> memref<128x64xf32, #tpu.memory_space<vmem_shared>>
    tpu.enqueue_dma source(%arg11 : memref<128x64xf32, #tpu.memory_space<vmem>>) target(%dma_start3A_19 : memref<128x64xf32, #tpu.memory_space<vmem_shared>>) target_semaphore(%arg14 : memref<!tpu.dma_semaphore, #tpu.memory_space<semaphore_mem>>)
    %mul3A_20 = arith.constant 640 : i32
    %mul3A_21 = arith.muli %arg1, %mul3A_20 : i32
    %add3A_22 = arith.constant 128 : i32
    %add3A_23 = arith.addi %mul3A_21, %add3A_22 : i32
    %dma_start3A_24 = arith.constant 0 : i32
    %dma_start3A_25 = tpu.memref_slice %arg12[%add3A_23, %dma_start3A_24] : memref<10240x64xf32, #tpu.memory_space<vmem_shared>> -> memref<128x64xf32, #tpu.memory_space<vmem_shared>>
    %dma_start3A_26 = arith.constant 0 : i32
    %dma_start3A_27 = tpu.memref_slice %arg12[%add3A_23, %dma_start3A_26] : memref<10240x64xf32, #tpu.memory_space<vmem_shared>> -> memref<128x64xf32, #tpu.memory_space<vmem_shared>>
    tpu.enqueue_dma source(%arg11 : memref<128x64xf32, #tpu.memory_space<vmem>>) target(%dma_start3A_27 : memref<128x64xf32, #tpu.memory_space<vmem_shared>>) target_semaphore(%arg14 : memref<!tpu.dma_semaphore, #tpu.memory_space<semaphore_mem>>)
    %mul3A_28 = arith.constant 640 : i32
    %mul3A_29 = arith.muli %arg1, %mul3A_28 : i32
    %add3A_30 = arith.constant 256 : i32
    %add3A_31 = arith.addi %mul3A_29, %add3A_30 : i32
    %dma_start3A_32 = arith.constant 0 : i32
    %dma_start3A_33 = tpu.memref_slice %arg12[%add3A_31, %dma_start3A_32] : memref<10240x64xf32, #tpu.memory_space<vmem_shared>> -> memref<128x64xf32, #tpu.memory_space<vmem_shared>>
    %dma_start3A_34 = arith.constant 0 : i32
    %dma_start3A_35 = tpu.memref_slice %arg12[%add3A_31, %dma_start3A_34] : memref<10240x64xf32, #tpu.memory_space<vmem_shared>> -> memref<128x64xf32, #tpu.memory_space<vmem_shared>>
    tpu.enqueue_dma source(%arg11 : memref<128x64xf32, #tpu.memory_space<vmem>>) target(%dma_start3A_35 : memref<128x64xf32, #tpu.memory_space<vmem_shared>>) target_semaphore(%arg14 : memref<!tpu.dma_semaphore, #tpu.memory_space<semaphore_mem>>)
    %mul3A_36 = arith.constant 640 : i32
    %mul3A_37 = arith.muli %arg1, %mul3A_36 : i32
    %add3A_38 = arith.constant 384 : i32
    %add3A_39 = arith.addi %mul3A_37, %add3A_38 : i32
    %dma_start3A_40 = arith.constant 0 : i32
    %dma_start3A_41 = tpu.memref_slice %arg12[%add3A_39, %dma_start3A_40] : memref<10240x64xf32, #tpu.memory_space<vmem_shared>> -> memref<128x64xf32, #tpu.memory_space<vmem_shared>>
    %dma_start3A_42 = arith.constant 0 : i32
    %dma_start3A_43 = tpu.memref_slice %arg12[%add3A_39, %dma_start3A_42] : memref<10240x64xf32, #tpu.memory_space<vmem_shared>> -> memref<128x64xf32, #tpu.memory_space<vmem_shared>>
    tpu.enqueue_dma source(%arg11 : memref<128x64xf32, #tpu.memory_space<vmem>>) target(%dma_start3A_43 : memref<128x64xf32, #tpu.memory_space<vmem_shared>>) target_semaphore(%arg14 : memref<!tpu.dma_semaphore, #tpu.memory_space<semaphore_mem>>)
    %mul3A_44 = arith.constant 640 : i32
    %mul3A_45 = arith.muli %arg1, %mul3A_44 : i32
    %add3A_46 = arith.constant 512 : i32
    %add3A_47 = arith.addi %mul3A_45, %add3A_46 : i32
    %dma_start3A_48 = arith.constant 0 : i32
    %dma_start3A_49 = tpu.memref_slice %arg12[%add3A_47, %dma_start3A_48] : memref<10240x64xf32, #tpu.memory_space<vmem_shared>> -> memref<128x64xf32, #tpu.memory_space<vmem_shared>>
    %dma_start3A_50 = arith.constant 0 : i32
    %dma_start3A_51 = tpu.memref_slice %arg12[%add3A_47, %dma_start3A_50] : memref<10240x64xf32, #tpu.memory_space<vmem_shared>> -> memref<128x64xf32, #tpu.memory_space<vmem_shared>>
    tpu.enqueue_dma source(%arg11 : memref<128x64xf32, #tpu.memory_space<vmem>>) target(%dma_start3A_51 : memref<128x64xf32, #tpu.memory_space<vmem_shared>>) target_semaphore(%arg14 : memref<!tpu.dma_semaphore, #tpu.memory_space<semaphore_mem>>)
    %mul3A_52 = arith.constant 640 : i32
    %mul3A_53 = arith.muli %arg1, %mul3A_52 : i32
    %add3A_54 = arith.constant 0 : i32
    %add3A_55 = arith.addi %mul3A_53, %add3A_54 : i32
    %dma_wait3A = arith.constant 0 : i32
    %dma_wait3A_56 = tpu.memref_slice %arg12[%add3A_55, %dma_wait3A] : memref<10240x64xf32, #tpu.memory_space<vmem_shared>> -> memref<128x64xf32, #tpu.memory_space<vmem_shared>>
    %dma_wait3A_57 = arith.constant 0 : i32
    %dma_wait3A_58 = tpu.memref_slice %arg12[%add3A_55, %dma_wait3A_57] : memref<10240x64xf32, #tpu.memory_space<vmem_shared>> -> memref<128x64xf32, #tpu.memory_space<vmem_shared>>
    tpu.wait_dma2 semaphore(%arg14 : memref<!tpu.dma_semaphore, #tpu.memory_space<semaphore_mem>>) src(%arg11 : memref<128x64xf32, #tpu.memory_space<vmem>>) dst(%dma_wait3A_58 : memref<128x64xf32, #tpu.memory_space<vmem_shared>>)
    %mul3A_59 = arith.constant 640 : i32
    %mul3A_60 = arith.muli %arg1, %mul3A_59 : i32
    %add3A_61 = arith.constant 128 : i32
    %add3A_62 = arith.addi %mul3A_60, %add3A_61 : i32
    %dma_wait3A_63 = arith.constant 0 : i32
    %dma_wait3A_64 = tpu.memref_slice %arg12[%add3A_62, %dma_wait3A_63] : memref<10240x64xf32, #tpu.memory_space<vmem_shared>> -> memref<128x64xf32, #tpu.memory_space<vmem_shared>>
    %dma_wait3A_65 = arith.constant 0 : i32
    %dma_wait3A_66 = tpu.memref_slice %arg12[%add3A_62, %dma_wait3A_65] : memref<10240x64xf32, #tpu.memory_space<vmem_shared>> -> memref<128x64xf32, #tpu.memory_space<vmem_shared>>
    tpu.wait_dma2 semaphore(%arg14 : memref<!tpu.dma_semaphore, #tpu.memory_space<semaphore_mem>>) src(%arg11 : memref<128x64xf32, #tpu.memory_space<vmem>>) dst(%dma_wait3A_66 : memref<128x64xf32, #tpu.memory_space<vmem_shared>>)
    %mul3A_67 = arith.constant 640 : i32
    %mul3A_68 = arith.muli %arg1, %mul3A_67 : i32
    %add3A_69 = arith.constant 256 : i32
    %add3A_70 = arith.addi %mul3A_68, %add3A_69 : i32
    %dma_wait3A_71 = arith.constant 0 : i32
    %dma_wait3A_72 = tpu.memref_slice %arg12[%add3A_70, %dma_wait3A_71] : memref<10240x64xf32, #tpu.memory_space<vmem_shared>> -> memref<128x64xf32, #tpu.memory_space<vmem_shared>>
    %dma_wait3A_73 = arith.constant 0 : i32
    %dma_wait3A_74 = tpu.memref_slice %arg12[%add3A_70, %dma_wait3A_73] : memref<10240x64xf32, #tpu.memory_space<vmem_shared>> -> memref<128x64xf32, #tpu.memory_space<vmem_shared>>
    tpu.wait_dma2 semaphore(%arg14 : memref<!tpu.dma_semaphore, #tpu.memory_space<semaphore_mem>>) src(%arg11 : memref<128x64xf32, #tpu.memory_space<vmem>>) dst(%dma_wait3A_74 : memref<128x64xf32, #tpu.memory_space<vmem_shared>>)
    %mul3A_75 = arith.constant 640 : i32
    %mul3A_76 = arith.muli %arg1, %mul3A_75 : i32
    %add3A_77 = arith.constant 384 : i32
    %add3A_78 = arith.addi %mul3A_76, %add3A_77 : i32
    %dma_wait3A_79 = arith.constant 0 : i32
    %dma_wait3A_80 = tpu.memref_slice %arg12[%add3A_78, %dma_wait3A_79] : memref<10240x64xf32, #tpu.memory_space<vmem_shared>> -> memref<128x64xf32, #tpu.memory_space<vmem_shared>>
    %dma_wait3A_81 = arith.constant 0 : i32
    %dma_wait3A_82 = tpu.memref_slice %arg12[%add3A_78, %dma_wait3A_81] : memref<10240x64xf32, #tpu.memory_space<vmem_shared>> -> memref<128x64xf32, #tpu.memory_space<vmem_shared>>
    tpu.wait_dma2 semaphore(%arg14 : memref<!tpu.dma_semaphore, #tpu.memory_space<semaphore_mem>>) src(%arg11 : memref<128x64xf32, #tpu.memory_space<vmem>>) dst(%dma_wait3A_82 : memref<128x64xf32, #tpu.memory_space<vmem_shared>>)
    %mul3A_83 = arith.constant 640 : i32
    %mul3A_84 = arith.muli %arg1, %mul3A_83 : i32
    %add3A_85 = arith.constant 512 : i32
    %add3A_86 = arith.addi %mul3A_84, %add3A_85 : i32
    %dma_wait3A_87 = arith.constant 0 : i32
    %dma_wait3A_88 = tpu.memref_slice %arg12[%add3A_86, %dma_wait3A_87] : memref<10240x64xf32, #tpu.memory_space<vmem_shared>> -> memref<128x64xf32, #tpu.memory_space<vmem_shared>>
    %dma_wait3A_89 = arith.constant 0 : i32
    %dma_wait3A_90 = tpu.memref_slice %arg12[%add3A_86, %dma_wait3A_89] : memref<10240x64xf32, #tpu.memory_space<vmem_shared>> -> memref<128x64xf32, #tpu.memory_space<vmem_shared>>
    tpu.wait_dma2 semaphore(%arg14 : memref<!tpu.dma_semaphore, #tpu.memory_space<semaphore_mem>>) src(%arg11 : memref<128x64xf32, #tpu.memory_space<vmem>>) dst(%dma_wait3A_90 : memref<128x64xf32, #tpu.memory_space<vmem_shared>>)
    tpu.wait_dma2 semaphore(%arg13 : memref<!tpu.dma_semaphore, #tpu.memory_space<semaphore_mem>>) src(%arg4 : memref<8192xf32, #tpu.memory_space<hbm>>) dst(%arg8 : memref<8192xf32, #tpu.memory_space<vmem>>)
    %dma_wait3A_91 = tpu.memref_slice %arg2[%mul3A_2] : memref<327680xi32, #tpu.memory_space<hbm>> -> memref<10240xi32, #tpu.memory_space<hbm>>
    %dma_wait3A_92 = tpu.memref_slice %arg2[%mul3A_2] : memref<327680xi32, #tpu.memory_space<hbm>> -> memref<10240xi32, #tpu.memory_space<hbm>>
    tpu.wait_dma2 semaphore(%arg13 : memref<!tpu.dma_semaphore, #tpu.memory_space<semaphore_mem>>) src(%dma_wait3A_92 : memref<10240xi32, #tpu.memory_space<hbm>>) dst(%arg6 : memref<10240xi32, #tpu.memory_space<vmem>>)
    %dma_wait3A_93 = tpu.memref_slice %arg3[%mul3A_5] : memref<327680xi32, #tpu.memory_space<hbm>> -> memref<10240xi32, #tpu.memory_space<hbm>>
    %dma_wait3A_94 = tpu.memref_slice %arg3[%mul3A_5] : memref<327680xi32, #tpu.memory_space<hbm>> -> memref<10240xi32, #tpu.memory_space<hbm>>
    tpu.wait_dma2 semaphore(%arg13 : memref<!tpu.dma_semaphore, #tpu.memory_space<semaphore_mem>>) src(%dma_wait3A_94 : memref<10240xi32, #tpu.memory_space<hbm>>) dst(%arg7 : memref<10240xi32, #tpu.memory_space<vmem>>)
    %barrier3A = arith.constant 0 : index
    tpu.barrier barrier_id(%barrier3A)
    %broadcast_in_dim3A = arith.constant 0.000000e+00 : f32
    %broadcast_in_dim3A_95 = vector.broadcast %broadcast_in_dim3A : f32 to vector<16xf32>
    %iota3A = tpu.iota {dimensions = array<i32: 0>} : vector<16xi32>
    %broadcast_in_dim3A_96 = arith.constant 0 : i32
    %broadcast_in_dim3A_97 = vector.broadcast %broadcast_in_dim3A_96 : i32 to vector<16xi32>
    %scan3A_98 = arith.constant 10239 : i32
    %scan3A_99 = arith.constant 0 : i32
    %scan3A_100 = arith.constant 0 : i32
    %scan3A_101 = arith.constant 0 : i32
    %scan3A_102 = arith.constant 80 : i32
    %scan3A_103 = arith.addi %scan3A_101, %scan3A_102 : i32
    %scan3A_104 = arith.constant 1 : i32
    %scan3A_105:8 = scf.for %scan3A_251 = %scan3A_101 to %scan3A_103 step %scan3A_104 iter_args(%scan3A_252 = %scan3A_98, %scan3A_253 = %scan3A_99, %scan3A_254 = %scan3A_100, %scan3A_255 = %broadcast_in_dim3A_97, %scan3A_256 = %broadcast_in_dim3A_95, %scan3A_257 = %broadcast_in_dim3A_95, %scan3A_258 = %broadcast_in_dim3A_95, %scan3A_259 = %broadcast_in_dim3A_95) -> (i32, i32, i32, vector<16xi32>, vector<16xf32>, vector<16xf32>, vector<16xf32>, vector<16xf32>)  : i32 {
      %scan3A_260 = arith.constant 0 : i32
      %scan3A_261 = arith.constant 8 : i32
      %scan3A_262 = arith.addi %scan3A_260, %scan3A_261 : i32
      %scan3A_263 = arith.constant 1 : i32
      %scan3A_264:7 = scf.for %scan3A_338 = %scan3A_260 to %scan3A_262 step %scan3A_263 iter_args(%scan3A_339 = %scan3A_252, %scan3A_340 = %scan3A_253, %scan3A_341 = %scan3A_255, %scan3A_342 = %scan3A_256, %scan3A_343 = %scan3A_257, %scan3A_344 = %scan3A_258, %scan3A_345 = %scan3A_259) -> (i32, i32, vector<16xi32>, vector<16xf32>, vector<16xf32>, vector<16xf32>, vector<16xf32>)  : i32 {
        %mul3A_346 = arith.constant 8 : i32
        %mul3A_347 = arith.muli %scan3A_251, %mul3A_346 : i32
        %add3A_348 = arith.addi %mul3A_347, %scan3A_338 : i32
        %mul3A_349 = arith.constant 16 : i32
        %mul3A_350 = arith.muli %add3A_348, %mul3A_349 : i32
        %get3A = arith.index_cast %mul3A_350 : i32 to index
        %get3A_351 = tpu.vector_load %arg6[%get3A] {strides = array<i32>} : memref<10240xi32, #tpu.memory_space<vmem>>, vector<16xi32>,
        %get3A_352 = arith.index_cast %mul3A_350 : i32 to index
        %get3A_353 = tpu.vector_load %arg7[%get3A_352] {strides = array<i32>} : memref<10240xi32, #tpu.memory_space<vmem>>, vector<16xi32>,
        %slice3A = vector.extract_strided_slice %get3A_351 {offsets = [0], sizes = [1], strides = [1]} : vector<16xi32> to vector<1xi32>
        %squeeze3A = vector.extract %slice3A[0] : i32 from vector<1xi32>
        %slice3A_354 = vector.extract_strided_slice %get3A_353 {offsets = [0], sizes = [1], strides = [1]} : vector<16xi32> to vector<1xi32>
        %squeeze3A_355 = vector.extract %slice3A_354[0] : i32 from vector<1xi32>
        %ne3A_356 = arith.cmpi ne, %squeeze3A_355, %scan3A_339 : i32
        %jit3A_357 = arith.constant 256 : i32
        %eq3A_358 = arith.constant 0 : i32
        %eq3A_359 = arith.cmpi eq, %jit3A_357, %eq3A_358 : i32
        %jit3A_360 = arith.constant 1 : i32
        %select_n3A_361 = arith.select %eq3A_359, %jit3A_360, %jit3A_357 : i32
        %rem3A_362 = arith.remsi %scan3A_340, %select_n3A_361 : i32
        %ne3A_363 = arith.constant 0 : i32
        %ne3A_364 = arith.cmpi ne, %rem3A_362, %ne3A_363 : i32
        %lt3A_365 = arith.constant 0 : i32
        %lt3A_366 = arith.cmpi slt, %rem3A_362, %lt3A_365 : i32
        %lt3A_367 = arith.constant 0 : i32
        %lt3A_368 = arith.cmpi slt, %select_n3A_361, %lt3A_367 : i32
        %ne3A_369 = arith.xori %lt3A_366, %lt3A_368 : i1
        %and3A_370 = arith.andi %ne3A_369, %ne3A_364 : i1
        %add3A_371 = arith.addi %rem3A_362, %select_n3A_361 : i32
        %select_n3A_372 = arith.select %and3A_370, %add3A_371, %rem3A_362 : i32
        %jit3A_373 = arith.constant 16 : i32
        %eq3A_374 = arith.constant 0 : i32
        %eq3A_375 = arith.cmpi eq, %jit3A_373, %eq3A_374 : i32
        %jit3A_376 = arith.constant 1 : i32
        %select_n3A_377 = arith.select %eq3A_375, %jit3A_376, %jit3A_373 : i32
        %rem3A_378 = arith.remsi %select_n3A_372, %select_n3A_377 : i32
        %ne3A_379 = arith.constant 0 : i32
        %ne3A_380 = arith.cmpi ne, %rem3A_378, %ne3A_379 : i32
        %lt3A_381 = arith.constant 0 : i32
        %lt3A_382 = arith.cmpi slt, %rem3A_378, %lt3A_381 : i32
        %lt3A_383 = arith.constant 0 : i32
        %lt3A_384 = arith.cmpi slt, %select_n3A_377, %lt3A_383 : i32
        %ne3A_385 = arith.xori %lt3A_382, %lt3A_384 : i1
        %and3A_386 = arith.andi %ne3A_385, %ne3A_380 : i1
        %add3A_387 = arith.addi %rem3A_378, %select_n3A_377 : i32
        %select_n3A_388 = arith.select %and3A_386, %add3A_387, %rem3A_378 : i32
        %eq3A_389 = vector.broadcast %select_n3A_388 : i32 to vector<16xi32>
        %eq3A_390 = arith.cmpi eq, %iota3A, %eq3A_389 : vector<16xi32>
        %broadcast_in_dim3A_391 = vector.broadcast %scan3A_339 : i32 to vector<16xi32>
        %select_n3A_392 = arith.select %eq3A_390, %broadcast_in_dim3A_391, %scan3A_341 : vector<16xi1>, vector<16xi32>
        %convert_element_type3A_393 = arith.extui %ne3A_356 : i1 to i32
        %cond3A_394 = arith.constant 0 : i32
        %cond3A_395 = arith.cmpi ne, %convert_element_type3A_393, %cond3A_394 : i32
        scf.if %cond3A_395 {
          %broadcast_in_dim3A_1488 = vector.broadcast %select_n3A_372 : i32 to vector<16xi32>
          tpu.vector_store_idx %arg9[%broadcast_in_dim3A_1488, %iota3A], %scan3A_342 : memref<256x64xf32, #tpu.memory_space<vmem>>[vector<16xi32>, vector<16xi32>], vector<16xf32>,
          %add3A_1489 = arith.constant 16 : i32
          %add3A_1490 = vector.broadcast %add3A_1489 : i32 to vector<16xi32>
          %add3A_1491 = arith.addi %iota3A, %add3A_1490 : vector<16xi32>
          tpu.vector_store_idx %arg9[%broadcast_in_dim3A_1488, %add3A_1491], %scan3A_343 : memref<256x64xf32, #tpu.memory_space<vmem>>[vector<16xi32>, vector<16xi32>], vector<16xf32>,
          %add3A_1492 = arith.constant 32 : i32
          %add3A_1493 = vector.broadcast %add3A_1492 : i32 to vector<16xi32>
          %add3A_1494 = arith.addi %iota3A, %add3A_1493 : vector<16xi32>
          tpu.vector_store_idx %arg9[%broadcast_in_dim3A_1488, %add3A_1494], %scan3A_344 : memref<256x64xf32, #tpu.memory_space<vmem>>[vector<16xi32>, vector<16xi32>], vector<16xf32>,
          %add3A_1495 = arith.constant 48 : i32
          %add3A_1496 = vector.broadcast %add3A_1495 : i32 to vector<16xi32>
          %add3A_1497 = arith.addi %iota3A, %add3A_1496 : vector<16xi32>
          tpu.vector_store_idx %arg9[%broadcast_in_dim3A_1488, %add3A_1497], %scan3A_345 : memref<256x64xf32, #tpu.memory_space<vmem>>[vector<16xi32>, vector<16xi32>], vector<16xf32>,
          %jit3A_1498 = arith.constant 16 : i32
          %div3A_1499 = arith.divsi %select_n3A_372, %jit3A_1498 : i32
          %sign3A_1500 = arith.constant 0 : i32
          %sign3A_1501 = arith.cmpi sgt, %select_n3A_372, %sign3A_1500 : i32
          %sign3A_1502 = arith.extui %sign3A_1501 : i1 to i32
          %sign3A_1503 = arith.constant 0 : i32
          %sign3A_1504 = arith.cmpi slt, %select_n3A_372, %sign3A_1503 : i32
          %sign3A_1505 = arith.extui %sign3A_1504 : i1 to i32
          %sign3A_1506 = arith.subi %sign3A_1502, %sign3A_1505 : i32
          %sign3A_1507 = arith.constant 0 : i32
          %sign3A_1508 = arith.cmpi sgt, %jit3A_1498, %sign3A_1507 : i32
          %sign3A_1509 = arith.extui %sign3A_1508 : i1 to i32
          %sign3A_1510 = arith.constant 0 : i32
          %sign3A_1511 = arith.cmpi slt, %jit3A_1498, %sign3A_1510 : i32
          %sign3A_1512 = arith.extui %sign3A_1511 : i1 to i32
          %sign3A_1513 = arith.subi %sign3A_1509, %sign3A_1512 : i32
          %ne3A_1514 = arith.cmpi ne, %sign3A_1506, %sign3A_1513 : i32
          %rem3A_1515 = arith.remsi %select_n3A_372, %jit3A_1498 : i32
          %ne3A_1516 = arith.constant 0 : i32
          %ne3A_1517 = arith.cmpi ne, %rem3A_1515, %ne3A_1516 : i32
          %and3A_1518 = arith.andi %ne3A_1514, %ne3A_1517 : i1
          %sub3A_1519 = arith.constant 1 : i32
          %sub3A_1520 = arith.subi %div3A_1499, %sub3A_1519 : i32
          %select_n3A_1521 = arith.select %and3A_1518, %sub3A_1520, %div3A_1499 : i32
          %mul3A_1522 = arith.constant 16 : i32
          %mul3A_1523 = arith.muli %select_n3A_1521, %mul3A_1522 : i32
          %multiple_of3A_1524 = tpu.assume_multiple %mul3A_1523, 16 : i32
          %swap3A_1525 = arith.index_cast %multiple_of3A_1524 : i32 to index
          %swap3A_1526 = tpu.vector_load %arg10[%swap3A_1525] {strides = array<i32>} : memref<256xi32, #tpu.memory_space<vmem>>, vector<16xi32>,
          tpu.vector_store %arg10[%swap3A_1525], %select_n3A_392 {strides = array<i32>} : memref<256xi32, #tpu.memory_space<vmem>>, vector<16xi32>,
        } else {
        }
        %select_n3A_396 = arith.select %ne3A_356, %select_n3A_392, %scan3A_341 : vector<16xi32>
        %convert_element_type3A_397 = arith.extui %ne3A_356 : i1 to i32
        %add3A_398 = arith.addi %scan3A_340, %convert_element_type3A_397 : i32
        %mul3A_399 = arith.constant 64 : i32
        %mul3A_400 = arith.muli %squeeze3A, %mul3A_399 : i32
        %get3A_401 = arith.index_cast %mul3A_400 : i32 to index
        %get3A_402 = tpu.vector_load %arg8[%get3A_401] {strides = array<i32>} : memref<8192xf32, #tpu.memory_space<vmem>>, vector<16xf32>,
        %add3A_403 = arith.constant 16 : i32
        %add3A_404 = arith.addi %mul3A_400, %add3A_403 : i32
        %get3A_405 = arith.index_cast %add3A_404 : i32 to index
        %get3A_406 = tpu.vector_load %arg8[%get3A_405] {strides = array<i32>} : memref<8192xf32, #tpu.memory_space<vmem>>, vector<16xf32>,
        %add3A_407 = arith.constant 32 : i32
        %add3A_408 = arith.addi %mul3A_400, %add3A_407 : i32
        %get3A_409 = arith.index_cast %add3A_408 : i32 to index
        %get3A_410 = tpu.vector_load %arg8[%get3A_409] {strides = array<i32>} : memref<8192xf32, #tpu.memory_space<vmem>>, vector<16xf32>,
        %add3A_411 = arith.constant 48 : i32
        %add3A_412 = arith.addi %mul3A_400, %add3A_411 : i32
        %get3A_413 = arith.index_cast %add3A_412 : i32 to index
        %get3A_414 = tpu.vector_load %arg8[%get3A_413] {strides = array<i32>} : memref<8192xf32, #tpu.memory_space<vmem>>, vector<16xf32>,
        %select_n3A_415 = arith.select %ne3A_356, %broadcast_in_dim3A_95, %scan3A_342 : vector<16xf32>
        %add3A_416 = arith.addf %get3A_402, %select_n3A_415 : vector<16xf32>
        %select_n3A_417 = arith.select %ne3A_356, %broadcast_in_dim3A_95, %scan3A_343 : vector<16xf32>
        %add3A_418 = arith.addf %get3A_406, %select_n3A_417 : vector<16xf32>
        %select_n3A_419 = arith.select %ne3A_356, %broadcast_in_dim3A_95, %scan3A_344 : vector<16xf32>
        %add3A_420 = arith.addf %get3A_410, %select_n3A_419 : vector<16xf32>
        %select_n3A_421 = arith.select %ne3A_356, %broadcast_in_dim3A_95, %scan3A_345 : vector<16xf32>
        %add3A_422 = arith.addf %get3A_414, %select_n3A_421 : vector<16xf32>
        %slice3A_423 = vector.extract_strided_slice %get3A_351 {offsets = [1], sizes = [1], strides = [1]} : vector<16xi32> to vector<1xi32>
        %squeeze3A_424 = vector.extract %slice3A_423[0] : i32 from vector<1xi32>
        %slice3A_425 = vector.extract_strided_slice %get3A_353 {offsets = [1], sizes = [1], strides = [1]} : vector<16xi32> to vector<1xi32>
        %squeeze3A_426 = vector.extract %slice3A_425[0] : i32 from vector<1xi32>
        %ne3A_427 = arith.cmpi ne, %squeeze3A_426, %squeeze3A_355 : i32
        %jit3A_428 = arith.constant 256 : i32
        %eq3A_429 = arith.constant 0 : i32
        %eq3A_430 = arith.cmpi eq, %jit3A_428, %eq3A_429 : i32
        %jit3A_431 = arith.constant 1 : i32
        %select_n3A_432 = arith.select %eq3A_430, %jit3A_431, %jit3A_428 : i32
        %rem3A_433 = arith.remsi %add3A_398, %select_n3A_432 : i32
        %ne3A_434 = arith.constant 0 : i32
        %ne3A_435 = arith.cmpi ne, %rem3A_433, %ne3A_434 : i32
        %lt3A_436 = arith.constant 0 : i32
        %lt3A_437 = arith.cmpi slt, %rem3A_433, %lt3A_436 : i32
        %lt3A_438 = arith.constant 0 : i32
        %lt3A_439 = arith.cmpi slt, %select_n3A_432, %lt3A_438 : i32
        %ne3A_440 = arith.xori %lt3A_437, %lt3A_439 : i1
        %and3A_441 = arith.andi %ne3A_440, %ne3A_435 : i1
        %add3A_442 = arith.addi %rem3A_433, %select_n3A_432 : i32
        %select_n3A_443 = arith.select %and3A_441, %add3A_442, %rem3A_433 : i32
        %jit3A_444 = arith.constant 16 : i32
        %eq3A_445 = arith.constant 0 : i32
        %eq3A_446 = arith.cmpi eq, %jit3A_444, %eq3A_445 : i32
        %jit3A_447 = arith.constant 1 : i32
        %select_n3A_448 = arith.select %eq3A_446, %jit3A_447, %jit3A_444 : i32
        %rem3A_449 = arith.remsi %select_n3A_443, %select_n3A_448 : i32
        %ne3A_450 = arith.constant 0 : i32
        %ne3A_451 = arith.cmpi ne, %rem3A_449, %ne3A_450 : i32
        %lt3A_452 = arith.constant 0 : i32
        %lt3A_453 = arith.cmpi slt, %rem3A_449, %lt3A_452 : i32
        %lt3A_454 = arith.constant 0 : i32
        %lt3A_455 = arith.cmpi slt, %select_n3A_448, %lt3A_454 : i32
        %ne3A_456 = arith.xori %lt3A_453, %lt3A_455 : i1
        %and3A_457 = arith.andi %ne3A_456, %ne3A_451 : i1
        %add3A_458 = arith.addi %rem3A_449, %select_n3A_448 : i32
        %select_n3A_459 = arith.select %and3A_457, %add3A_458, %rem3A_449 : i32
        %eq3A_460 = vector.broadcast %select_n3A_459 : i32 to vector<16xi32>
        %eq3A_461 = arith.cmpi eq, %iota3A, %eq3A_460 : vector<16xi32>
        %broadcast_in_dim3A_462 = vector.broadcast %squeeze3A_355 : i32 to vector<16xi32>
        %select_n3A_463 = arith.select %eq3A_461, %broadcast_in_dim3A_462, %select_n3A_396 : vector<16xi1>, vector<16xi32>
        %convert_element_type3A_464 = arith.extui %ne3A_427 : i1 to i32
        %cond3A_465 = arith.constant 0 : i32
        %cond3A_466 = arith.cmpi ne, %convert_element_type3A_464, %cond3A_465 : i32
        scf.if %cond3A_466 {
          %broadcast_in_dim3A_1488 = vector.broadcast %select_n3A_443 : i32 to vector<16xi32>
          tpu.vector_store_idx %arg9[%broadcast_in_dim3A_1488, %iota3A], %add3A_416 : memref<256x64xf32, #tpu.memory_space<vmem>>[vector<16xi32>, vector<16xi32>], vector<16xf32>,
          %add3A_1489 = arith.constant 16 : i32
          %add3A_1490 = vector.broadcast %add3A_1489 : i32 to vector<16xi32>
          %add3A_1491 = arith.addi %iota3A, %add3A_1490 : vector<16xi32>
          tpu.vector_store_idx %arg9[%broadcast_in_dim3A_1488, %add3A_1491], %add3A_418 : memref<256x64xf32, #tpu.memory_space<vmem>>[vector<16xi32>, vector<16xi32>], vector<16xf32>,
          %add3A_1492 = arith.constant 32 : i32
          %add3A_1493 = vector.broadcast %add3A_1492 : i32 to vector<16xi32>
          %add3A_1494 = arith.addi %iota3A, %add3A_1493 : vector<16xi32>
          tpu.vector_store_idx %arg9[%broadcast_in_dim3A_1488, %add3A_1494], %add3A_420 : memref<256x64xf32, #tpu.memory_space<vmem>>[vector<16xi32>, vector<16xi32>], vector<16xf32>,
          %add3A_1495 = arith.constant 48 : i32
          %add3A_1496 = vector.broadcast %add3A_1495 : i32 to vector<16xi32>
          %add3A_1497 = arith.addi %iota3A, %add3A_1496 : vector<16xi32>
          tpu.vector_store_idx %arg9[%broadcast_in_dim3A_1488, %add3A_1497], %add3A_422 : memref<256x64xf32, #tpu.memory_space<vmem>>[vector<16xi32>, vector<16xi32>], vector<16xf32>,
          %jit3A_1498 = arith.constant 16 : i32
          %div3A_1499 = arith.divsi %select_n3A_443, %jit3A_1498 : i32
          %sign3A_1500 = arith.constant 0 : i32
          %sign3A_1501 = arith.cmpi sgt, %select_n3A_443, %sign3A_1500 : i32
          %sign3A_1502 = arith.extui %sign3A_1501 : i1 to i32
          %sign3A_1503 = arith.constant 0 : i32
          %sign3A_1504 = arith.cmpi slt, %select_n3A_443, %sign3A_1503 : i32
          %sign3A_1505 = arith.extui %sign3A_1504 : i1 to i32
          %sign3A_1506 = arith.subi %sign3A_1502, %sign3A_1505 : i32
          %sign3A_1507 = arith.constant 0 : i32
          %sign3A_1508 = arith.cmpi sgt, %jit3A_1498, %sign3A_1507 : i32
          %sign3A_1509 = arith.extui %sign3A_1508 : i1 to i32
          %sign3A_1510 = arith.constant 0 : i32
          %sign3A_1511 = arith.cmpi slt, %jit3A_1498, %sign3A_1510 : i32
          %sign3A_1512 = arith.extui %sign3A_1511 : i1 to i32
          %sign3A_1513 = arith.subi %sign3A_1509, %sign3A_1512 : i32
          %ne3A_1514 = arith.cmpi ne, %sign3A_1506, %sign3A_1513 : i32
          %rem3A_1515 = arith.remsi %select_n3A_443, %jit3A_1498 : i32
          %ne3A_1516 = arith.constant 0 : i32
          %ne3A_1517 = arith.cmpi ne, %rem3A_1515, %ne3A_1516 : i32
          %and3A_1518 = arith.andi %ne3A_1514, %ne3A_1517 : i1
          %sub3A_1519 = arith.constant 1 : i32
          %sub3A_1520 = arith.subi %div3A_1499, %sub3A_1519 : i32
          %select_n3A_1521 = arith.select %and3A_1518, %sub3A_1520, %div3A_1499 : i32
          %mul3A_1522 = arith.constant 16 : i32
          %mul3A_1523 = arith.muli %select_n3A_1521, %mul3A_1522 : i32
          %multiple_of3A_1524 = tpu.assume_multiple %mul3A_1523, 16 : i32
          %swap3A_1525 = arith.index_cast %multiple_of3A_1524 : i32 to index
          %swap3A_1526 = tpu.vector_load %arg10[%swap3A_1525] {strides = array<i32>} : memref<256xi32, #tpu.memory_space<vmem>>, vector<16xi32>,
          tpu.vector_store %arg10[%swap3A_1525], %select_n3A_463 {strides = array<i32>} : memref<256xi32, #tpu.memory_space<vmem>>, vector<16xi32>,
        } else {
        }
        %select_n3A_467 = arith.select %ne3A_427, %select_n3A_463, %select_n3A_396 : vector<16xi32>
        %convert_element_type3A_468 = arith.extui %ne3A_427 : i1 to i32
        %add3A_469 = arith.addi %add3A_398, %convert_element_type3A_468 : i32
        %mul3A_470 = arith.constant 64 : i32
        %mul3A_471 = arith.muli %squeeze3A_424, %mul3A_470 : i32
        %get3A_472 = arith.index_cast %mul3A_471 : i32 to index
        %get3A_473 = tpu.vector_load %arg8[%get3A_472] {strides = array<i32>} : memref<8192xf32, #tpu.memory_space<vmem>>, vector<16xf32>,
        %add3A_474 = arith.constant 16 : i32
        %add3A_475 = arith.addi %mul3A_471, %add3A_474 : i32
        %get3A_476 = arith.index_cast %add3A_475 : i32 to index
        %get3A_477 = tpu.vector_load %arg8[%get3A_476] {strides = array<i32>} : memref<8192xf32, #tpu.memory_space<vmem>>, vector<16xf32>,
        %add3A_478 = arith.constant 32 : i32
        %add3A_479 = arith.addi %mul3A_471, %add3A_478 : i32
        %get3A_480 = arith.index_cast %add3A_479 : i32 to index
        %get3A_481 = tpu.vector_load %arg8[%get3A_480] {strides = array<i32>} : memref<8192xf32, #tpu.memory_space<vmem>>, vector<16xf32>,
        %add3A_482 = arith.constant 48 : i32
        %add3A_483 = arith.addi %mul3A_471, %add3A_482 : i32
        %get3A_484 = arith.index_cast %add3A_483 : i32 to index
        %get3A_485 = tpu.vector_load %arg8[%get3A_484] {strides = array<i32>} : memref<8192xf32, #tpu.memory_space<vmem>>, vector<16xf32>,
        %select_n3A_486 = arith.select %ne3A_427, %broadcast_in_dim3A_95, %add3A_416 : vector<16xf32>
        %add3A_487 = arith.addf %get3A_473, %select_n3A_486 : vector<16xf32>
        %select_n3A_488 = arith.select %ne3A_427, %broadcast_in_dim3A_95, %add3A_418 : vector<16xf32>
        %add3A_489 = arith.addf %get3A_477, %select_n3A_488 : vector<16xf32>
        %select_n3A_490 = arith.select %ne3A_427, %broadcast_in_dim3A_95, %add3A_420 : vector<16xf32>
        %add3A_491 = arith.addf %get3A_481, %select_n3A_490 : vector<16xf32>
        %select_n3A_492 = arith.select %ne3A_427, %broadcast_in_dim3A_95, %add3A_422 : vector<16xf32>
        %add3A_493 = arith.addf %get3A_485, %select_n3A_492 : vector<16xf32>
        %slice3A_494 = vector.extract_strided_slice %get3A_351 {offsets = [2], sizes = [1], strides = [1]} : vector<16xi32> to vector<1xi32>
        %squeeze3A_495 = vector.extract %slice3A_494[0] : i32 from vector<1xi32>
        %slice3A_496 = vector.extract_strided_slice %get3A_353 {offsets = [2], sizes = [1], strides = [1]} : vector<16xi32> to vector<1xi32>
        %squeeze3A_497 = vector.extract %slice3A_496[0] : i32 from vector<1xi32>
        %ne3A_498 = arith.cmpi ne, %squeeze3A_497, %squeeze3A_426 : i32
        %jit3A_499 = arith.constant 256 : i32
        %eq3A_500 = arith.constant 0 : i32
        %eq3A_501 = arith.cmpi eq, %jit3A_499, %eq3A_500 : i32
        %jit3A_502 = arith.constant 1 : i32
        %select_n3A_503 = arith.select %eq3A_501, %jit3A_502, %jit3A_499 : i32
        %rem3A_504 = arith.remsi %add3A_469, %select_n3A_503 : i32
        %ne3A_505 = arith.constant 0 : i32
        %ne3A_506 = arith.cmpi ne, %rem3A_504, %ne3A_505 : i32
        %lt3A_507 = arith.constant 0 : i32
        %lt3A_508 = arith.cmpi slt, %rem3A_504, %lt3A_507 : i32
        %lt3A_509 = arith.constant 0 : i32
        %lt3A_510 = arith.cmpi slt, %select_n3A_503, %lt3A_509 : i32
        %ne3A_511 = arith.xori %lt3A_508, %lt3A_510 : i1
        %and3A_512 = arith.andi %ne3A_511, %ne3A_506 : i1
        %add3A_513 = arith.addi %rem3A_504, %select_n3A_503 : i32
        %select_n3A_514 = arith.select %and3A_512, %add3A_513, %rem3A_504 : i32
        %jit3A_515 = arith.constant 16 : i32
        %eq3A_516 = arith.constant 0 : i32
        %eq3A_517 = arith.cmpi eq, %jit3A_515, %eq3A_516 : i32
        %jit3A_518 = arith.constant 1 : i32
        %select_n3A_519 = arith.select %eq3A_517, %jit3A_518, %jit3A_515 : i32
        %rem3A_520 = arith.remsi %select_n3A_514, %select_n3A_519 : i32
        %ne3A_521 = arith.constant 0 : i32
        %ne3A_522 = arith.cmpi ne, %rem3A_520, %ne3A_521 : i32
        %lt3A_523 = arith.constant 0 : i32
        %lt3A_524 = arith.cmpi slt, %rem3A_520, %lt3A_523 : i32
        %lt3A_525 = arith.constant 0 : i32
        %lt3A_526 = arith.cmpi slt, %select_n3A_519, %lt3A_525 : i32
        %ne3A_527 = arith.xori %lt3A_524, %lt3A_526 : i1
        %and3A_528 = arith.andi %ne3A_527, %ne3A_522 : i1
        %add3A_529 = arith.addi %rem3A_520, %select_n3A_519 : i32
        %select_n3A_530 = arith.select %and3A_528, %add3A_529, %rem3A_520 : i32
        %eq3A_531 = vector.broadcast %select_n3A_530 : i32 to vector<16xi32>
        %eq3A_532 = arith.cmpi eq, %iota3A, %eq3A_531 : vector<16xi32>
        %broadcast_in_dim3A_533 = vector.broadcast %squeeze3A_426 : i32 to vector<16xi32>
        %select_n3A_534 = arith.select %eq3A_532, %broadcast_in_dim3A_533, %select_n3A_467 : vector<16xi1>, vector<16xi32>
        %convert_element_type3A_535 = arith.extui %ne3A_498 : i1 to i32
        %cond3A_536 = arith.constant 0 : i32
        %cond3A_537 = arith.cmpi ne, %convert_element_type3A_535, %cond3A_536 : i32
        scf.if %cond3A_537 {
          %broadcast_in_dim3A_1488 = vector.broadcast %select_n3A_514 : i32 to vector<16xi32>
          tpu.vector_store_idx %arg9[%broadcast_in_dim3A_1488, %iota3A], %add3A_487 : memref<256x64xf32, #tpu.memory_space<vmem>>[vector<16xi32>, vector<16xi32>], vector<16xf32>,
          %add3A_1489 = arith.constant 16 : i32
          %add3A_1490 = vector.broadcast %add3A_1489 : i32 to vector<16xi32>
          %add3A_1491 = arith.addi %iota3A, %add3A_1490 : vector<16xi32>
          tpu.vector_store_idx %arg9[%broadcast_in_dim3A_1488, %add3A_1491], %add3A_489 : memref<256x64xf32, #tpu.memory_space<vmem>>[vector<16xi32>, vector<16xi32>], vector<16xf32>,
          %add3A_1492 = arith.constant 32 : i32
          %add3A_1493 = vector.broadcast %add3A_1492 : i32 to vector<16xi32>
          %add3A_1494 = arith.addi %iota3A, %add3A_1493 : vector<16xi32>
          tpu.vector_store_idx %arg9[%broadcast_in_dim3A_1488, %add3A_1494], %add3A_491 : memref<256x64xf32, #tpu.memory_space<vmem>>[vector<16xi32>, vector<16xi32>], vector<16xf32>,
          %add3A_1495 = arith.constant 48 : i32
          %add3A_1496 = vector.broadcast %add3A_1495 : i32 to vector<16xi32>
          %add3A_1497 = arith.addi %iota3A, %add3A_1496 : vector<16xi32>
          tpu.vector_store_idx %arg9[%broadcast_in_dim3A_1488, %add3A_1497], %add3A_493 : memref<256x64xf32, #tpu.memory_space<vmem>>[vector<16xi32>, vector<16xi32>], vector<16xf32>,
          %jit3A_1498 = arith.constant 16 : i32
          %div3A_1499 = arith.divsi %select_n3A_514, %jit3A_1498 : i32
          %sign3A_1500 = arith.constant 0 : i32
          %sign3A_1501 = arith.cmpi sgt, %select_n3A_514, %sign3A_1500 : i32
          %sign3A_1502 = arith.extui %sign3A_1501 : i1 to i32
          %sign3A_1503 = arith.constant 0 : i32
          %sign3A_1504 = arith.cmpi slt, %select_n3A_514, %sign3A_1503 : i32
          %sign3A_1505 = arith.extui %sign3A_1504 : i1 to i32
          %sign3A_1506 = arith.subi %sign3A_1502, %sign3A_1505 : i32
          %sign3A_1507 = arith.constant 0 : i32
          %sign3A_1508 = arith.cmpi sgt, %jit3A_1498, %sign3A_1507 : i32
          %sign3A_1509 = arith.extui %sign3A_1508 : i1 to i32
          %sign3A_1510 = arith.constant 0 : i32
          %sign3A_1511 = arith.cmpi slt, %jit3A_1498, %sign3A_1510 : i32
          %sign3A_1512 = arith.extui %sign3A_1511 : i1 to i32
          %sign3A_1513 = arith.subi %sign3A_1509, %sign3A_1512 : i32
          %ne3A_1514 = arith.cmpi ne, %sign3A_1506, %sign3A_1513 : i32
          %rem3A_1515 = arith.remsi %select_n3A_514, %jit3A_1498 : i32
          %ne3A_1516 = arith.constant 0 : i32
          %ne3A_1517 = arith.cmpi ne, %rem3A_1515, %ne3A_1516 : i32
          %and3A_1518 = arith.andi %ne3A_1514, %ne3A_1517 : i1
          %sub3A_1519 = arith.constant 1 : i32
          %sub3A_1520 = arith.subi %div3A_1499, %sub3A_1519 : i32
          %select_n3A_1521 = arith.select %and3A_1518, %sub3A_1520, %div3A_1499 : i32
          %mul3A_1522 = arith.constant 16 : i32
          %mul3A_1523 = arith.muli %select_n3A_1521, %mul3A_1522 : i32
          %multiple_of3A_1524 = tpu.assume_multiple %mul3A_1523, 16 : i32
          %swap3A_1525 = arith.index_cast %multiple_of3A_1524 : i32 to index
          %swap3A_1526 = tpu.vector_load %arg10[%swap3A_1525] {strides = array<i32>} : memref<256xi32, #tpu.memory_space<vmem>>, vector<16xi32>,
          tpu.vector_store %arg10[%swap3A_1525], %select_n3A_534 {strides = array<i32>} : memref<256xi32, #tpu.memory_space<vmem>>, vector<16xi32>,
        } else {
        }
        %select_n3A_538 = arith.select %ne3A_498, %select_n3A_534, %select_n3A_467 : vector<16xi32>
        %convert_element_type3A_539 = arith.extui %ne3A_498 : i1 to i32
        %add3A_540 = arith.addi %add3A_469, %convert_element_type3A_539 : i32
        %mul3A_541 = arith.constant 64 : i32
        %mul3A_542 = arith.muli %squeeze3A_495, %mul3A_541 : i32
        %get3A_543 = arith.index_cast %mul3A_542 : i32 to index
        %get3A_544 = tpu.vector_load %arg8[%get3A_543] {strides = array<i32>} : memref<8192xf32, #tpu.memory_space<vmem>>, vector<16xf32>,
        %add3A_545 = arith.constant 16 : i32
        %add3A_546 = arith.addi %mul3A_542, %add3A_545 : i32
        %get3A_547 = arith.index_cast %add3A_546 : i32 to index
        %get3A_548 = tpu.vector_load %arg8[%get3A_547] {strides = array<i32>} : memref<8192xf32, #tpu.memory_space<vmem>>, vector<16xf32>,
        %add3A_549 = arith.constant 32 : i32
        %add3A_550 = arith.addi %mul3A_542, %add3A_549 : i32
        %get3A_551 = arith.index_cast %add3A_550 : i32 to index
        %get3A_552 = tpu.vector_load %arg8[%get3A_551] {strides = array<i32>} : memref<8192xf32, #tpu.memory_space<vmem>>, vector<16xf32>,
        %add3A_553 = arith.constant 48 : i32
        %add3A_554 = arith.addi %mul3A_542, %add3A_553 : i32
        %get3A_555 = arith.index_cast %add3A_554 : i32 to index
        %get3A_556 = tpu.vector_load %arg8[%get3A_555] {strides = array<i32>} : memref<8192xf32, #tpu.memory_space<vmem>>, vector<16xf32>,
        %select_n3A_557 = arith.select %ne3A_498, %broadcast_in_dim3A_95, %add3A_487 : vector<16xf32>
        %add3A_558 = arith.addf %get3A_544, %select_n3A_557 : vector<16xf32>
        %select_n3A_559 = arith.select %ne3A_498, %broadcast_in_dim3A_95, %add3A_489 : vector<16xf32>
        %add3A_560 = arith.addf %get3A_548, %select_n3A_559 : vector<16xf32>
        %select_n3A_561 = arith.select %ne3A_498, %broadcast_in_dim3A_95, %add3A_491 : vector<16xf32>
        %add3A_562 = arith.addf %get3A_552, %select_n3A_561 : vector<16xf32>
        %select_n3A_563 = arith.select %ne3A_498, %broadcast_in_dim3A_95, %add3A_493 : vector<16xf32>
        %add3A_564 = arith.addf %get3A_556, %select_n3A_563 : vector<16xf32>
        %slice3A_565 = vector.extract_strided_slice %get3A_351 {offsets = [3], sizes = [1], strides = [1]} : vector<16xi32> to vector<1xi32>
        %squeeze3A_566 = vector.extract %slice3A_565[0] : i32 from vector<1xi32>
        %slice3A_567 = vector.extract_strided_slice %get3A_353 {offsets = [3], sizes = [1], strides = [1]} : vector<16xi32> to vector<1xi32>
        %squeeze3A_568 = vector.extract %slice3A_567[0] : i32 from vector<1xi32>
        %ne3A_569 = arith.cmpi ne, %squeeze3A_568, %squeeze3A_497 : i32
        %jit3A_570 = arith.constant 256 : i32
        %eq3A_571 = arith.constant 0 : i32
        %eq3A_572 = arith.cmpi eq, %jit3A_570, %eq3A_571 : i32
        %jit3A_573 = arith.constant 1 : i32
        %select_n3A_574 = arith.select %eq3A_572, %jit3A_573, %jit3A_570 : i32
        %rem3A_575 = arith.remsi %add3A_540, %select_n3A_574 : i32
        %ne3A_576 = arith.constant 0 : i32
        %ne3A_577 = arith.cmpi ne, %rem3A_575, %ne3A_576 : i32
        %lt3A_578 = arith.constant 0 : i32
        %lt3A_579 = arith.cmpi slt, %rem3A_575, %lt3A_578 : i32
        %lt3A_580 = arith.constant 0 : i32
        %lt3A_581 = arith.cmpi slt, %select_n3A_574, %lt3A_580 : i32
        %ne3A_582 = arith.xori %lt3A_579, %lt3A_581 : i1
        %and3A_583 = arith.andi %ne3A_582, %ne3A_577 : i1
        %add3A_584 = arith.addi %rem3A_575, %select_n3A_574 : i32
        %select_n3A_585 = arith.select %and3A_583, %add3A_584, %rem3A_575 : i32
        %jit3A_586 = arith.constant 16 : i32
        %eq3A_587 = arith.constant 0 : i32
        %eq3A_588 = arith.cmpi eq, %jit3A_586, %eq3A_587 : i32
        %jit3A_589 = arith.constant 1 : i32
        %select_n3A_590 = arith.select %eq3A_588, %jit3A_589, %jit3A_586 : i32
        %rem3A_591 = arith.remsi %select_n3A_585, %select_n3A_590 : i32
        %ne3A_592 = arith.constant 0 : i32
        %ne3A_593 = arith.cmpi ne, %rem3A_591, %ne3A_592 : i32
        %lt3A_594 = arith.constant 0 : i32
        %lt3A_595 = arith.cmpi slt, %rem3A_591, %lt3A_594 : i32
        %lt3A_596 = arith.constant 0 : i32
        %lt3A_597 = arith.cmpi slt, %select_n3A_590, %lt3A_596 : i32
        %ne3A_598 = arith.xori %lt3A_595, %lt3A_597 : i1
        %and3A_599 = arith.andi %ne3A_598, %ne3A_593 : i1
        %add3A_600 = arith.addi %rem3A_591, %select_n3A_590 : i32
        %select_n3A_601 = arith.select %and3A_599, %add3A_600, %rem3A_591 : i32
        %eq3A_602 = vector.broadcast %select_n3A_601 : i32 to vector<16xi32>
        %eq3A_603 = arith.cmpi eq, %iota3A, %eq3A_602 : vector<16xi32>
        %broadcast_in_dim3A_604 = vector.broadcast %squeeze3A_497 : i32 to vector<16xi32>
        %select_n3A_605 = arith.select %eq3A_603, %broadcast_in_dim3A_604, %select_n3A_538 : vector<16xi1>, vector<16xi32>
        %convert_element_type3A_606 = arith.extui %ne3A_569 : i1 to i32
        %cond3A_607 = arith.constant 0 : i32
        %cond3A_608 = arith.cmpi ne, %convert_element_type3A_606, %cond3A_607 : i32
        scf.if %cond3A_608 {
          %broadcast_in_dim3A_1488 = vector.broadcast %select_n3A_585 : i32 to vector<16xi32>
          tpu.vector_store_idx %arg9[%broadcast_in_dim3A_1488, %iota3A], %add3A_558 : memref<256x64xf32, #tpu.memory_space<vmem>>[vector<16xi32>, vector<16xi32>], vector<16xf32>,
          %add3A_1489 = arith.constant 16 : i32
          %add3A_1490 = vector.broadcast %add3A_1489 : i32 to vector<16xi32>
          %add3A_1491 = arith.addi %iota3A, %add3A_1490 : vector<16xi32>
          tpu.vector_store_idx %arg9[%broadcast_in_dim3A_1488, %add3A_1491], %add3A_560 : memref<256x64xf32, #tpu.memory_space<vmem>>[vector<16xi32>, vector<16xi32>], vector<16xf32>,
          %add3A_1492 = arith.constant 32 : i32
          %add3A_1493 = vector.broadcast %add3A_1492 : i32 to vector<16xi32>
          %add3A_1494 = arith.addi %iota3A, %add3A_1493 : vector<16xi32>
          tpu.vector_store_idx %arg9[%broadcast_in_dim3A_1488, %add3A_1494], %add3A_562 : memref<256x64xf32, #tpu.memory_space<vmem>>[vector<16xi32>, vector<16xi32>], vector<16xf32>,
          %add3A_1495 = arith.constant 48 : i32
          %add3A_1496 = vector.broadcast %add3A_1495 : i32 to vector<16xi32>
          %add3A_1497 = arith.addi %iota3A, %add3A_1496 : vector<16xi32>
          tpu.vector_store_idx %arg9[%broadcast_in_dim3A_1488, %add3A_1497], %add3A_564 : memref<256x64xf32, #tpu.memory_space<vmem>>[vector<16xi32>, vector<16xi32>], vector<16xf32>,
          %jit3A_1498 = arith.constant 16 : i32
          %div3A_1499 = arith.divsi %select_n3A_585, %jit3A_1498 : i32
          %sign3A_1500 = arith.constant 0 : i32
          %sign3A_1501 = arith.cmpi sgt, %select_n3A_585, %sign3A_1500 : i32
          %sign3A_1502 = arith.extui %sign3A_1501 : i1 to i32
          %sign3A_1503 = arith.constant 0 : i32
          %sign3A_1504 = arith.cmpi slt, %select_n3A_585, %sign3A_1503 : i32
          %sign3A_1505 = arith.extui %sign3A_1504 : i1 to i32
          %sign3A_1506 = arith.subi %sign3A_1502, %sign3A_1505 : i32
          %sign3A_1507 = arith.constant 0 : i32
          %sign3A_1508 = arith.cmpi sgt, %jit3A_1498, %sign3A_1507 : i32
          %sign3A_1509 = arith.extui %sign3A_1508 : i1 to i32
          %sign3A_1510 = arith.constant 0 : i32
          %sign3A_1511 = arith.cmpi slt, %jit3A_1498, %sign3A_1510 : i32
          %sign3A_1512 = arith.extui %sign3A_1511 : i1 to i32
          %sign3A_1513 = arith.subi %sign3A_1509, %sign3A_1512 : i32
          %ne3A_1514 = arith.cmpi ne, %sign3A_1506, %sign3A_1513 : i32
          %rem3A_1515 = arith.remsi %select_n3A_585, %jit3A_1498 : i32
          %ne3A_1516 = arith.constant 0 : i32
          %ne3A_1517 = arith.cmpi ne, %rem3A_1515, %ne3A_1516 : i32
          %and3A_1518 = arith.andi %ne3A_1514, %ne3A_1517 : i1
          %sub3A_1519 = arith.constant 1 : i32
          %sub3A_1520 = arith.subi %div3A_1499, %sub3A_1519 : i32
          %select_n3A_1521 = arith.select %and3A_1518, %sub3A_1520, %div3A_1499 : i32
          %mul3A_1522 = arith.constant 16 : i32
          %mul3A_1523 = arith.muli %select_n3A_1521, %mul3A_1522 : i32
          %multiple_of3A_1524 = tpu.assume_multiple %mul3A_1523, 16 : i32
          %swap3A_1525 = arith.index_cast %multiple_of3A_1524 : i32 to index
          %swap3A_1526 = tpu.vector_load %arg10[%swap3A_1525] {strides = array<i32>} : memref<256xi32, #tpu.memory_space<vmem>>, vector<16xi32>,
          tpu.vector_store %arg10[%swap3A_1525], %select_n3A_605 {strides = array<i32>} : memref<256xi32, #tpu.memory_space<vmem>>, vector<16xi32>,
        } else {
        }
        %select_n3A_609 = arith.select %ne3A_569, %select_n3A_605, %select_n3A_538 : vector<16xi32>
        %convert_element_type3A_610 = arith.extui %ne3A_569 : i1 to i32
        %add3A_611 = arith.addi %add3A_540, %convert_element_type3A_610 : i32
        %mul3A_612 = arith.constant 64 : i32
        %mul3A_613 = arith.muli %squeeze3A_566, %mul3A_612 : i32
        %get3A_614 = arith.index_cast %mul3A_613 : i32 to index
        %get3A_615 = tpu.vector_load %arg8[%get3A_614] {strides = array<i32>} : memref<8192xf32, #tpu.memory_space<vmem>>, vector<16xf32>,
        %add3A_616 = arith.constant 16 : i32
        %add3A_617 = arith.addi %mul3A_613, %add3A_616 : i32
        %get3A_618 = arith.index_cast %add3A_617 : i32 to index
        %get3A_619 = tpu.vector_load %arg8[%get3A_618] {strides = array<i32>} : memref<8192xf32, #tpu.memory_space<vmem>>, vector<16xf32>,
        %add3A_620 = arith.constant 32 : i32
        %add3A_621 = arith.addi %mul3A_613, %add3A_620 : i32
        %get3A_622 = arith.index_cast %add3A_621 : i32 to index
        %get3A_623 = tpu.vector_load %arg8[%get3A_622] {strides = array<i32>} : memref<8192xf32, #tpu.memory_space<vmem>>, vector<16xf32>,
        %add3A_624 = arith.constant 48 : i32
        %add3A_625 = arith.addi %mul3A_613, %add3A_624 : i32
        %get3A_626 = arith.index_cast %add3A_625 : i32 to index
        %get3A_627 = tpu.vector_load %arg8[%get3A_626] {strides = array<i32>} : memref<8192xf32, #tpu.memory_space<vmem>>, vector<16xf32>,
        %select_n3A_628 = arith.select %ne3A_569, %broadcast_in_dim3A_95, %add3A_558 : vector<16xf32>
        %add3A_629 = arith.addf %get3A_615, %select_n3A_628 : vector<16xf32>
        %select_n3A_630 = arith.select %ne3A_569, %broadcast_in_dim3A_95, %add3A_560 : vector<16xf32>
        %add3A_631 = arith.addf %get3A_619, %select_n3A_630 : vector<16xf32>
        %select_n3A_632 = arith.select %ne3A_569, %broadcast_in_dim3A_95, %add3A_562 : vector<16xf32>
        %add3A_633 = arith.addf %get3A_623, %select_n3A_632 : vector<16xf32>
        %select_n3A_634 = arith.select %ne3A_569, %broadcast_in_dim3A_95, %add3A_564 : vector<16xf32>
        %add3A_635 = arith.addf %get3A_627, %select_n3A_634 : vector<16xf32>
        %slice3A_636 = vector.extract_strided_slice %get3A_351 {offsets = [4], sizes = [1], strides = [1]} : vector<16xi32> to vector<1xi32>
        %squeeze3A_637 = vector.extract %slice3A_636[0] : i32 from vector<1xi32>
        %slice3A_638 = vector.extract_strided_slice %get3A_353 {offsets = [4], sizes = [1], strides = [1]} : vector<16xi32> to vector<1xi32>
        %squeeze3A_639 = vector.extract %slice3A_638[0] : i32 from vector<1xi32>
        %ne3A_640 = arith.cmpi ne, %squeeze3A_639, %squeeze3A_568 : i32
        %jit3A_641 = arith.constant 256 : i32
        %eq3A_642 = arith.constant 0 : i32
        %eq3A_643 = arith.cmpi eq, %jit3A_641, %eq3A_642 : i32
        %jit3A_644 = arith.constant 1 : i32
        %select_n3A_645 = arith.select %eq3A_643, %jit3A_644, %jit3A_641 : i32
        %rem3A_646 = arith.remsi %add3A_611, %select_n3A_645 : i32
        %ne3A_647 = arith.constant 0 : i32
        %ne3A_648 = arith.cmpi ne, %rem3A_646, %ne3A_647 : i32
        %lt3A_649 = arith.constant 0 : i32
        %lt3A_650 = arith.cmpi slt, %rem3A_646, %lt3A_649 : i32
        %lt3A_651 = arith.constant 0 : i32
        %lt3A_652 = arith.cmpi slt, %select_n3A_645, %lt3A_651 : i32
        %ne3A_653 = arith.xori %lt3A_650, %lt3A_652 : i1
        %and3A_654 = arith.andi %ne3A_653, %ne3A_648 : i1
        %add3A_655 = arith.addi %rem3A_646, %select_n3A_645 : i32
        %select_n3A_656 = arith.select %and3A_654, %add3A_655, %rem3A_646 : i32
        %jit3A_657 = arith.constant 16 : i32
        %eq3A_658 = arith.constant 0 : i32
        %eq3A_659 = arith.cmpi eq, %jit3A_657, %eq3A_658 : i32
        %jit3A_660 = arith.constant 1 : i32
        %select_n3A_661 = arith.select %eq3A_659, %jit3A_660, %jit3A_657 : i32
        %rem3A_662 = arith.remsi %select_n3A_656, %select_n3A_661 : i32
        %ne3A_663 = arith.constant 0 : i32
        %ne3A_664 = arith.cmpi ne, %rem3A_662, %ne3A_663 : i32
        %lt3A_665 = arith.constant 0 : i32
        %lt3A_666 = arith.cmpi slt, %rem3A_662, %lt3A_665 : i32
        %lt3A_667 = arith.constant 0 : i32
        %lt3A_668 = arith.cmpi slt, %select_n3A_661, %lt3A_667 : i32
        %ne3A_669 = arith.xori %lt3A_666, %lt3A_668 : i1
        %and3A_670 = arith.andi %ne3A_669, %ne3A_664 : i1
        %add3A_671 = arith.addi %rem3A_662, %select_n3A_661 : i32
        %select_n3A_672 = arith.select %and3A_670, %add3A_671, %rem3A_662 : i32
        %eq3A_673 = vector.broadcast %select_n3A_672 : i32 to vector<16xi32>
        %eq3A_674 = arith.cmpi eq, %iota3A, %eq3A_673 : vector<16xi32>
        %broadcast_in_dim3A_675 = vector.broadcast %squeeze3A_568 : i32 to vector<16xi32>
        %select_n3A_676 = arith.select %eq3A_674, %broadcast_in_dim3A_675, %select_n3A_609 : vector<16xi1>, vector<16xi32>
        %convert_element_type3A_677 = arith.extui %ne3A_640 : i1 to i32
        %cond3A_678 = arith.constant 0 : i32
        %cond3A_679 = arith.cmpi ne, %convert_element_type3A_677, %cond3A_678 : i32
        scf.if %cond3A_679 {
          %broadcast_in_dim3A_1488 = vector.broadcast %select_n3A_656 : i32 to vector<16xi32>
          tpu.vector_store_idx %arg9[%broadcast_in_dim3A_1488, %iota3A], %add3A_629 : memref<256x64xf32, #tpu.memory_space<vmem>>[vector<16xi32>, vector<16xi32>], vector<16xf32>,
          %add3A_1489 = arith.constant 16 : i32
          %add3A_1490 = vector.broadcast %add3A_1489 : i32 to vector<16xi32>
          %add3A_1491 = arith.addi %iota3A, %add3A_1490 : vector<16xi32>
          tpu.vector_store_idx %arg9[%broadcast_in_dim3A_1488, %add3A_1491], %add3A_631 : memref<256x64xf32, #tpu.memory_space<vmem>>[vector<16xi32>, vector<16xi32>], vector<16xf32>,
          %add3A_1492 = arith.constant 32 : i32
          %add3A_1493 = vector.broadcast %add3A_1492 : i32 to vector<16xi32>
          %add3A_1494 = arith.addi %iota3A, %add3A_1493 : vector<16xi32>
          tpu.vector_store_idx %arg9[%broadcast_in_dim3A_1488, %add3A_1494], %add3A_633 : memref<256x64xf32, #tpu.memory_space<vmem>>[vector<16xi32>, vector<16xi32>], vector<16xf32>,
          %add3A_1495 = arith.constant 48 : i32
          %add3A_1496 = vector.broadcast %add3A_1495 : i32 to vector<16xi32>
          %add3A_1497 = arith.addi %iota3A, %add3A_1496 : vector<16xi32>
          tpu.vector_store_idx %arg9[%broadcast_in_dim3A_1488, %add3A_1497], %add3A_635 : memref<256x64xf32, #tpu.memory_space<vmem>>[vector<16xi32>, vector<16xi32>], vector<16xf32>,
          %jit3A_1498 = arith.constant 16 : i32
          %div3A_1499 = arith.divsi %select_n3A_656, %jit3A_1498 : i32
          %sign3A_1500 = arith.constant 0 : i32
          %sign3A_1501 = arith.cmpi sgt, %select_n3A_656, %sign3A_1500 : i32
          %sign3A_1502 = arith.extui %sign3A_1501 : i1 to i32
          %sign3A_1503 = arith.constant 0 : i32
          %sign3A_1504 = arith.cmpi slt, %select_n3A_656, %sign3A_1503 : i32
          %sign3A_1505 = arith.extui %sign3A_1504 : i1 to i32
          %sign3A_1506 = arith.subi %sign3A_1502, %sign3A_1505 : i32
          %sign3A_1507 = arith.constant 0 : i32
          %sign3A_1508 = arith.cmpi sgt, %jit3A_1498, %sign3A_1507 : i32
          %sign3A_1509 = arith.extui %sign3A_1508 : i1 to i32
          %sign3A_1510 = arith.constant 0 : i32
          %sign3A_1511 = arith.cmpi slt, %jit3A_1498, %sign3A_1510 : i32
          %sign3A_1512 = arith.extui %sign3A_1511 : i1 to i32
          %sign3A_1513 = arith.subi %sign3A_1509, %sign3A_1512 : i32
          %ne3A_1514 = arith.cmpi ne, %sign3A_1506, %sign3A_1513 : i32
          %rem3A_1515 = arith.remsi %select_n3A_656, %jit3A_1498 : i32
          %ne3A_1516 = arith.constant 0 : i32
          %ne3A_1517 = arith.cmpi ne, %rem3A_1515, %ne3A_1516 : i32
          %and3A_1518 = arith.andi %ne3A_1514, %ne3A_1517 : i1
          %sub3A_1519 = arith.constant 1 : i32
          %sub3A_1520 = arith.subi %div3A_1499, %sub3A_1519 : i32
          %select_n3A_1521 = arith.select %and3A_1518, %sub3A_1520, %div3A_1499 : i32
          %mul3A_1522 = arith.constant 16 : i32
          %mul3A_1523 = arith.muli %select_n3A_1521, %mul3A_1522 : i32
          %multiple_of3A_1524 = tpu.assume_multiple %mul3A_1523, 16 : i32
          %swap3A_1525 = arith.index_cast %multiple_of3A_1524 : i32 to index
          %swap3A_1526 = tpu.vector_load %arg10[%swap3A_1525] {strides = array<i32>} : memref<256xi32, #tpu.memory_space<vmem>>, vector<16xi32>,
          tpu.vector_store %arg10[%swap3A_1525], %select_n3A_676 {strides = array<i32>} : memref<256xi32, #tpu.memory_space<vmem>>, vector<16xi32>,
        } else {
        }
        %select_n3A_680 = arith.select %ne3A_640, %select_n3A_676, %select_n3A_609 : vector<16xi32>
        %convert_element_type3A_681 = arith.extui %ne3A_640 : i1 to i32
        %add3A_682 = arith.addi %add3A_611, %convert_element_type3A_681 : i32
        %mul3A_683 = arith.constant 64 : i32
        %mul3A_684 = arith.muli %squeeze3A_637, %mul3A_683 : i32
        %get3A_685 = arith.index_cast %mul3A_684 : i32 to index
        %get3A_686 = tpu.vector_load %arg8[%get3A_685] {strides = array<i32>} : memref<8192xf32, #tpu.memory_space<vmem>>, vector<16xf32>,
        %add3A_687 = arith.constant 16 : i32
        %add3A_688 = arith.addi %mul3A_684, %add3A_687 : i32
        %get3A_689 = arith.index_cast %add3A_688 : i32 to index
        %get3A_690 = tpu.vector_load %arg8[%get3A_689] {strides = array<i32>} : memref<8192xf32, #tpu.memory_space<vmem>>, vector<16xf32>,
        %add3A_691 = arith.constant 32 : i32
        %add3A_692 = arith.addi %mul3A_684, %add3A_691 : i32
        %get3A_693 = arith.index_cast %add3A_692 : i32 to index
        %get3A_694 = tpu.vector_load %arg8[%get3A_693] {strides = array<i32>} : memref<8192xf32, #tpu.memory_space<vmem>>, vector<16xf32>,
        %add3A_695 = arith.constant 48 : i32
        %add3A_696 = arith.addi %mul3A_684, %add3A_695 : i32
        %get3A_697 = arith.index_cast %add3A_696 : i32 to index
        %get3A_698 = tpu.vector_load %arg8[%get3A_697] {strides = array<i32>} : memref<8192xf32, #tpu.memory_space<vmem>>, vector<16xf32>,
        %select_n3A_699 = arith.select %ne3A_640, %broadcast_in_dim3A_95, %add3A_629 : vector<16xf32>
        %add3A_700 = arith.addf %get3A_686, %select_n3A_699 : vector<16xf32>
        %select_n3A_701 = arith.select %ne3A_640, %broadcast_in_dim3A_95, %add3A_631 : vector<16xf32>
        %add3A_702 = arith.addf %get3A_690, %select_n3A_701 : vector<16xf32>
        %select_n3A_703 = arith.select %ne3A_640, %broadcast_in_dim3A_95, %add3A_633 : vector<16xf32>
        %add3A_704 = arith.addf %get3A_694, %select_n3A_703 : vector<16xf32>
        %select_n3A_705 = arith.select %ne3A_640, %broadcast_in_dim3A_95, %add3A_635 : vector<16xf32>
        %add3A_706 = arith.addf %get3A_698, %select_n3A_705 : vector<16xf32>
        %slice3A_707 = vector.extract_strided_slice %get3A_351 {offsets = [5], sizes = [1], strides = [1]} : vector<16xi32> to vector<1xi32>
        %squeeze3A_708 = vector.extract %slice3A_707[0] : i32 from vector<1xi32>
        %slice3A_709 = vector.extract_strided_slice %get3A_353 {offsets = [5], sizes = [1], strides = [1]} : vector<16xi32> to vector<1xi32>
        %squeeze3A_710 = vector.extract %slice3A_709[0] : i32 from vector<1xi32>
        %ne3A_711 = arith.cmpi ne, %squeeze3A_710, %squeeze3A_639 : i32
        %jit3A_712 = arith.constant 256 : i32
        %eq3A_713 = arith.constant 0 : i32
        %eq3A_714 = arith.cmpi eq, %jit3A_712, %eq3A_713 : i32
        %jit3A_715 = arith.constant 1 : i32
        %select_n3A_716 = arith.select %eq3A_714, %jit3A_715, %jit3A_712 : i32
        %rem3A_717 = arith.remsi %add3A_682, %select_n3A_716 : i32
        %ne3A_718 = arith.constant 0 : i32
        %ne3A_719 = arith.cmpi ne, %rem3A_717, %ne3A_718 : i32
        %lt3A_720 = arith.constant 0 : i32
        %lt3A_721 = arith.cmpi slt, %rem3A_717, %lt3A_720 : i32
        %lt3A_722 = arith.constant 0 : i32
        %lt3A_723 = arith.cmpi slt, %select_n3A_716, %lt3A_722 : i32
        %ne3A_724 = arith.xori %lt3A_721, %lt3A_723 : i1
        %and3A_725 = arith.andi %ne3A_724, %ne3A_719 : i1
        %add3A_726 = arith.addi %rem3A_717, %select_n3A_716 : i32
        %select_n3A_727 = arith.select %and3A_725, %add3A_726, %rem3A_717 : i32
        %jit3A_728 = arith.constant 16 : i32
        %eq3A_729 = arith.constant 0 : i32
        %eq3A_730 = arith.cmpi eq, %jit3A_728, %eq3A_729 : i32
        %jit3A_731 = arith.constant 1 : i32
        %select_n3A_732 = arith.select %eq3A_730, %jit3A_731, %jit3A_728 : i32
        %rem3A_733 = arith.remsi %select_n3A_727, %select_n3A_732 : i32
        %ne3A_734 = arith.constant 0 : i32
        %ne3A_735 = arith.cmpi ne, %rem3A_733, %ne3A_734 : i32
        %lt3A_736 = arith.constant 0 : i32
        %lt3A_737 = arith.cmpi slt, %rem3A_733, %lt3A_736 : i32
        %lt3A_738 = arith.constant 0 : i32
        %lt3A_739 = arith.cmpi slt, %select_n3A_732, %lt3A_738 : i32
        %ne3A_740 = arith.xori %lt3A_737, %lt3A_739 : i1
        %and3A_741 = arith.andi %ne3A_740, %ne3A_735 : i1
        %add3A_742 = arith.addi %rem3A_733, %select_n3A_732 : i32
        %select_n3A_743 = arith.select %and3A_741, %add3A_742, %rem3A_733 : i32
        %eq3A_744 = vector.broadcast %select_n3A_743 : i32 to vector<16xi32>
        %eq3A_745 = arith.cmpi eq, %iota3A, %eq3A_744 : vector<16xi32>
        %broadcast_in_dim3A_746 = vector.broadcast %squeeze3A_639 : i32 to vector<16xi32>
        %select_n3A_747 = arith.select %eq3A_745, %broadcast_in_dim3A_746, %select_n3A_680 : vector<16xi1>, vector<16xi32>
        %convert_element_type3A_748 = arith.extui %ne3A_711 : i1 to i32
        %cond3A_749 = arith.constant 0 : i32
        %cond3A_750 = arith.cmpi ne, %convert_element_type3A_748, %cond3A_749 : i32
        scf.if %cond3A_750 {
          %broadcast_in_dim3A_1488 = vector.broadcast %select_n3A_727 : i32 to vector<16xi32>
          tpu.vector_store_idx %arg9[%broadcast_in_dim3A_1488, %iota3A], %add3A_700 : memref<256x64xf32, #tpu.memory_space<vmem>>[vector<16xi32>, vector<16xi32>], vector<16xf32>,
          %add3A_1489 = arith.constant 16 : i32
          %add3A_1490 = vector.broadcast %add3A_1489 : i32 to vector<16xi32>
          %add3A_1491 = arith.addi %iota3A, %add3A_1490 : vector<16xi32>
          tpu.vector_store_idx %arg9[%broadcast_in_dim3A_1488, %add3A_1491], %add3A_702 : memref<256x64xf32, #tpu.memory_space<vmem>>[vector<16xi32>, vector<16xi32>], vector<16xf32>,
          %add3A_1492 = arith.constant 32 : i32
          %add3A_1493 = vector.broadcast %add3A_1492 : i32 to vector<16xi32>
          %add3A_1494 = arith.addi %iota3A, %add3A_1493 : vector<16xi32>
          tpu.vector_store_idx %arg9[%broadcast_in_dim3A_1488, %add3A_1494], %add3A_704 : memref<256x64xf32, #tpu.memory_space<vmem>>[vector<16xi32>, vector<16xi32>], vector<16xf32>,
          %add3A_1495 = arith.constant 48 : i32
          %add3A_1496 = vector.broadcast %add3A_1495 : i32 to vector<16xi32>
          %add3A_1497 = arith.addi %iota3A, %add3A_1496 : vector<16xi32>
          tpu.vector_store_idx %arg9[%broadcast_in_dim3A_1488, %add3A_1497], %add3A_706 : memref<256x64xf32, #tpu.memory_space<vmem>>[vector<16xi32>, vector<16xi32>], vector<16xf32>,
          %jit3A_1498 = arith.constant 16 : i32
          %div3A_1499 = arith.divsi %select_n3A_727, %jit3A_1498 : i32
          %sign3A_1500 = arith.constant 0 : i32
          %sign3A_1501 = arith.cmpi sgt, %select_n3A_727, %sign3A_1500 : i32
          %sign3A_1502 = arith.extui %sign3A_1501 : i1 to i32
          %sign3A_1503 = arith.constant 0 : i32
          %sign3A_1504 = arith.cmpi slt, %select_n3A_727, %sign3A_1503 : i32
          %sign3A_1505 = arith.extui %sign3A_1504 : i1 to i32
          %sign3A_1506 = arith.subi %sign3A_1502, %sign3A_1505 : i32
          %sign3A_1507 = arith.constant 0 : i32
          %sign3A_1508 = arith.cmpi sgt, %jit3A_1498, %sign3A_1507 : i32
          %sign3A_1509 = arith.extui %sign3A_1508 : i1 to i32
          %sign3A_1510 = arith.constant 0 : i32
          %sign3A_1511 = arith.cmpi slt, %jit3A_1498, %sign3A_1510 : i32
          %sign3A_1512 = arith.extui %sign3A_1511 : i1 to i32
          %sign3A_1513 = arith.subi %sign3A_1509, %sign3A_1512 : i32
          %ne3A_1514 = arith.cmpi ne, %sign3A_1506, %sign3A_1513 : i32
          %rem3A_1515 = arith.remsi %select_n3A_727, %jit3A_1498 : i32
          %ne3A_1516 = arith.constant 0 : i32
          %ne3A_1517 = arith.cmpi ne, %rem3A_1515, %ne3A_1516 : i32
          %and3A_1518 = arith.andi %ne3A_1514, %ne3A_1517 : i1
          %sub3A_1519 = arith.constant 1 : i32
          %sub3A_1520 = arith.subi %div3A_1499, %sub3A_1519 : i32
          %select_n3A_1521 = arith.select %and3A_1518, %sub3A_1520, %div3A_1499 : i32
          %mul3A_1522 = arith.constant 16 : i32
          %mul3A_1523 = arith.muli %select_n3A_1521, %mul3A_1522 : i32
          %multiple_of3A_1524 = tpu.assume_multiple %mul3A_1523, 16 : i32
          %swap3A_1525 = arith.index_cast %multiple_of3A_1524 : i32 to index
          %swap3A_1526 = tpu.vector_load %arg10[%swap3A_1525] {strides = array<i32>} : memref<256xi32, #tpu.memory_space<vmem>>, vector<16xi32>,
          tpu.vector_store %arg10[%swap3A_1525], %select_n3A_747 {strides = array<i32>} : memref<256xi32, #tpu.memory_space<vmem>>, vector<16xi32>,
        } else {
        }
        %select_n3A_751 = arith.select %ne3A_711, %select_n3A_747, %select_n3A_680 : vector<16xi32>
        %convert_element_type3A_752 = arith.extui %ne3A_711 : i1 to i32
        %add3A_753 = arith.addi %add3A_682, %convert_element_type3A_752 : i32
        %mul3A_754 = arith.constant 64 : i32
        %mul3A_755 = arith.muli %squeeze3A_708, %mul3A_754 : i32
        %get3A_756 = arith.index_cast %mul3A_755 : i32 to index
        %get3A_757 = tpu.vector_load %arg8[%get3A_756] {strides = array<i32>} : memref<8192xf32, #tpu.memory_space<vmem>>, vector<16xf32>,
        %add3A_758 = arith.constant 16 : i32
        %add3A_759 = arith.addi %mul3A_755, %add3A_758 : i32
        %get3A_760 = arith.index_cast %add3A_759 : i32 to index
        %get3A_761 = tpu.vector_load %arg8[%get3A_760] {strides = array<i32>} : memref<8192xf32, #tpu.memory_space<vmem>>, vector<16xf32>,
        %add3A_762 = arith.constant 32 : i32
        %add3A_763 = arith.addi %mul3A_755, %add3A_762 : i32
        %get3A_764 = arith.index_cast %add3A_763 : i32 to index
        %get3A_765 = tpu.vector_load %arg8[%get3A_764] {strides = array<i32>} : memref<8192xf32, #tpu.memory_space<vmem>>, vector<16xf32>,
        %add3A_766 = arith.constant 48 : i32
        %add3A_767 = arith.addi %mul3A_755, %add3A_766 : i32
        %get3A_768 = arith.index_cast %add3A_767 : i32 to index
        %get3A_769 = tpu.vector_load %arg8[%get3A_768] {strides = array<i32>} : memref<8192xf32, #tpu.memory_space<vmem>>, vector<16xf32>,
        %select_n3A_770 = arith.select %ne3A_711, %broadcast_in_dim3A_95, %add3A_700 : vector<16xf32>
        %add3A_771 = arith.addf %get3A_757, %select_n3A_770 : vector<16xf32>
        %select_n3A_772 = arith.select %ne3A_711, %broadcast_in_dim3A_95, %add3A_702 : vector<16xf32>
        %add3A_773 = arith.addf %get3A_761, %select_n3A_772 : vector<16xf32>
        %select_n3A_774 = arith.select %ne3A_711, %broadcast_in_dim3A_95, %add3A_704 : vector<16xf32>
        %add3A_775 = arith.addf %get3A_765, %select_n3A_774 : vector<16xf32>
        %select_n3A_776 = arith.select %ne3A_711, %broadcast_in_dim3A_95, %add3A_706 : vector<16xf32>
        %add3A_777 = arith.addf %get3A_769, %select_n3A_776 : vector<16xf32>
        %slice3A_778 = vector.extract_strided_slice %get3A_351 {offsets = [6], sizes = [1], strides = [1]} : vector<16xi32> to vector<1xi32>
        %squeeze3A_779 = vector.extract %slice3A_778[0] : i32 from vector<1xi32>
        %slice3A_780 = vector.extract_strided_slice %get3A_353 {offsets = [6], sizes = [1], strides = [1]} : vector<16xi32> to vector<1xi32>
        %squeeze3A_781 = vector.extract %slice3A_780[0] : i32 from vector<1xi32>
        %ne3A_782 = arith.cmpi ne, %squeeze3A_781, %squeeze3A_710 : i32
        %jit3A_783 = arith.constant 256 : i32
        %eq3A_784 = arith.constant 0 : i32
        %eq3A_785 = arith.cmpi eq, %jit3A_783, %eq3A_784 : i32
        %jit3A_786 = arith.constant 1 : i32
        %select_n3A_787 = arith.select %eq3A_785, %jit3A_786, %jit3A_783 : i32
        %rem3A_788 = arith.remsi %add3A_753, %select_n3A_787 : i32
        %ne3A_789 = arith.constant 0 : i32
        %ne3A_790 = arith.cmpi ne, %rem3A_788, %ne3A_789 : i32
        %lt3A_791 = arith.constant 0 : i32
        %lt3A_792 = arith.cmpi slt, %rem3A_788, %lt3A_791 : i32
        %lt3A_793 = arith.constant 0 : i32
        %lt3A_794 = arith.cmpi slt, %select_n3A_787, %lt3A_793 : i32
        %ne3A_795 = arith.xori %lt3A_792, %lt3A_794 : i1
        %and3A_796 = arith.andi %ne3A_795, %ne3A_790 : i1
        %add3A_797 = arith.addi %rem3A_788, %select_n3A_787 : i32
        %select_n3A_798 = arith.select %and3A_796, %add3A_797, %rem3A_788 : i32
        %jit3A_799 = arith.constant 16 : i32
        %eq3A_800 = arith.constant 0 : i32
        %eq3A_801 = arith.cmpi eq, %jit3A_799, %eq3A_800 : i32
        %jit3A_802 = arith.constant 1 : i32
        %select_n3A_803 = arith.select %eq3A_801, %jit3A_802, %jit3A_799 : i32
        %rem3A_804 = arith.remsi %select_n3A_798, %select_n3A_803 : i32
        %ne3A_805 = arith.constant 0 : i32
        %ne3A_806 = arith.cmpi ne, %rem3A_804, %ne3A_805 : i32
        %lt3A_807 = arith.constant 0 : i32
        %lt3A_808 = arith.cmpi slt, %rem3A_804, %lt3A_807 : i32
        %lt3A_809 = arith.constant 0 : i32
        %lt3A_810 = arith.cmpi slt, %select_n3A_803, %lt3A_809 : i32
        %ne3A_811 = arith.xori %lt3A_808, %lt3A_810 : i1
        %and3A_812 = arith.andi %ne3A_811, %ne3A_806 : i1
        %add3A_813 = arith.addi %rem3A_804, %select_n3A_803 : i32
        %select_n3A_814 = arith.select %and3A_812, %add3A_813, %rem3A_804 : i32
        %eq3A_815 = vector.broadcast %select_n3A_814 : i32 to vector<16xi32>
        %eq3A_816 = arith.cmpi eq, %iota3A, %eq3A_815 : vector<16xi32>
        %broadcast_in_dim3A_817 = vector.broadcast %squeeze3A_710 : i32 to vector<16xi32>
        %select_n3A_818 = arith.select %eq3A_816, %broadcast_in_dim3A_817, %select_n3A_751 : vector<16xi1>, vector<16xi32>
        %convert_element_type3A_819 = arith.extui %ne3A_782 : i1 to i32
        %cond3A_820 = arith.constant 0 : i32
        %cond3A_821 = arith.cmpi ne, %convert_element_type3A_819, %cond3A_820 : i32
        scf.if %cond3A_821 {
          %broadcast_in_dim3A_1488 = vector.broadcast %select_n3A_798 : i32 to vector<16xi32>
          tpu.vector_store_idx %arg9[%broadcast_in_dim3A_1488, %iota3A], %add3A_771 : memref<256x64xf32, #tpu.memory_space<vmem>>[vector<16xi32>, vector<16xi32>], vector<16xf32>,
          %add3A_1489 = arith.constant 16 : i32
          %add3A_1490 = vector.broadcast %add3A_1489 : i32 to vector<16xi32>
          %add3A_1491 = arith.addi %iota3A, %add3A_1490 : vector<16xi32>
          tpu.vector_store_idx %arg9[%broadcast_in_dim3A_1488, %add3A_1491], %add3A_773 : memref<256x64xf32, #tpu.memory_space<vmem>>[vector<16xi32>, vector<16xi32>], vector<16xf32>,
          %add3A_1492 = arith.constant 32 : i32
          %add3A_1493 = vector.broadcast %add3A_1492 : i32 to vector<16xi32>
          %add3A_1494 = arith.addi %iota3A, %add3A_1493 : vector<16xi32>
          tpu.vector_store_idx %arg9[%broadcast_in_dim3A_1488, %add3A_1494], %add3A_775 : memref<256x64xf32, #tpu.memory_space<vmem>>[vector<16xi32>, vector<16xi32>], vector<16xf32>,
          %add3A_1495 = arith.constant 48 : i32
          %add3A_1496 = vector.broadcast %add3A_1495 : i32 to vector<16xi32>
          %add3A_1497 = arith.addi %iota3A, %add3A_1496 : vector<16xi32>
          tpu.vector_store_idx %arg9[%broadcast_in_dim3A_1488, %add3A_1497], %add3A_777 : memref<256x64xf32, #tpu.memory_space<vmem>>[vector<16xi32>, vector<16xi32>], vector<16xf32>,
          %jit3A_1498 = arith.constant 16 : i32
          %div3A_1499 = arith.divsi %select_n3A_798, %jit3A_1498 : i32
          %sign3A_1500 = arith.constant 0 : i32
          %sign3A_1501 = arith.cmpi sgt, %select_n3A_798, %sign3A_1500 : i32
          %sign3A_1502 = arith.extui %sign3A_1501 : i1 to i32
          %sign3A_1503 = arith.constant 0 : i32
          %sign3A_1504 = arith.cmpi slt, %select_n3A_798, %sign3A_1503 : i32
          %sign3A_1505 = arith.extui %sign3A_1504 : i1 to i32
          %sign3A_1506 = arith.subi %sign3A_1502, %sign3A_1505 : i32
          %sign3A_1507 = arith.constant 0 : i32
          %sign3A_1508 = arith.cmpi sgt, %jit3A_1498, %sign3A_1507 : i32
          %sign3A_1509 = arith.extui %sign3A_1508 : i1 to i32
          %sign3A_1510 = arith.constant 0 : i32
          %sign3A_1511 = arith.cmpi slt, %jit3A_1498, %sign3A_1510 : i32
          %sign3A_1512 = arith.extui %sign3A_1511 : i1 to i32
          %sign3A_1513 = arith.subi %sign3A_1509, %sign3A_1512 : i32
          %ne3A_1514 = arith.cmpi ne, %sign3A_1506, %sign3A_1513 : i32
          %rem3A_1515 = arith.remsi %select_n3A_798, %jit3A_1498 : i32
          %ne3A_1516 = arith.constant 0 : i32
          %ne3A_1517 = arith.cmpi ne, %rem3A_1515, %ne3A_1516 : i32
          %and3A_1518 = arith.andi %ne3A_1514, %ne3A_1517 : i1
          %sub3A_1519 = arith.constant 1 : i32
          %sub3A_1520 = arith.subi %div3A_1499, %sub3A_1519 : i32
          %select_n3A_1521 = arith.select %and3A_1518, %sub3A_1520, %div3A_1499 : i32
          %mul3A_1522 = arith.constant 16 : i32
          %mul3A_1523 = arith.muli %select_n3A_1521, %mul3A_1522 : i32
          %multiple_of3A_1524 = tpu.assume_multiple %mul3A_1523, 16 : i32
          %swap3A_1525 = arith.index_cast %multiple_of3A_1524 : i32 to index
          %swap3A_1526 = tpu.vector_load %arg10[%swap3A_1525] {strides = array<i32>} : memref<256xi32, #tpu.memory_space<vmem>>, vector<16xi32>,
          tpu.vector_store %arg10[%swap3A_1525], %select_n3A_818 {strides = array<i32>} : memref<256xi32, #tpu.memory_space<vmem>>, vector<16xi32>,
        } else {
        }
        %select_n3A_822 = arith.select %ne3A_782, %select_n3A_818, %select_n3A_751 : vector<16xi32>
        %convert_element_type3A_823 = arith.extui %ne3A_782 : i1 to i32
        %add3A_824 = arith.addi %add3A_753, %convert_element_type3A_823 : i32
        %mul3A_825 = arith.constant 64 : i32
        %mul3A_826 = arith.muli %squeeze3A_779, %mul3A_825 : i32
        %get3A_827 = arith.index_cast %mul3A_826 : i32 to index
        %get3A_828 = tpu.vector_load %arg8[%get3A_827] {strides = array<i32>} : memref<8192xf32, #tpu.memory_space<vmem>>, vector<16xf32>,
        %add3A_829 = arith.constant 16 : i32
        %add3A_830 = arith.addi %mul3A_826, %add3A_829 : i32
        %get3A_831 = arith.index_cast %add3A_830 : i32 to index
        %get3A_832 = tpu.vector_load %arg8[%get3A_831] {strides = array<i32>} : memref<8192xf32, #tpu.memory_space<vmem>>, vector<16xf32>,
        %add3A_833 = arith.constant 32 : i32
        %add3A_834 = arith.addi %mul3A_826, %add3A_833 : i32
        %get3A_835 = arith.index_cast %add3A_834 : i32 to index
        %get3A_836 = tpu.vector_load %arg8[%get3A_835] {strides = array<i32>} : memref<8192xf32, #tpu.memory_space<vmem>>, vector<16xf32>,
        %add3A_837 = arith.constant 48 : i32
        %add3A_838 = arith.addi %mul3A_826, %add3A_837 : i32
        %get3A_839 = arith.index_cast %add3A_838 : i32 to index
        %get3A_840 = tpu.vector_load %arg8[%get3A_839] {strides = array<i32>} : memref<8192xf32, #tpu.memory_space<vmem>>, vector<16xf32>,
        %select_n3A_841 = arith.select %ne3A_782, %broadcast_in_dim3A_95, %add3A_771 : vector<16xf32>
        %add3A_842 = arith.addf %get3A_828, %select_n3A_841 : vector<16xf32>
        %select_n3A_843 = arith.select %ne3A_782, %broadcast_in_dim3A_95, %add3A_773 : vector<16xf32>
        %add3A_844 = arith.addf %get3A_832, %select_n3A_843 : vector<16xf32>
        %select_n3A_845 = arith.select %ne3A_782, %broadcast_in_dim3A_95, %add3A_775 : vector<16xf32>
        %add3A_846 = arith.addf %get3A_836, %select_n3A_845 : vector<16xf32>
        %select_n3A_847 = arith.select %ne3A_782, %broadcast_in_dim3A_95, %add3A_777 : vector<16xf32>
        %add3A_848 = arith.addf %get3A_840, %select_n3A_847 : vector<16xf32>
        %slice3A_849 = vector.extract_strided_slice %get3A_351 {offsets = [7], sizes = [1], strides = [1]} : vector<16xi32> to vector<1xi32>
        %squeeze3A_850 = vector.extract %slice3A_849[0] : i32 from vector<1xi32>
        %slice3A_851 = vector.extract_strided_slice %get3A_353 {offsets = [7], sizes = [1], strides = [1]} : vector<16xi32> to vector<1xi32>
        %squeeze3A_852 = vector.extract %slice3A_851[0] : i32 from vector<1xi32>
        %ne3A_853 = arith.cmpi ne, %squeeze3A_852, %squeeze3A_781 : i32
        %jit3A_854 = arith.constant 256 : i32
        %eq3A_855 = arith.constant 0 : i32
        %eq3A_856 = arith.cmpi eq, %jit3A_854, %eq3A_855 : i32
        %jit3A_857 = arith.constant 1 : i32
        %select_n3A_858 = arith.select %eq3A_856, %jit3A_857, %jit3A_854 : i32
        %rem3A_859 = arith.remsi %add3A_824, %select_n3A_858 : i32
        %ne3A_860 = arith.constant 0 : i32
        %ne3A_861 = arith.cmpi ne, %rem3A_859, %ne3A_860 : i32
        %lt3A_862 = arith.constant 0 : i32
        %lt3A_863 = arith.cmpi slt, %rem3A_859, %lt3A_862 : i32
        %lt3A_864 = arith.constant 0 : i32
        %lt3A_865 = arith.cmpi slt, %select_n3A_858, %lt3A_864 : i32
        %ne3A_866 = arith.xori %lt3A_863, %lt3A_865 : i1
        %and3A_867 = arith.andi %ne3A_866, %ne3A_861 : i1
        %add3A_868 = arith.addi %rem3A_859, %select_n3A_858 : i32
        %select_n3A_869 = arith.select %and3A_867, %add3A_868, %rem3A_859 : i32
        %jit3A_870 = arith.constant 16 : i32
        %eq3A_871 = arith.constant 0 : i32
        %eq3A_872 = arith.cmpi eq, %jit3A_870, %eq3A_871 : i32
        %jit3A_873 = arith.constant 1 : i32
        %select_n3A_874 = arith.select %eq3A_872, %jit3A_873, %jit3A_870 : i32
        %rem3A_875 = arith.remsi %select_n3A_869, %select_n3A_874 : i32
        %ne3A_876 = arith.constant 0 : i32
        %ne3A_877 = arith.cmpi ne, %rem3A_875, %ne3A_876 : i32
        %lt3A_878 = arith.constant 0 : i32
        %lt3A_879 = arith.cmpi slt, %rem3A_875, %lt3A_878 : i32
        %lt3A_880 = arith.constant 0 : i32
        %lt3A_881 = arith.cmpi slt, %select_n3A_874, %lt3A_880 : i32
        %ne3A_882 = arith.xori %lt3A_879, %lt3A_881 : i1
        %and3A_883 = arith.andi %ne3A_882, %ne3A_877 : i1
        %add3A_884 = arith.addi %rem3A_875, %select_n3A_874 : i32
        %select_n3A_885 = arith.select %and3A_883, %add3A_884, %rem3A_875 : i32
        %eq3A_886 = vector.broadcast %select_n3A_885 : i32 to vector<16xi32>
        %eq3A_887 = arith.cmpi eq, %iota3A, %eq3A_886 : vector<16xi32>
        %broadcast_in_dim3A_888 = vector.broadcast %squeeze3A_781 : i32 to vector<16xi32>
        %select_n3A_889 = arith.select %eq3A_887, %broadcast_in_dim3A_888, %select_n3A_822 : vector<16xi1>, vector<16xi32>
        %convert_element_type3A_890 = arith.extui %ne3A_853 : i1 to i32
        %cond3A_891 = arith.constant 0 : i32
        %cond3A_892 = arith.cmpi ne, %convert_element_type3A_890, %cond3A_891 : i32
        scf.if %cond3A_892 {
          %broadcast_in_dim3A_1488 = vector.broadcast %select_n3A_869 : i32 to vector<16xi32>
          tpu.vector_store_idx %arg9[%broadcast_in_dim3A_1488, %iota3A], %add3A_842 : memref<256x64xf32, #tpu.memory_space<vmem>>[vector<16xi32>, vector<16xi32>], vector<16xf32>,
          %add3A_1489 = arith.constant 16 : i32
          %add3A_1490 = vector.broadcast %add3A_1489 : i32 to vector<16xi32>
          %add3A_1491 = arith.addi %iota3A, %add3A_1490 : vector<16xi32>
          tpu.vector_store_idx %arg9[%broadcast_in_dim3A_1488, %add3A_1491], %add3A_844 : memref<256x64xf32, #tpu.memory_space<vmem>>[vector<16xi32>, vector<16xi32>], vector<16xf32>,
          %add3A_1492 = arith.constant 32 : i32
          %add3A_1493 = vector.broadcast %add3A_1492 : i32 to vector<16xi32>
          %add3A_1494 = arith.addi %iota3A, %add3A_1493 : vector<16xi32>
          tpu.vector_store_idx %arg9[%broadcast_in_dim3A_1488, %add3A_1494], %add3A_846 : memref<256x64xf32, #tpu.memory_space<vmem>>[vector<16xi32>, vector<16xi32>], vector<16xf32>,
          %add3A_1495 = arith.constant 48 : i32
          %add3A_1496 = vector.broadcast %add3A_1495 : i32 to vector<16xi32>
          %add3A_1497 = arith.addi %iota3A, %add3A_1496 : vector<16xi32>
          tpu.vector_store_idx %arg9[%broadcast_in_dim3A_1488, %add3A_1497], %add3A_848 : memref<256x64xf32, #tpu.memory_space<vmem>>[vector<16xi32>, vector<16xi32>], vector<16xf32>,
          %jit3A_1498 = arith.constant 16 : i32
          %div3A_1499 = arith.divsi %select_n3A_869, %jit3A_1498 : i32
          %sign3A_1500 = arith.constant 0 : i32
          %sign3A_1501 = arith.cmpi sgt, %select_n3A_869, %sign3A_1500 : i32
          %sign3A_1502 = arith.extui %sign3A_1501 : i1 to i32
          %sign3A_1503 = arith.constant 0 : i32
          %sign3A_1504 = arith.cmpi slt, %select_n3A_869, %sign3A_1503 : i32
          %sign3A_1505 = arith.extui %sign3A_1504 : i1 to i32
          %sign3A_1506 = arith.subi %sign3A_1502, %sign3A_1505 : i32
          %sign3A_1507 = arith.constant 0 : i32
          %sign3A_1508 = arith.cmpi sgt, %jit3A_1498, %sign3A_1507 : i32
          %sign3A_1509 = arith.extui %sign3A_1508 : i1 to i32
          %sign3A_1510 = arith.constant 0 : i32
          %sign3A_1511 = arith.cmpi slt, %jit3A_1498, %sign3A_1510 : i32
          %sign3A_1512 = arith.extui %sign3A_1511 : i1 to i32
          %sign3A_1513 = arith.subi %sign3A_1509, %sign3A_1512 : i32
          %ne3A_1514 = arith.cmpi ne, %sign3A_1506, %sign3A_1513 : i32
          %rem3A_1515 = arith.remsi %select_n3A_869, %jit3A_1498 : i32
          %ne3A_1516 = arith.constant 0 : i32
          %ne3A_1517 = arith.cmpi ne, %rem3A_1515, %ne3A_1516 : i32
          %and3A_1518 = arith.andi %ne3A_1514, %ne3A_1517 : i1
          %sub3A_1519 = arith.constant 1 : i32
          %sub3A_1520 = arith.subi %div3A_1499, %sub3A_1519 : i32
          %select_n3A_1521 = arith.select %and3A_1518, %sub3A_1520, %div3A_1499 : i32
          %mul3A_1522 = arith.constant 16 : i32
          %mul3A_1523 = arith.muli %select_n3A_1521, %mul3A_1522 : i32
          %multiple_of3A_1524 = tpu.assume_multiple %mul3A_1523, 16 : i32
          %swap3A_1525 = arith.index_cast %multiple_of3A_1524 : i32 to index
          %swap3A_1526 = tpu.vector_load %arg10[%swap3A_1525] {strides = array<i32>} : memref<256xi32, #tpu.memory_space<vmem>>, vector<16xi32>,
          tpu.vector_store %arg10[%swap3A_1525], %select_n3A_889 {strides = array<i32>} : memref<256xi32, #tpu.memory_space<vmem>>, vector<16xi32>,
        } else {
        }
        %select_n3A_893 = arith.select %ne3A_853, %select_n3A_889, %select_n3A_822 : vector<16xi32>
        %convert_element_type3A_894 = arith.extui %ne3A_853 : i1 to i32
        %add3A_895 = arith.addi %add3A_824, %convert_element_type3A_894 : i32
        %mul3A_896 = arith.constant 64 : i32
        %mul3A_897 = arith.muli %squeeze3A_850, %mul3A_896 : i32
        %get3A_898 = arith.index_cast %mul3A_897 : i32 to index
        %get3A_899 = tpu.vector_load %arg8[%get3A_898] {strides = array<i32>} : memref<8192xf32, #tpu.memory_space<vmem>>, vector<16xf32>,
        %add3A_900 = arith.constant 16 : i32
        %add3A_901 = arith.addi %mul3A_897, %add3A_900 : i32
        %get3A_902 = arith.index_cast %add3A_901 : i32 to index
        %get3A_903 = tpu.vector_load %arg8[%get3A_902] {strides = array<i32>} : memref<8192xf32, #tpu.memory_space<vmem>>, vector<16xf32>,
        %add3A_904 = arith.constant 32 : i32
        %add3A_905 = arith.addi %mul3A_897, %add3A_904 : i32
        %get3A_906 = arith.index_cast %add3A_905 : i32 to index
        %get3A_907 = tpu.vector_load %arg8[%get3A_906] {strides = array<i32>} : memref<8192xf32, #tpu.memory_space<vmem>>, vector<16xf32>,
        %add3A_908 = arith.constant 48 : i32
        %add3A_909 = arith.addi %mul3A_897, %add3A_908 : i32
        %get3A_910 = arith.index_cast %add3A_909 : i32 to index
        %get3A_911 = tpu.vector_load %arg8[%get3A_910] {strides = array<i32>} : memref<8192xf32, #tpu.memory_space<vmem>>, vector<16xf32>,
        %select_n3A_912 = arith.select %ne3A_853, %broadcast_in_dim3A_95, %add3A_842 : vector<16xf32>
        %add3A_913 = arith.addf %get3A_899, %select_n3A_912 : vector<16xf32>
        %select_n3A_914 = arith.select %ne3A_853, %broadcast_in_dim3A_95, %add3A_844 : vector<16xf32>
        %add3A_915 = arith.addf %get3A_903, %select_n3A_914 : vector<16xf32>
        %select_n3A_916 = arith.select %ne3A_853, %broadcast_in_dim3A_95, %add3A_846 : vector<16xf32>
        %add3A_917 = arith.addf %get3A_907, %select_n3A_916 : vector<16xf32>
        %select_n3A_918 = arith.select %ne3A_853, %broadcast_in_dim3A_95, %add3A_848 : vector<16xf32>
        %add3A_919 = arith.addf %get3A_911, %select_n3A_918 : vector<16xf32>
        %slice3A_920 = vector.extract_strided_slice %get3A_351 {offsets = [8], sizes = [1], strides = [1]} : vector<16xi32> to vector<1xi32>
        %squeeze3A_921 = vector.extract %slice3A_920[0] : i32 from vector<1xi32>
        %slice3A_922 = vector.extract_strided_slice %get3A_353 {offsets = [8], sizes = [1], strides = [1]} : vector<16xi32> to vector<1xi32>
        %squeeze3A_923 = vector.extract %slice3A_922[0] : i32 from vector<1xi32>
        %ne3A_924 = arith.cmpi ne, %squeeze3A_923, %squeeze3A_852 : i32
        %jit3A_925 = arith.constant 256 : i32
        %eq3A_926 = arith.constant 0 : i32
        %eq3A_927 = arith.cmpi eq, %jit3A_925, %eq3A_926 : i32
        %jit3A_928 = arith.constant 1 : i32
        %select_n3A_929 = arith.select %eq3A_927, %jit3A_928, %jit3A_925 : i32
        %rem3A_930 = arith.remsi %add3A_895, %select_n3A_929 : i32
        %ne3A_931 = arith.constant 0 : i32
        %ne3A_932 = arith.cmpi ne, %rem3A_930, %ne3A_931 : i32
        %lt3A_933 = arith.constant 0 : i32
        %lt3A_934 = arith.cmpi slt, %rem3A_930, %lt3A_933 : i32
        %lt3A_935 = arith.constant 0 : i32
        %lt3A_936 = arith.cmpi slt, %select_n3A_929, %lt3A_935 : i32
        %ne3A_937 = arith.xori %lt3A_934, %lt3A_936 : i1
        %and3A_938 = arith.andi %ne3A_937, %ne3A_932 : i1
        %add3A_939 = arith.addi %rem3A_930, %select_n3A_929 : i32
        %select_n3A_940 = arith.select %and3A_938, %add3A_939, %rem3A_930 : i32
        %jit3A_941 = arith.constant 16 : i32
        %eq3A_942 = arith.constant 0 : i32
        %eq3A_943 = arith.cmpi eq, %jit3A_941, %eq3A_942 : i32
        %jit3A_944 = arith.constant 1 : i32
        %select_n3A_945 = arith.select %eq3A_943, %jit3A_944, %jit3A_941 : i32
        %rem3A_946 = arith.remsi %select_n3A_940, %select_n3A_945 : i32
        %ne3A_947 = arith.constant 0 : i32
        %ne3A_948 = arith.cmpi ne, %rem3A_946, %ne3A_947 : i32
        %lt3A_949 = arith.constant 0 : i32
        %lt3A_950 = arith.cmpi slt, %rem3A_946, %lt3A_949 : i32
        %lt3A_951 = arith.constant 0 : i32
        %lt3A_952 = arith.cmpi slt, %select_n3A_945, %lt3A_951 : i32
        %ne3A_953 = arith.xori %lt3A_950, %lt3A_952 : i1
        %and3A_954 = arith.andi %ne3A_953, %ne3A_948 : i1
        %add3A_955 = arith.addi %rem3A_946, %select_n3A_945 : i32
        %select_n3A_956 = arith.select %and3A_954, %add3A_955, %rem3A_946 : i32
        %eq3A_957 = vector.broadcast %select_n3A_956 : i32 to vector<16xi32>
        %eq3A_958 = arith.cmpi eq, %iota3A, %eq3A_957 : vector<16xi32>
        %broadcast_in_dim3A_959 = vector.broadcast %squeeze3A_852 : i32 to vector<16xi32>
        %select_n3A_960 = arith.select %eq3A_958, %broadcast_in_dim3A_959, %select_n3A_893 : vector<16xi1>, vector<16xi32>
        %convert_element_type3A_961 = arith.extui %ne3A_924 : i1 to i32
        %cond3A_962 = arith.constant 0 : i32
        %cond3A_963 = arith.cmpi ne, %convert_element_type3A_961, %cond3A_962 : i32
        scf.if %cond3A_963 {
          %broadcast_in_dim3A_1488 = vector.broadcast %select_n3A_940 : i32 to vector<16xi32>
          tpu.vector_store_idx %arg9[%broadcast_in_dim3A_1488, %iota3A], %add3A_913 : memref<256x64xf32, #tpu.memory_space<vmem>>[vector<16xi32>, vector<16xi32>], vector<16xf32>,
          %add3A_1489 = arith.constant 16 : i32
          %add3A_1490 = vector.broadcast %add3A_1489 : i32 to vector<16xi32>
          %add3A_1491 = arith.addi %iota3A, %add3A_1490 : vector<16xi32>
          tpu.vector_store_idx %arg9[%broadcast_in_dim3A_1488, %add3A_1491], %add3A_915 : memref<256x64xf32, #tpu.memory_space<vmem>>[vector<16xi32>, vector<16xi32>], vector<16xf32>,
          %add3A_1492 = arith.constant 32 : i32
          %add3A_1493 = vector.broadcast %add3A_1492 : i32 to vector<16xi32>
          %add3A_1494 = arith.addi %iota3A, %add3A_1493 : vector<16xi32>
          tpu.vector_store_idx %arg9[%broadcast_in_dim3A_1488, %add3A_1494], %add3A_917 : memref<256x64xf32, #tpu.memory_space<vmem>>[vector<16xi32>, vector<16xi32>], vector<16xf32>,
          %add3A_1495 = arith.constant 48 : i32
          %add3A_1496 = vector.broadcast %add3A_1495 : i32 to vector<16xi32>
          %add3A_1497 = arith.addi %iota3A, %add3A_1496 : vector<16xi32>
          tpu.vector_store_idx %arg9[%broadcast_in_dim3A_1488, %add3A_1497], %add3A_919 : memref<256x64xf32, #tpu.memory_space<vmem>>[vector<16xi32>, vector<16xi32>], vector<16xf32>,
          %jit3A_1498 = arith.constant 16 : i32
          %div3A_1499 = arith.divsi %select_n3A_940, %jit3A_1498 : i32
          %sign3A_1500 = arith.constant 0 : i32
          %sign3A_1501 = arith.cmpi sgt, %select_n3A_940, %sign3A_1500 : i32
          %sign3A_1502 = arith.extui %sign3A_1501 : i1 to i32
          %sign3A_1503 = arith.constant 0 : i32
          %sign3A_1504 = arith.cmpi slt, %select_n3A_940, %sign3A_1503 : i32
          %sign3A_1505 = arith.extui %sign3A_1504 : i1 to i32
          %sign3A_1506 = arith.subi %sign3A_1502, %sign3A_1505 : i32
          %sign3A_1507 = arith.constant 0 : i32
          %sign3A_1508 = arith.cmpi sgt, %jit3A_1498, %sign3A_1507 : i32
          %sign3A_1509 = arith.extui %sign3A_1508 : i1 to i32
          %sign3A_1510 = arith.constant 0 : i32
          %sign3A_1511 = arith.cmpi slt, %jit3A_1498, %sign3A_1510 : i32
          %sign3A_1512 = arith.extui %sign3A_1511 : i1 to i32
          %sign3A_1513 = arith.subi %sign3A_1509, %sign3A_1512 : i32
          %ne3A_1514 = arith.cmpi ne, %sign3A_1506, %sign3A_1513 : i32
          %rem3A_1515 = arith.remsi %select_n3A_940, %jit3A_1498 : i32
          %ne3A_1516 = arith.constant 0 : i32
          %ne3A_1517 = arith.cmpi ne, %rem3A_1515, %ne3A_1516 : i32
          %and3A_1518 = arith.andi %ne3A_1514, %ne3A_1517 : i1
          %sub3A_1519 = arith.constant 1 : i32
          %sub3A_1520 = arith.subi %div3A_1499, %sub3A_1519 : i32
          %select_n3A_1521 = arith.select %and3A_1518, %sub3A_1520, %div3A_1499 : i32
          %mul3A_1522 = arith.constant 16 : i32
          %mul3A_1523 = arith.muli %select_n3A_1521, %mul3A_1522 : i32
          %multiple_of3A_1524 = tpu.assume_multiple %mul3A_1523, 16 : i32
          %swap3A_1525 = arith.index_cast %multiple_of3A_1524 : i32 to index
          %swap3A_1526 = tpu.vector_load %arg10[%swap3A_1525] {strides = array<i32>} : memref<256xi32, #tpu.memory_space<vmem>>, vector<16xi32>,
          tpu.vector_store %arg10[%swap3A_1525], %select_n3A_960 {strides = array<i32>} : memref<256xi32, #tpu.memory_space<vmem>>, vector<16xi32>,
        } else {
        }
        %select_n3A_964 = arith.select %ne3A_924, %select_n3A_960, %select_n3A_893 : vector<16xi32>
        %convert_element_type3A_965 = arith.extui %ne3A_924 : i1 to i32
        %add3A_966 = arith.addi %add3A_895, %convert_element_type3A_965 : i32
        %mul3A_967 = arith.constant 64 : i32
        %mul3A_968 = arith.muli %squeeze3A_921, %mul3A_967 : i32
        %get3A_969 = arith.index_cast %mul3A_968 : i32 to index
        %get3A_970 = tpu.vector_load %arg8[%get3A_969] {strides = array<i32>} : memref<8192xf32, #tpu.memory_space<vmem>>, vector<16xf32>,
        %add3A_971 = arith.constant 16 : i32
        %add3A_972 = arith.addi %mul3A_968, %add3A_971 : i32
        %get3A_973 = arith.index_cast %add3A_972 : i32 to index
        %get3A_974 = tpu.vector_load %arg8[%get3A_973] {strides = array<i32>} : memref<8192xf32, #tpu.memory_space<vmem>>, vector<16xf32>,
        %add3A_975 = arith.constant 32 : i32
        %add3A_976 = arith.addi %mul3A_968, %add3A_975 : i32
        %get3A_977 = arith.index_cast %add3A_976 : i32 to index
        %get3A_978 = tpu.vector_load %arg8[%get3A_977] {strides = array<i32>} : memref<8192xf32, #tpu.memory_space<vmem>>, vector<16xf32>,
        %add3A_979 = arith.constant 48 : i32
        %add3A_980 = arith.addi %mul3A_968, %add3A_979 : i32
        %get3A_981 = arith.index_cast %add3A_980 : i32 to index
        %get3A_982 = tpu.vector_load %arg8[%get3A_981] {strides = array<i32>} : memref<8192xf32, #tpu.memory_space<vmem>>, vector<16xf32>,
        %select_n3A_983 = arith.select %ne3A_924, %broadcast_in_dim3A_95, %add3A_913 : vector<16xf32>
        %add3A_984 = arith.addf %get3A_970, %select_n3A_983 : vector<16xf32>
        %select_n3A_985 = arith.select %ne3A_924, %broadcast_in_dim3A_95, %add3A_915 : vector<16xf32>
        %add3A_986 = arith.addf %get3A_974, %select_n3A_985 : vector<16xf32>
        %select_n3A_987 = arith.select %ne3A_924, %broadcast_in_dim3A_95, %add3A_917 : vector<16xf32>
        %add3A_988 = arith.addf %get3A_978, %select_n3A_987 : vector<16xf32>
        %select_n3A_989 = arith.select %ne3A_924, %broadcast_in_dim3A_95, %add3A_919 : vector<16xf32>
        %add3A_990 = arith.addf %get3A_982, %select_n3A_989 : vector<16xf32>
        %slice3A_991 = vector.extract_strided_slice %get3A_351 {offsets = [9], sizes = [1], strides = [1]} : vector<16xi32> to vector<1xi32>
        %squeeze3A_992 = vector.extract %slice3A_991[0] : i32 from vector<1xi32>
        %slice3A_993 = vector.extract_strided_slice %get3A_353 {offsets = [9], sizes = [1], strides = [1]} : vector<16xi32> to vector<1xi32>
        %squeeze3A_994 = vector.extract %slice3A_993[0] : i32 from vector<1xi32>
        %ne3A_995 = arith.cmpi ne, %squeeze3A_994, %squeeze3A_923 : i32
        %jit3A_996 = arith.constant 256 : i32
        %eq3A_997 = arith.constant 0 : i32
        %eq3A_998 = arith.cmpi eq, %jit3A_996, %eq3A_997 : i32
        %jit3A_999 = arith.constant 1 : i32
        %select_n3A_1000 = arith.select %eq3A_998, %jit3A_999, %jit3A_996 : i32
        %rem3A_1001 = arith.remsi %add3A_966, %select_n3A_1000 : i32
        %ne3A_1002 = arith.constant 0 : i32
        %ne3A_1003 = arith.cmpi ne, %rem3A_1001, %ne3A_1002 : i32
        %lt3A_1004 = arith.constant 0 : i32
        %lt3A_1005 = arith.cmpi slt, %rem3A_1001, %lt3A_1004 : i32
        %lt3A_1006 = arith.constant 0 : i32
        %lt3A_1007 = arith.cmpi slt, %select_n3A_1000, %lt3A_1006 : i32
        %ne3A_1008 = arith.xori %lt3A_1005, %lt3A_1007 : i1
        %and3A_1009 = arith.andi %ne3A_1008, %ne3A_1003 : i1
        %add3A_1010 = arith.addi %rem3A_1001, %select_n3A_1000 : i32
        %select_n3A_1011 = arith.select %and3A_1009, %add3A_1010, %rem3A_1001 : i32
        %jit3A_1012 = arith.constant 16 : i32
        %eq3A_1013 = arith.constant 0 : i32
        %eq3A_1014 = arith.cmpi eq, %jit3A_1012, %eq3A_1013 : i32
        %jit3A_1015 = arith.constant 1 : i32
        %select_n3A_1016 = arith.select %eq3A_1014, %jit3A_1015, %jit3A_1012 : i32
        %rem3A_1017 = arith.remsi %select_n3A_1011, %select_n3A_1016 : i32
        %ne3A_1018 = arith.constant 0 : i32
        %ne3A_1019 = arith.cmpi ne, %rem3A_1017, %ne3A_1018 : i32
        %lt3A_1020 = arith.constant 0 : i32
        %lt3A_1021 = arith.cmpi slt, %rem3A_1017, %lt3A_1020 : i32
        %lt3A_1022 = arith.constant 0 : i32
        %lt3A_1023 = arith.cmpi slt, %select_n3A_1016, %lt3A_1022 : i32
        %ne3A_1024 = arith.xori %lt3A_1021, %lt3A_1023 : i1
        %and3A_1025 = arith.andi %ne3A_1024, %ne3A_1019 : i1
        %add3A_1026 = arith.addi %rem3A_1017, %select_n3A_1016 : i32
        %select_n3A_1027 = arith.select %and3A_1025, %add3A_1026, %rem3A_1017 : i32
        %eq3A_1028 = vector.broadcast %select_n3A_1027 : i32 to vector<16xi32>
        %eq3A_1029 = arith.cmpi eq, %iota3A, %eq3A_1028 : vector<16xi32>
        %broadcast_in_dim3A_1030 = vector.broadcast %squeeze3A_923 : i32 to vector<16xi32>
        %select_n3A_1031 = arith.select %eq3A_1029, %broadcast_in_dim3A_1030, %select_n3A_964 : vector<16xi1>, vector<16xi32>
        %convert_element_type3A_1032 = arith.extui %ne3A_995 : i1 to i32
        %cond3A_1033 = arith.constant 0 : i32
        %cond3A_1034 = arith.cmpi ne, %convert_element_type3A_1032, %cond3A_1033 : i32
        scf.if %cond3A_1034 {
          %broadcast_in_dim3A_1488 = vector.broadcast %select_n3A_1011 : i32 to vector<16xi32>
          tpu.vector_store_idx %arg9[%broadcast_in_dim3A_1488, %iota3A], %add3A_984 : memref<256x64xf32, #tpu.memory_space<vmem>>[vector<16xi32>, vector<16xi32>], vector<16xf32>,
          %add3A_1489 = arith.constant 16 : i32
          %add3A_1490 = vector.broadcast %add3A_1489 : i32 to vector<16xi32>
          %add3A_1491 = arith.addi %iota3A, %add3A_1490 : vector<16xi32>
          tpu.vector_store_idx %arg9[%broadcast_in_dim3A_1488, %add3A_1491], %add3A_986 : memref<256x64xf32, #tpu.memory_space<vmem>>[vector<16xi32>, vector<16xi32>], vector<16xf32>,
          %add3A_1492 = arith.constant 32 : i32
          %add3A_1493 = vector.broadcast %add3A_1492 : i32 to vector<16xi32>
          %add3A_1494 = arith.addi %iota3A, %add3A_1493 : vector<16xi32>
          tpu.vector_store_idx %arg9[%broadcast_in_dim3A_1488, %add3A_1494], %add3A_988 : memref<256x64xf32, #tpu.memory_space<vmem>>[vector<16xi32>, vector<16xi32>], vector<16xf32>,
          %add3A_1495 = arith.constant 48 : i32
          %add3A_1496 = vector.broadcast %add3A_1495 : i32 to vector<16xi32>
          %add3A_1497 = arith.addi %iota3A, %add3A_1496 : vector<16xi32>
          tpu.vector_store_idx %arg9[%broadcast_in_dim3A_1488, %add3A_1497], %add3A_990 : memref<256x64xf32, #tpu.memory_space<vmem>>[vector<16xi32>, vector<16xi32>], vector<16xf32>,
          %jit3A_1498 = arith.constant 16 : i32
          %div3A_1499 = arith.divsi %select_n3A_1011, %jit3A_1498 : i32
          %sign3A_1500 = arith.constant 0 : i32
          %sign3A_1501 = arith.cmpi sgt, %select_n3A_1011, %sign3A_1500 : i32
          %sign3A_1502 = arith.extui %sign3A_1501 : i1 to i32
          %sign3A_1503 = arith.constant 0 : i32
          %sign3A_1504 = arith.cmpi slt, %select_n3A_1011, %sign3A_1503 : i32
          %sign3A_1505 = arith.extui %sign3A_1504 : i1 to i32
          %sign3A_1506 = arith.subi %sign3A_1502, %sign3A_1505 : i32
          %sign3A_1507 = arith.constant 0 : i32
          %sign3A_1508 = arith.cmpi sgt, %jit3A_1498, %sign3A_1507 : i32
          %sign3A_1509 = arith.extui %sign3A_1508 : i1 to i32
          %sign3A_1510 = arith.constant 0 : i32
          %sign3A_1511 = arith.cmpi slt, %jit3A_1498, %sign3A_1510 : i32
          %sign3A_1512 = arith.extui %sign3A_1511 : i1 to i32
          %sign3A_1513 = arith.subi %sign3A_1509, %sign3A_1512 : i32
          %ne3A_1514 = arith.cmpi ne, %sign3A_1506, %sign3A_1513 : i32
          %rem3A_1515 = arith.remsi %select_n3A_1011, %jit3A_1498 : i32
          %ne3A_1516 = arith.constant 0 : i32
          %ne3A_1517 = arith.cmpi ne, %rem3A_1515, %ne3A_1516 : i32
          %and3A_1518 = arith.andi %ne3A_1514, %ne3A_1517 : i1
          %sub3A_1519 = arith.constant 1 : i32
          %sub3A_1520 = arith.subi %div3A_1499, %sub3A_1519 : i32
          %select_n3A_1521 = arith.select %and3A_1518, %sub3A_1520, %div3A_1499 : i32
          %mul3A_1522 = arith.constant 16 : i32
          %mul3A_1523 = arith.muli %select_n3A_1521, %mul3A_1522 : i32
          %multiple_of3A_1524 = tpu.assume_multiple %mul3A_1523, 16 : i32
          %swap3A_1525 = arith.index_cast %multiple_of3A_1524 : i32 to index
          %swap3A_1526 = tpu.vector_load %arg10[%swap3A_1525] {strides = array<i32>} : memref<256xi32, #tpu.memory_space<vmem>>, vector<16xi32>,
          tpu.vector_store %arg10[%swap3A_1525], %select_n3A_1031 {strides = array<i32>} : memref<256xi32, #tpu.memory_space<vmem>>, vector<16xi32>,
        } else {
        }
        %select_n3A_1035 = arith.select %ne3A_995, %select_n3A_1031, %select_n3A_964 : vector<16xi32>
        %convert_element_type3A_1036 = arith.extui %ne3A_995 : i1 to i32
        %add3A_1037 = arith.addi %add3A_966, %convert_element_type3A_1036 : i32
        %mul3A_1038 = arith.constant 64 : i32
        %mul3A_1039 = arith.muli %squeeze3A_992, %mul3A_1038 : i32
        %get3A_1040 = arith.index_cast %mul3A_1039 : i32 to index
        %get3A_1041 = tpu.vector_load %arg8[%get3A_1040] {strides = array<i32>} : memref<8192xf32, #tpu.memory_space<vmem>>, vector<16xf32>,
        %add3A_1042 = arith.constant 16 : i32
        %add3A_1043 = arith.addi %mul3A_1039, %add3A_1042 : i32
        %get3A_1044 = arith.index_cast %add3A_1043 : i32 to index
        %get3A_1045 = tpu.vector_load %arg8[%get3A_1044] {strides = array<i32>} : memref<8192xf32, #tpu.memory_space<vmem>>, vector<16xf32>,
        %add3A_1046 = arith.constant 32 : i32
        %add3A_1047 = arith.addi %mul3A_1039, %add3A_1046 : i32
        %get3A_1048 = arith.index_cast %add3A_1047 : i32 to index
        %get3A_1049 = tpu.vector_load %arg8[%get3A_1048] {strides = array<i32>} : memref<8192xf32, #tpu.memory_space<vmem>>, vector<16xf32>,
        %add3A_1050 = arith.constant 48 : i32
        %add3A_1051 = arith.addi %mul3A_1039, %add3A_1050 : i32
        %get3A_1052 = arith.index_cast %add3A_1051 : i32 to index
        %get3A_1053 = tpu.vector_load %arg8[%get3A_1052] {strides = array<i32>} : memref<8192xf32, #tpu.memory_space<vmem>>, vector<16xf32>,
        %select_n3A_1054 = arith.select %ne3A_995, %broadcast_in_dim3A_95, %add3A_984 : vector<16xf32>
        %add3A_1055 = arith.addf %get3A_1041, %select_n3A_1054 : vector<16xf32>
        %select_n3A_1056 = arith.select %ne3A_995, %broadcast_in_dim3A_95, %add3A_986 : vector<16xf32>
        %add3A_1057 = arith.addf %get3A_1045, %select_n3A_1056 : vector<16xf32>
        %select_n3A_1058 = arith.select %ne3A_995, %broadcast_in_dim3A_95, %add3A_988 : vector<16xf32>
        %add3A_1059 = arith.addf %get3A_1049, %select_n3A_1058 : vector<16xf32>
        %select_n3A_1060 = arith.select %ne3A_995, %broadcast_in_dim3A_95, %add3A_990 : vector<16xf32>
        %add3A_1061 = arith.addf %get3A_1053, %select_n3A_1060 : vector<16xf32>
        %slice3A_1062 = vector.extract_strided_slice %get3A_351 {offsets = [10], sizes = [1], strides = [1]} : vector<16xi32> to vector<1xi32>
        %squeeze3A_1063 = vector.extract %slice3A_1062[0] : i32 from vector<1xi32>
        %slice3A_1064 = vector.extract_strided_slice %get3A_353 {offsets = [10], sizes = [1], strides = [1]} : vector<16xi32> to vector<1xi32>
        %squeeze3A_1065 = vector.extract %slice3A_1064[0] : i32 from vector<1xi32>
        %ne3A_1066 = arith.cmpi ne, %squeeze3A_1065, %squeeze3A_994 : i32
        %jit3A_1067 = arith.constant 256 : i32
        %eq3A_1068 = arith.constant 0 : i32
        %eq3A_1069 = arith.cmpi eq, %jit3A_1067, %eq3A_1068 : i32
        %jit3A_1070 = arith.constant 1 : i32
        %select_n3A_1071 = arith.select %eq3A_1069, %jit3A_1070, %jit3A_1067 : i32
        %rem3A_1072 = arith.remsi %add3A_1037, %select_n3A_1071 : i32
        %ne3A_1073 = arith.constant 0 : i32
        %ne3A_1074 = arith.cmpi ne, %rem3A_1072, %ne3A_1073 : i32
        %lt3A_1075 = arith.constant 0 : i32
        %lt3A_1076 = arith.cmpi slt, %rem3A_1072, %lt3A_1075 : i32
        %lt3A_1077 = arith.constant 0 : i32
        %lt3A_1078 = arith.cmpi slt, %select_n3A_1071, %lt3A_1077 : i32
        %ne3A_1079 = arith.xori %lt3A_1076, %lt3A_1078 : i1
        %and3A_1080 = arith.andi %ne3A_1079, %ne3A_1074 : i1
        %add3A_1081 = arith.addi %rem3A_1072, %select_n3A_1071 : i32
        %select_n3A_1082 = arith.select %and3A_1080, %add3A_1081, %rem3A_1072 : i32
        %jit3A_1083 = arith.constant 16 : i32
        %eq3A_1084 = arith.constant 0 : i32
        %eq3A_1085 = arith.cmpi eq, %jit3A_1083, %eq3A_1084 : i32
        %jit3A_1086 = arith.constant 1 : i32
        %select_n3A_1087 = arith.select %eq3A_1085, %jit3A_1086, %jit3A_1083 : i32
        %rem3A_1088 = arith.remsi %select_n3A_1082, %select_n3A_1087 : i32
        %ne3A_1089 = arith.constant 0 : i32
        %ne3A_1090 = arith.cmpi ne, %rem3A_1088, %ne3A_1089 : i32
        %lt3A_1091 = arith.constant 0 : i32
        %lt3A_1092 = arith.cmpi slt, %rem3A_1088, %lt3A_1091 : i32
        %lt3A_1093 = arith.constant 0 : i32
        %lt3A_1094 = arith.cmpi slt, %select_n3A_1087, %lt3A_1093 : i32
        %ne3A_1095 = arith.xori %lt3A_1092, %lt3A_1094 : i1
        %and3A_1096 = arith.andi %ne3A_1095, %ne3A_1090 : i1
        %add3A_1097 = arith.addi %rem3A_1088, %select_n3A_1087 : i32
        %select_n3A_1098 = arith.select %and3A_1096, %add3A_1097, %rem3A_1088 : i32
        %eq3A_1099 = vector.broadcast %select_n3A_1098 : i32 to vector<16xi32>
        %eq3A_1100 = arith.cmpi eq, %iota3A, %eq3A_1099 : vector<16xi32>
        %broadcast_in_dim3A_1101 = vector.broadcast %squeeze3A_994 : i32 to vector<16xi32>
        %select_n3A_1102 = arith.select %eq3A_1100, %broadcast_in_dim3A_1101, %select_n3A_1035 : vector<16xi1>, vector<16xi32>
        %convert_element_type3A_1103 = arith.extui %ne3A_1066 : i1 to i32
        %cond3A_1104 = arith.constant 0 : i32
        %cond3A_1105 = arith.cmpi ne, %convert_element_type3A_1103, %cond3A_1104 : i32
        scf.if %cond3A_1105 {
          %broadcast_in_dim3A_1488 = vector.broadcast %select_n3A_1082 : i32 to vector<16xi32>
          tpu.vector_store_idx %arg9[%broadcast_in_dim3A_1488, %iota3A], %add3A_1055 : memref<256x64xf32, #tpu.memory_space<vmem>>[vector<16xi32>, vector<16xi32>], vector<16xf32>,
          %add3A_1489 = arith.constant 16 : i32
          %add3A_1490 = vector.broadcast %add3A_1489 : i32 to vector<16xi32>
          %add3A_1491 = arith.addi %iota3A, %add3A_1490 : vector<16xi32>
          tpu.vector_store_idx %arg9[%broadcast_in_dim3A_1488, %add3A_1491], %add3A_1057 : memref<256x64xf32, #tpu.memory_space<vmem>>[vector<16xi32>, vector<16xi32>], vector<16xf32>,
          %add3A_1492 = arith.constant 32 : i32
          %add3A_1493 = vector.broadcast %add3A_1492 : i32 to vector<16xi32>
          %add3A_1494 = arith.addi %iota3A, %add3A_1493 : vector<16xi32>
          tpu.vector_store_idx %arg9[%broadcast_in_dim3A_1488, %add3A_1494], %add3A_1059 : memref<256x64xf32, #tpu.memory_space<vmem>>[vector<16xi32>, vector<16xi32>], vector<16xf32>,
          %add3A_1495 = arith.constant 48 : i32
          %add3A_1496 = vector.broadcast %add3A_1495 : i32 to vector<16xi32>
          %add3A_1497 = arith.addi %iota3A, %add3A_1496 : vector<16xi32>
          tpu.vector_store_idx %arg9[%broadcast_in_dim3A_1488, %add3A_1497], %add3A_1061 : memref<256x64xf32, #tpu.memory_space<vmem>>[vector<16xi32>, vector<16xi32>], vector<16xf32>,
          %jit3A_1498 = arith.constant 16 : i32
          %div3A_1499 = arith.divsi %select_n3A_1082, %jit3A_1498 : i32
          %sign3A_1500 = arith.constant 0 : i32
          %sign3A_1501 = arith.cmpi sgt, %select_n3A_1082, %sign3A_1500 : i32
          %sign3A_1502 = arith.extui %sign3A_1501 : i1 to i32
          %sign3A_1503 = arith.constant 0 : i32
          %sign3A_1504 = arith.cmpi slt, %select_n3A_1082, %sign3A_1503 : i32
          %sign3A_1505 = arith.extui %sign3A_1504 : i1 to i32
          %sign3A_1506 = arith.subi %sign3A_1502, %sign3A_1505 : i32
          %sign3A_1507 = arith.constant 0 : i32
          %sign3A_1508 = arith.cmpi sgt, %jit3A_1498, %sign3A_1507 : i32
          %sign3A_1509 = arith.extui %sign3A_1508 : i1 to i32
          %sign3A_1510 = arith.constant 0 : i32
          %sign3A_1511 = arith.cmpi slt, %jit3A_1498, %sign3A_1510 : i32
          %sign3A_1512 = arith.extui %sign3A_1511 : i1 to i32
          %sign3A_1513 = arith.subi %sign3A_1509, %sign3A_1512 : i32
          %ne3A_1514 = arith.cmpi ne, %sign3A_1506, %sign3A_1513 : i32
          %rem3A_1515 = arith.remsi %select_n3A_1082, %jit3A_1498 : i32
          %ne3A_1516 = arith.constant 0 : i32
          %ne3A_1517 = arith.cmpi ne, %rem3A_1515, %ne3A_1516 : i32
          %and3A_1518 = arith.andi %ne3A_1514, %ne3A_1517 : i1
          %sub3A_1519 = arith.constant 1 : i32
          %sub3A_1520 = arith.subi %div3A_1499, %sub3A_1519 : i32
          %select_n3A_1521 = arith.select %and3A_1518, %sub3A_1520, %div3A_1499 : i32
          %mul3A_1522 = arith.constant 16 : i32
          %mul3A_1523 = arith.muli %select_n3A_1521, %mul3A_1522 : i32
          %multiple_of3A_1524 = tpu.assume_multiple %mul3A_1523, 16 : i32
          %swap3A_1525 = arith.index_cast %multiple_of3A_1524 : i32 to index
          %swap3A_1526 = tpu.vector_load %arg10[%swap3A_1525] {strides = array<i32>} : memref<256xi32, #tpu.memory_space<vmem>>, vector<16xi32>,
          tpu.vector_store %arg10[%swap3A_1525], %select_n3A_1102 {strides = array<i32>} : memref<256xi32, #tpu.memory_space<vmem>>, vector<16xi32>,
        } else {
        }
        %select_n3A_1106 = arith.select %ne3A_1066, %select_n3A_1102, %select_n3A_1035 : vector<16xi32>
        %convert_element_type3A_1107 = arith.extui %ne3A_1066 : i1 to i32
        %add3A_1108 = arith.addi %add3A_1037, %convert_element_type3A_1107 : i32
        %mul3A_1109 = arith.constant 64 : i32
        %mul3A_1110 = arith.muli %squeeze3A_1063, %mul3A_1109 : i32
        %get3A_1111 = arith.index_cast %mul3A_1110 : i32 to index
        %get3A_1112 = tpu.vector_load %arg8[%get3A_1111] {strides = array<i32>} : memref<8192xf32, #tpu.memory_space<vmem>>, vector<16xf32>,
        %add3A_1113 = arith.constant 16 : i32
        %add3A_1114 = arith.addi %mul3A_1110, %add3A_1113 : i32
        %get3A_1115 = arith.index_cast %add3A_1114 : i32 to index
        %get3A_1116 = tpu.vector_load %arg8[%get3A_1115] {strides = array<i32>} : memref<8192xf32, #tpu.memory_space<vmem>>, vector<16xf32>,
        %add3A_1117 = arith.constant 32 : i32
        %add3A_1118 = arith.addi %mul3A_1110, %add3A_1117 : i32
        %get3A_1119 = arith.index_cast %add3A_1118 : i32 to index
        %get3A_1120 = tpu.vector_load %arg8[%get3A_1119] {strides = array<i32>} : memref<8192xf32, #tpu.memory_space<vmem>>, vector<16xf32>,
        %add3A_1121 = arith.constant 48 : i32
        %add3A_1122 = arith.addi %mul3A_1110, %add3A_1121 : i32
        %get3A_1123 = arith.index_cast %add3A_1122 : i32 to index
        %get3A_1124 = tpu.vector_load %arg8[%get3A_1123] {strides = array<i32>} : memref<8192xf32, #tpu.memory_space<vmem>>, vector<16xf32>,
        %select_n3A_1125 = arith.select %ne3A_1066, %broadcast_in_dim3A_95, %add3A_1055 : vector<16xf32>
        %add3A_1126 = arith.addf %get3A_1112, %select_n3A_1125 : vector<16xf32>
        %select_n3A_1127 = arith.select %ne3A_1066, %broadcast_in_dim3A_95, %add3A_1057 : vector<16xf32>
        %add3A_1128 = arith.addf %get3A_1116, %select_n3A_1127 : vector<16xf32>
        %select_n3A_1129 = arith.select %ne3A_1066, %broadcast_in_dim3A_95, %add3A_1059 : vector<16xf32>
        %add3A_1130 = arith.addf %get3A_1120, %select_n3A_1129 : vector<16xf32>
        %select_n3A_1131 = arith.select %ne3A_1066, %broadcast_in_dim3A_95, %add3A_1061 : vector<16xf32>
        %add3A_1132 = arith.addf %get3A_1124, %select_n3A_1131 : vector<16xf32>
        %slice3A_1133 = vector.extract_strided_slice %get3A_351 {offsets = [11], sizes = [1], strides = [1]} : vector<16xi32> to vector<1xi32>
        %squeeze3A_1134 = vector.extract %slice3A_1133[0] : i32 from vector<1xi32>
        %slice3A_1135 = vector.extract_strided_slice %get3A_353 {offsets = [11], sizes = [1], strides = [1]} : vector<16xi32> to vector<1xi32>
        %squeeze3A_1136 = vector.extract %slice3A_1135[0] : i32 from vector<1xi32>
        %ne3A_1137 = arith.cmpi ne, %squeeze3A_1136, %squeeze3A_1065 : i32
        %jit3A_1138 = arith.constant 256 : i32
        %eq3A_1139 = arith.constant 0 : i32
        %eq3A_1140 = arith.cmpi eq, %jit3A_1138, %eq3A_1139 : i32
        %jit3A_1141 = arith.constant 1 : i32
        %select_n3A_1142 = arith.select %eq3A_1140, %jit3A_1141, %jit3A_1138 : i32
        %rem3A_1143 = arith.remsi %add3A_1108, %select_n3A_1142 : i32
        %ne3A_1144 = arith.constant 0 : i32
        %ne3A_1145 = arith.cmpi ne, %rem3A_1143, %ne3A_1144 : i32
        %lt3A_1146 = arith.constant 0 : i32
        %lt3A_1147 = arith.cmpi slt, %rem3A_1143, %lt3A_1146 : i32
        %lt3A_1148 = arith.constant 0 : i32
        %lt3A_1149 = arith.cmpi slt, %select_n3A_1142, %lt3A_1148 : i32
        %ne3A_1150 = arith.xori %lt3A_1147, %lt3A_1149 : i1
        %and3A_1151 = arith.andi %ne3A_1150, %ne3A_1145 : i1
        %add3A_1152 = arith.addi %rem3A_1143, %select_n3A_1142 : i32
        %select_n3A_1153 = arith.select %and3A_1151, %add3A_1152, %rem3A_1143 : i32
        %jit3A_1154 = arith.constant 16 : i32
        %eq3A_1155 = arith.constant 0 : i32
        %eq3A_1156 = arith.cmpi eq, %jit3A_1154, %eq3A_1155 : i32
        %jit3A_1157 = arith.constant 1 : i32
        %select_n3A_1158 = arith.select %eq3A_1156, %jit3A_1157, %jit3A_1154 : i32
        %rem3A_1159 = arith.remsi %select_n3A_1153, %select_n3A_1158 : i32
        %ne3A_1160 = arith.constant 0 : i32
        %ne3A_1161 = arith.cmpi ne, %rem3A_1159, %ne3A_1160 : i32
        %lt3A_1162 = arith.constant 0 : i32
        %lt3A_1163 = arith.cmpi slt, %rem3A_1159, %lt3A_1162 : i32
        %lt3A_1164 = arith.constant 0 : i32
        %lt3A_1165 = arith.cmpi slt, %select_n3A_1158, %lt3A_1164 : i32
        %ne3A_1166 = arith.xori %lt3A_1163, %lt3A_1165 : i1
        %and3A_1167 = arith.andi %ne3A_1166, %ne3A_1161 : i1
        %add3A_1168 = arith.addi %rem3A_1159, %select_n3A_1158 : i32
        %select_n3A_1169 = arith.select %and3A_1167, %add3A_1168, %rem3A_1159 : i32
        %eq3A_1170 = vector.broadcast %select_n3A_1169 : i32 to vector<16xi32>
        %eq3A_1171 = arith.cmpi eq, %iota3A, %eq3A_1170 : vector<16xi32>
        %broadcast_in_dim3A_1172 = vector.broadcast %squeeze3A_1065 : i32 to vector<16xi32>
        %select_n3A_1173 = arith.select %eq3A_1171, %broadcast_in_dim3A_1172, %select_n3A_1106 : vector<16xi1>, vector<16xi32>
        %convert_element_type3A_1174 = arith.extui %ne3A_1137 : i1 to i32
        %cond3A_1175 = arith.constant 0 : i32
        %cond3A_1176 = arith.cmpi ne, %convert_element_type3A_1174, %cond3A_1175 : i32
        scf.if %cond3A_1176 {
          %broadcast_in_dim3A_1488 = vector.broadcast %select_n3A_1153 : i32 to vector<16xi32>
          tpu.vector_store_idx %arg9[%broadcast_in_dim3A_1488, %iota3A], %add3A_1126 : memref<256x64xf32, #tpu.memory_space<vmem>>[vector<16xi32>, vector<16xi32>], vector<16xf32>,
          %add3A_1489 = arith.constant 16 : i32
          %add3A_1490 = vector.broadcast %add3A_1489 : i32 to vector<16xi32>
          %add3A_1491 = arith.addi %iota3A, %add3A_1490 : vector<16xi32>
          tpu.vector_store_idx %arg9[%broadcast_in_dim3A_1488, %add3A_1491], %add3A_1128 : memref<256x64xf32, #tpu.memory_space<vmem>>[vector<16xi32>, vector<16xi32>], vector<16xf32>,
          %add3A_1492 = arith.constant 32 : i32
          %add3A_1493 = vector.broadcast %add3A_1492 : i32 to vector<16xi32>
          %add3A_1494 = arith.addi %iota3A, %add3A_1493 : vector<16xi32>
          tpu.vector_store_idx %arg9[%broadcast_in_dim3A_1488, %add3A_1494], %add3A_1130 : memref<256x64xf32, #tpu.memory_space<vmem>>[vector<16xi32>, vector<16xi32>], vector<16xf32>,
          %add3A_1495 = arith.constant 48 : i32
          %add3A_1496 = vector.broadcast %add3A_1495 : i32 to vector<16xi32>
          %add3A_1497 = arith.addi %iota3A, %add3A_1496 : vector<16xi32>
          tpu.vector_store_idx %arg9[%broadcast_in_dim3A_1488, %add3A_1497], %add3A_1132 : memref<256x64xf32, #tpu.memory_space<vmem>>[vector<16xi32>, vector<16xi32>], vector<16xf32>,
          %jit3A_1498 = arith.constant 16 : i32
          %div3A_1499 = arith.divsi %select_n3A_1153, %jit3A_1498 : i32
          %sign3A_1500 = arith.constant 0 : i32
          %sign3A_1501 = arith.cmpi sgt, %select_n3A_1153, %sign3A_1500 : i32
          %sign3A_1502 = arith.extui %sign3A_1501 : i1 to i32
          %sign3A_1503 = arith.constant 0 : i32
          %sign3A_1504 = arith.cmpi slt, %select_n3A_1153, %sign3A_1503 : i32
          %sign3A_1505 = arith.extui %sign3A_1504 : i1 to i32
          %sign3A_1506 = arith.subi %sign3A_1502, %sign3A_1505 : i32
          %sign3A_1507 = arith.constant 0 : i32
          %sign3A_1508 = arith.cmpi sgt, %jit3A_1498, %sign3A_1507 : i32
          %sign3A_1509 = arith.extui %sign3A_1508 : i1 to i32
          %sign3A_1510 = arith.constant 0 : i32
          %sign3A_1511 = arith.cmpi slt, %jit3A_1498, %sign3A_1510 : i32
          %sign3A_1512 = arith.extui %sign3A_1511 : i1 to i32
          %sign3A_1513 = arith.subi %sign3A_1509, %sign3A_1512 : i32
          %ne3A_1514 = arith.cmpi ne, %sign3A_1506, %sign3A_1513 : i32
          %rem3A_1515 = arith.remsi %select_n3A_1153, %jit3A_1498 : i32
          %ne3A_1516 = arith.constant 0 : i32
          %ne3A_1517 = arith.cmpi ne, %rem3A_1515, %ne3A_1516 : i32
          %and3A_1518 = arith.andi %ne3A_1514, %ne3A_1517 : i1
          %sub3A_1519 = arith.constant 1 : i32
          %sub3A_1520 = arith.subi %div3A_1499, %sub3A_1519 : i32
          %select_n3A_1521 = arith.select %and3A_1518, %sub3A_1520, %div3A_1499 : i32
          %mul3A_1522 = arith.constant 16 : i32
          %mul3A_1523 = arith.muli %select_n3A_1521, %mul3A_1522 : i32
          %multiple_of3A_1524 = tpu.assume_multiple %mul3A_1523, 16 : i32
          %swap3A_1525 = arith.index_cast %multiple_of3A_1524 : i32 to index
          %swap3A_1526 = tpu.vector_load %arg10[%swap3A_1525] {strides = array<i32>} : memref<256xi32, #tpu.memory_space<vmem>>, vector<16xi32>,
          tpu.vector_store %arg10[%swap3A_1525], %select_n3A_1173 {strides = array<i32>} : memref<256xi32, #tpu.memory_space<vmem>>, vector<16xi32>,
        } else {
        }
        %select_n3A_1177 = arith.select %ne3A_1137, %select_n3A_1173, %select_n3A_1106 : vector<16xi32>
        %convert_element_type3A_1178 = arith.extui %ne3A_1137 : i1 to i32
        %add3A_1179 = arith.addi %add3A_1108, %convert_element_type3A_1178 : i32
        %mul3A_1180 = arith.constant 64 : i32
        %mul3A_1181 = arith.muli %squeeze3A_1134, %mul3A_1180 : i32
        %get3A_1182 = arith.index_cast %mul3A_1181 : i32 to index
        %get3A_1183 = tpu.vector_load %arg8[%get3A_1182] {strides = array<i32>} : memref<8192xf32, #tpu.memory_space<vmem>>, vector<16xf32>,
        %add3A_1184 = arith.constant 16 : i32
        %add3A_1185 = arith.addi %mul3A_1181, %add3A_1184 : i32
        %get3A_1186 = arith.index_cast %add3A_1185 : i32 to index
        %get3A_1187 = tpu.vector_load %arg8[%get3A_1186] {strides = array<i32>} : memref<8192xf32, #tpu.memory_space<vmem>>, vector<16xf32>,
        %add3A_1188 = arith.constant 32 : i32
        %add3A_1189 = arith.addi %mul3A_1181, %add3A_1188 : i32
        %get3A_1190 = arith.index_cast %add3A_1189 : i32 to index
        %get3A_1191 = tpu.vector_load %arg8[%get3A_1190] {strides = array<i32>} : memref<8192xf32, #tpu.memory_space<vmem>>, vector<16xf32>,
        %add3A_1192 = arith.constant 48 : i32
        %add3A_1193 = arith.addi %mul3A_1181, %add3A_1192 : i32
        %get3A_1194 = arith.index_cast %add3A_1193 : i32 to index
        %get3A_1195 = tpu.vector_load %arg8[%get3A_1194] {strides = array<i32>} : memref<8192xf32, #tpu.memory_space<vmem>>, vector<16xf32>,
        %select_n3A_1196 = arith.select %ne3A_1137, %broadcast_in_dim3A_95, %add3A_1126 : vector<16xf32>
        %add3A_1197 = arith.addf %get3A_1183, %select_n3A_1196 : vector<16xf32>
        %select_n3A_1198 = arith.select %ne3A_1137, %broadcast_in_dim3A_95, %add3A_1128 : vector<16xf32>
        %add3A_1199 = arith.addf %get3A_1187, %select_n3A_1198 : vector<16xf32>
        %select_n3A_1200 = arith.select %ne3A_1137, %broadcast_in_dim3A_95, %add3A_1130 : vector<16xf32>
        %add3A_1201 = arith.addf %get3A_1191, %select_n3A_1200 : vector<16xf32>
        %select_n3A_1202 = arith.select %ne3A_1137, %broadcast_in_dim3A_95, %add3A_1132 : vector<16xf32>
        %add3A_1203 = arith.addf %get3A_1195, %select_n3A_1202 : vector<16xf32>
        %slice3A_1204 = vector.extract_strided_slice %get3A_351 {offsets = [12], sizes = [1], strides = [1]} : vector<16xi32> to vector<1xi32>
        %squeeze3A_1205 = vector.extract %slice3A_1204[0] : i32 from vector<1xi32>
        %slice3A_1206 = vector.extract_strided_slice %get3A_353 {offsets = [12], sizes = [1], strides = [1]} : vector<16xi32> to vector<1xi32>
        %squeeze3A_1207 = vector.extract %slice3A_1206[0] : i32 from vector<1xi32>
        %ne3A_1208 = arith.cmpi ne, %squeeze3A_1207, %squeeze3A_1136 : i32
        %jit3A_1209 = arith.constant 256 : i32
        %eq3A_1210 = arith.constant 0 : i32
        %eq3A_1211 = arith.cmpi eq, %jit3A_1209, %eq3A_1210 : i32
        %jit3A_1212 = arith.constant 1 : i32
        %select_n3A_1213 = arith.select %eq3A_1211, %jit3A_1212, %jit3A_1209 : i32
        %rem3A_1214 = arith.remsi %add3A_1179, %select_n3A_1213 : i32
        %ne3A_1215 = arith.constant 0 : i32
        %ne3A_1216 = arith.cmpi ne, %rem3A_1214, %ne3A_1215 : i32
        %lt3A_1217 = arith.constant 0 : i32
        %lt3A_1218 = arith.cmpi slt, %rem3A_1214, %lt3A_1217 : i32
        %lt3A_1219 = arith.constant 0 : i32
        %lt3A_1220 = arith.cmpi slt, %select_n3A_1213, %lt3A_1219 : i32
        %ne3A_1221 = arith.xori %lt3A_1218, %lt3A_1220 : i1
        %and3A_1222 = arith.andi %ne3A_1221, %ne3A_1216 : i1
        %add3A_1223 = arith.addi %rem3A_1214, %select_n3A_1213 : i32
        %select_n3A_1224 = arith.select %and3A_1222, %add3A_1223, %rem3A_1214 : i32
        %jit3A_1225 = arith.constant 16 : i32
        %eq3A_1226 = arith.constant 0 : i32
        %eq3A_1227 = arith.cmpi eq, %jit3A_1225, %eq3A_1226 : i32
        %jit3A_1228 = arith.constant 1 : i32
        %select_n3A_1229 = arith.select %eq3A_1227, %jit3A_1228, %jit3A_1225 : i32
        %rem3A_1230 = arith.remsi %select_n3A_1224, %select_n3A_1229 : i32
        %ne3A_1231 = arith.constant 0 : i32
        %ne3A_1232 = arith.cmpi ne, %rem3A_1230, %ne3A_1231 : i32
        %lt3A_1233 = arith.constant 0 : i32
        %lt3A_1234 = arith.cmpi slt, %rem3A_1230, %lt3A_1233 : i32
        %lt3A_1235 = arith.constant 0 : i32
        %lt3A_1236 = arith.cmpi slt, %select_n3A_1229, %lt3A_1235 : i32
        %ne3A_1237 = arith.xori %lt3A_1234, %lt3A_1236 : i1
        %and3A_1238 = arith.andi %ne3A_1237, %ne3A_1232 : i1
        %add3A_1239 = arith.addi %rem3A_1230, %select_n3A_1229 : i32
        %select_n3A_1240 = arith.select %and3A_1238, %add3A_1239, %rem3A_1230 : i32
        %eq3A_1241 = vector.broadcast %select_n3A_1240 : i32 to vector<16xi32>
        %eq3A_1242 = arith.cmpi eq, %iota3A, %eq3A_1241 : vector<16xi32>
        %broadcast_in_dim3A_1243 = vector.broadcast %squeeze3A_1136 : i32 to vector<16xi32>
        %select_n3A_1244 = arith.select %eq3A_1242, %broadcast_in_dim3A_1243, %select_n3A_1177 : vector<16xi1>, vector<16xi32>
        %convert_element_type3A_1245 = arith.extui %ne3A_1208 : i1 to i32
        %cond3A_1246 = arith.constant 0 : i32
        %cond3A_1247 = arith.cmpi ne, %convert_element_type3A_1245, %cond3A_1246 : i32
        scf.if %cond3A_1247 {
          %broadcast_in_dim3A_1488 = vector.broadcast %select_n3A_1224 : i32 to vector<16xi32>
          tpu.vector_store_idx %arg9[%broadcast_in_dim3A_1488, %iota3A], %add3A_1197 : memref<256x64xf32, #tpu.memory_space<vmem>>[vector<16xi32>, vector<16xi32>], vector<16xf32>,
          %add3A_1489 = arith.constant 16 : i32
          %add3A_1490 = vector.broadcast %add3A_1489 : i32 to vector<16xi32>
          %add3A_1491 = arith.addi %iota3A, %add3A_1490 : vector<16xi32>
          tpu.vector_store_idx %arg9[%broadcast_in_dim3A_1488, %add3A_1491], %add3A_1199 : memref<256x64xf32, #tpu.memory_space<vmem>>[vector<16xi32>, vector<16xi32>], vector<16xf32>,
          %add3A_1492 = arith.constant 32 : i32
          %add3A_1493 = vector.broadcast %add3A_1492 : i32 to vector<16xi32>
          %add3A_1494 = arith.addi %iota3A, %add3A_1493 : vector<16xi32>
          tpu.vector_store_idx %arg9[%broadcast_in_dim3A_1488, %add3A_1494], %add3A_1201 : memref<256x64xf32, #tpu.memory_space<vmem>>[vector<16xi32>, vector<16xi32>], vector<16xf32>,
          %add3A_1495 = arith.constant 48 : i32
          %add3A_1496 = vector.broadcast %add3A_1495 : i32 to vector<16xi32>
          %add3A_1497 = arith.addi %iota3A, %add3A_1496 : vector<16xi32>
          tpu.vector_store_idx %arg9[%broadcast_in_dim3A_1488, %add3A_1497], %add3A_1203 : memref<256x64xf32, #tpu.memory_space<vmem>>[vector<16xi32>, vector<16xi32>], vector<16xf32>,
          %jit3A_1498 = arith.constant 16 : i32
          %div3A_1499 = arith.divsi %select_n3A_1224, %jit3A_1498 : i32
          %sign3A_1500 = arith.constant 0 : i32
          %sign3A_1501 = arith.cmpi sgt, %select_n3A_1224, %sign3A_1500 : i32
          %sign3A_1502 = arith.extui %sign3A_1501 : i1 to i32
          %sign3A_1503 = arith.constant 0 : i32
          %sign3A_1504 = arith.cmpi slt, %select_n3A_1224, %sign3A_1503 : i32
          %sign3A_1505 = arith.extui %sign3A_1504 : i1 to i32
          %sign3A_1506 = arith.subi %sign3A_1502, %sign3A_1505 : i32
          %sign3A_1507 = arith.constant 0 : i32
          %sign3A_1508 = arith.cmpi sgt, %jit3A_1498, %sign3A_1507 : i32
          %sign3A_1509 = arith.extui %sign3A_1508 : i1 to i32
          %sign3A_1510 = arith.constant 0 : i32
          %sign3A_1511 = arith.cmpi slt, %jit3A_1498, %sign3A_1510 : i32
          %sign3A_1512 = arith.extui %sign3A_1511 : i1 to i32
          %sign3A_1513 = arith.subi %sign3A_1509, %sign3A_1512 : i32
          %ne3A_1514 = arith.cmpi ne, %sign3A_1506, %sign3A_1513 : i32
          %rem3A_1515 = arith.remsi %select_n3A_1224, %jit3A_1498 : i32
          %ne3A_1516 = arith.constant 0 : i32
          %ne3A_1517 = arith.cmpi ne, %rem3A_1515, %ne3A_1516 : i32
          %and3A_1518 = arith.andi %ne3A_1514, %ne3A_1517 : i1
          %sub3A_1519 = arith.constant 1 : i32
          %sub3A_1520 = arith.subi %div3A_1499, %sub3A_1519 : i32
          %select_n3A_1521 = arith.select %and3A_1518, %sub3A_1520, %div3A_1499 : i32
          %mul3A_1522 = arith.constant 16 : i32
          %mul3A_1523 = arith.muli %select_n3A_1521, %mul3A_1522 : i32
          %multiple_of3A_1524 = tpu.assume_multiple %mul3A_1523, 16 : i32
          %swap3A_1525 = arith.index_cast %multiple_of3A_1524 : i32 to index
          %swap3A_1526 = tpu.vector_load %arg10[%swap3A_1525] {strides = array<i32>} : memref<256xi32, #tpu.memory_space<vmem>>, vector<16xi32>,
          tpu.vector_store %arg10[%swap3A_1525], %select_n3A_1244 {strides = array<i32>} : memref<256xi32, #tpu.memory_space<vmem>>, vector<16xi32>,
        } else {
        }
        %select_n3A_1248 = arith.select %ne3A_1208, %select_n3A_1244, %select_n3A_1177 : vector<16xi32>
        %convert_element_type3A_1249 = arith.extui %ne3A_1208 : i1 to i32
        %add3A_1250 = arith.addi %add3A_1179, %convert_element_type3A_1249 : i32
        %mul3A_1251 = arith.constant 64 : i32
        %mul3A_1252 = arith.muli %squeeze3A_1205, %mul3A_1251 : i32
        %get3A_1253 = arith.index_cast %mul3A_1252 : i32 to index
        %get3A_1254 = tpu.vector_load %arg8[%get3A_1253] {strides = array<i32>} : memref<8192xf32, #tpu.memory_space<vmem>>, vector<16xf32>,
        %add3A_1255 = arith.constant 16 : i32
        %add3A_1256 = arith.addi %mul3A_1252, %add3A_1255 : i32
        %get3A_1257 = arith.index_cast %add3A_1256 : i32 to index
        %get3A_1258 = tpu.vector_load %arg8[%get3A_1257] {strides = array<i32>} : memref<8192xf32, #tpu.memory_space<vmem>>, vector<16xf32>,
        %add3A_1259 = arith.constant 32 : i32
        %add3A_1260 = arith.addi %mul3A_1252, %add3A_1259 : i32
        %get3A_1261 = arith.index_cast %add3A_1260 : i32 to index
        %get3A_1262 = tpu.vector_load %arg8[%get3A_1261] {strides = array<i32>} : memref<8192xf32, #tpu.memory_space<vmem>>, vector<16xf32>,
        %add3A_1263 = arith.constant 48 : i32
        %add3A_1264 = arith.addi %mul3A_1252, %add3A_1263 : i32
        %get3A_1265 = arith.index_cast %add3A_1264 : i32 to index
        %get3A_1266 = tpu.vector_load %arg8[%get3A_1265] {strides = array<i32>} : memref<8192xf32, #tpu.memory_space<vmem>>, vector<16xf32>,
        %select_n3A_1267 = arith.select %ne3A_1208, %broadcast_in_dim3A_95, %add3A_1197 : vector<16xf32>
        %add3A_1268 = arith.addf %get3A_1254, %select_n3A_1267 : vector<16xf32>
        %select_n3A_1269 = arith.select %ne3A_1208, %broadcast_in_dim3A_95, %add3A_1199 : vector<16xf32>
        %add3A_1270 = arith.addf %get3A_1258, %select_n3A_1269 : vector<16xf32>
        %select_n3A_1271 = arith.select %ne3A_1208, %broadcast_in_dim3A_95, %add3A_1201 : vector<16xf32>
        %add3A_1272 = arith.addf %get3A_1262, %select_n3A_1271 : vector<16xf32>
        %select_n3A_1273 = arith.select %ne3A_1208, %broadcast_in_dim3A_95, %add3A_1203 : vector<16xf32>
        %add3A_1274 = arith.addf %get3A_1266, %select_n3A_1273 : vector<16xf32>
        %slice3A_1275 = vector.extract_strided_slice %get3A_351 {offsets = [13], sizes = [1], strides = [1]} : vector<16xi32> to vector<1xi32>
        %squeeze3A_1276 = vector.extract %slice3A_1275[0] : i32 from vector<1xi32>
        %slice3A_1277 = vector.extract_strided_slice %get3A_353 {offsets = [13], sizes = [1], strides = [1]} : vector<16xi32> to vector<1xi32>
        %squeeze3A_1278 = vector.extract %slice3A_1277[0] : i32 from vector<1xi32>
        %ne3A_1279 = arith.cmpi ne, %squeeze3A_1278, %squeeze3A_1207 : i32
        %jit3A_1280 = arith.constant 256 : i32
        %eq3A_1281 = arith.constant 0 : i32
        %eq3A_1282 = arith.cmpi eq, %jit3A_1280, %eq3A_1281 : i32
        %jit3A_1283 = arith.constant 1 : i32
        %select_n3A_1284 = arith.select %eq3A_1282, %jit3A_1283, %jit3A_1280 : i32
        %rem3A_1285 = arith.remsi %add3A_1250, %select_n3A_1284 : i32
        %ne3A_1286 = arith.constant 0 : i32
        %ne3A_1287 = arith.cmpi ne, %rem3A_1285, %ne3A_1286 : i32
        %lt3A_1288 = arith.constant 0 : i32
        %lt3A_1289 = arith.cmpi slt, %rem3A_1285, %lt3A_1288 : i32
        %lt3A_1290 = arith.constant 0 : i32
        %lt3A_1291 = arith.cmpi slt, %select_n3A_1284, %lt3A_1290 : i32
        %ne3A_1292 = arith.xori %lt3A_1289, %lt3A_1291 : i1
        %and3A_1293 = arith.andi %ne3A_1292, %ne3A_1287 : i1
        %add3A_1294 = arith.addi %rem3A_1285, %select_n3A_1284 : i32
        %select_n3A_1295 = arith.select %and3A_1293, %add3A_1294, %rem3A_1285 : i32
        %jit3A_1296 = arith.constant 16 : i32
        %eq3A_1297 = arith.constant 0 : i32
        %eq3A_1298 = arith.cmpi eq, %jit3A_1296, %eq3A_1297 : i32
        %jit3A_1299 = arith.constant 1 : i32
        %select_n3A_1300 = arith.select %eq3A_1298, %jit3A_1299, %jit3A_1296 : i32
        %rem3A_1301 = arith.remsi %select_n3A_1295, %select_n3A_1300 : i32
        %ne3A_1302 = arith.constant 0 : i32
        %ne3A_1303 = arith.cmpi ne, %rem3A_1301, %ne3A_1302 : i32
        %lt3A_1304 = arith.constant 0 : i32
        %lt3A_1305 = arith.cmpi slt, %rem3A_1301, %lt3A_1304 : i32
        %lt3A_1306 = arith.constant 0 : i32
        %lt3A_1307 = arith.cmpi slt, %select_n3A_1300, %lt3A_1306 : i32
        %ne3A_1308 = arith.xori %lt3A_1305, %lt3A_1307 : i1
        %and3A_1309 = arith.andi %ne3A_1308, %ne3A_1303 : i1
        %add3A_1310 = arith.addi %rem3A_1301, %select_n3A_1300 : i32
        %select_n3A_1311 = arith.select %and3A_1309, %add3A_1310, %rem3A_1301 : i32
        %eq3A_1312 = vector.broadcast %select_n3A_1311 : i32 to vector<16xi32>
        %eq3A_1313 = arith.cmpi eq, %iota3A, %eq3A_1312 : vector<16xi32>
        %broadcast_in_dim3A_1314 = vector.broadcast %squeeze3A_1207 : i32 to vector<16xi32>
        %select_n3A_1315 = arith.select %eq3A_1313, %broadcast_in_dim3A_1314, %select_n3A_1248 : vector<16xi1>, vector<16xi32>
        %convert_element_type3A_1316 = arith.extui %ne3A_1279 : i1 to i32
        %cond3A_1317 = arith.constant 0 : i32
        %cond3A_1318 = arith.cmpi ne, %convert_element_type3A_1316, %cond3A_1317 : i32
        scf.if %cond3A_1318 {
          %broadcast_in_dim3A_1488 = vector.broadcast %select_n3A_1295 : i32 to vector<16xi32>
          tpu.vector_store_idx %arg9[%broadcast_in_dim3A_1488, %iota3A], %add3A_1268 : memref<256x64xf32, #tpu.memory_space<vmem>>[vector<16xi32>, vector<16xi32>], vector<16xf32>,
          %add3A_1489 = arith.constant 16 : i32
          %add3A_1490 = vector.broadcast %add3A_1489 : i32 to vector<16xi32>
          %add3A_1491 = arith.addi %iota3A, %add3A_1490 : vector<16xi32>
          tpu.vector_store_idx %arg9[%broadcast_in_dim3A_1488, %add3A_1491], %add3A_1270 : memref<256x64xf32, #tpu.memory_space<vmem>>[vector<16xi32>, vector<16xi32>], vector<16xf32>,
          %add3A_1492 = arith.constant 32 : i32
          %add3A_1493 = vector.broadcast %add3A_1492 : i32 to vector<16xi32>
          %add3A_1494 = arith.addi %iota3A, %add3A_1493 : vector<16xi32>
          tpu.vector_store_idx %arg9[%broadcast_in_dim3A_1488, %add3A_1494], %add3A_1272 : memref<256x64xf32, #tpu.memory_space<vmem>>[vector<16xi32>, vector<16xi32>], vector<16xf32>,
          %add3A_1495 = arith.constant 48 : i32
          %add3A_1496 = vector.broadcast %add3A_1495 : i32 to vector<16xi32>
          %add3A_1497 = arith.addi %iota3A, %add3A_1496 : vector<16xi32>
          tpu.vector_store_idx %arg9[%broadcast_in_dim3A_1488, %add3A_1497], %add3A_1274 : memref<256x64xf32, #tpu.memory_space<vmem>>[vector<16xi32>, vector<16xi32>], vector<16xf32>,
          %jit3A_1498 = arith.constant 16 : i32
          %div3A_1499 = arith.divsi %select_n3A_1295, %jit3A_1498 : i32
          %sign3A_1500 = arith.constant 0 : i32
          %sign3A_1501 = arith.cmpi sgt, %select_n3A_1295, %sign3A_1500 : i32
          %sign3A_1502 = arith.extui %sign3A_1501 : i1 to i32
          %sign3A_1503 = arith.constant 0 : i32
          %sign3A_1504 = arith.cmpi slt, %select_n3A_1295, %sign3A_1503 : i32
          %sign3A_1505 = arith.extui %sign3A_1504 : i1 to i32
          %sign3A_1506 = arith.subi %sign3A_1502, %sign3A_1505 : i32
          %sign3A_1507 = arith.constant 0 : i32
          %sign3A_1508 = arith.cmpi sgt, %jit3A_1498, %sign3A_1507 : i32
          %sign3A_1509 = arith.extui %sign3A_1508 : i1 to i32
          %sign3A_1510 = arith.constant 0 : i32
          %sign3A_1511 = arith.cmpi slt, %jit3A_1498, %sign3A_1510 : i32
          %sign3A_1512 = arith.extui %sign3A_1511 : i1 to i32
          %sign3A_1513 = arith.subi %sign3A_1509, %sign3A_1512 : i32
          %ne3A_1514 = arith.cmpi ne, %sign3A_1506, %sign3A_1513 : i32
          %rem3A_1515 = arith.remsi %select_n3A_1295, %jit3A_1498 : i32
          %ne3A_1516 = arith.constant 0 : i32
          %ne3A_1517 = arith.cmpi ne, %rem3A_1515, %ne3A_1516 : i32
          %and3A_1518 = arith.andi %ne3A_1514, %ne3A_1517 : i1
          %sub3A_1519 = arith.constant 1 : i32
          %sub3A_1520 = arith.subi %div3A_1499, %sub3A_1519 : i32
          %select_n3A_1521 = arith.select %and3A_1518, %sub3A_1520, %div3A_1499 : i32
          %mul3A_1522 = arith.constant 16 : i32
          %mul3A_1523 = arith.muli %select_n3A_1521, %mul3A_1522 : i32
          %multiple_of3A_1524 = tpu.assume_multiple %mul3A_1523, 16 : i32
          %swap3A_1525 = arith.index_cast %multiple_of3A_1524 : i32 to index
          %swap3A_1526 = tpu.vector_load %arg10[%swap3A_1525] {strides = array<i32>} : memref<256xi32, #tpu.memory_space<vmem>>, vector<16xi32>,
          tpu.vector_store %arg10[%swap3A_1525], %select_n3A_1315 {strides = array<i32>} : memref<256xi32, #tpu.memory_space<vmem>>, vector<16xi32>,
        } else {
        }
        %select_n3A_1319 = arith.select %ne3A_1279, %select_n3A_1315, %select_n3A_1248 : vector<16xi32>
        %convert_element_type3A_1320 = arith.extui %ne3A_1279 : i1 to i32
        %add3A_1321 = arith.addi %add3A_1250, %convert_element_type3A_1320 : i32
        %mul3A_1322 = arith.constant 64 : i32
        %mul3A_1323 = arith.muli %squeeze3A_1276, %mul3A_1322 : i32
        %get3A_1324 = arith.index_cast %mul3A_1323 : i32 to index
        %get3A_1325 = tpu.vector_load %arg8[%get3A_1324] {strides = array<i32>} : memref<8192xf32, #tpu.memory_space<vmem>>, vector<16xf32>,
        %add3A_1326 = arith.constant 16 : i32
        %add3A_1327 = arith.addi %mul3A_1323, %add3A_1326 : i32
        %get3A_1328 = arith.index_cast %add3A_1327 : i32 to index
        %get3A_1329 = tpu.vector_load %arg8[%get3A_1328] {strides = array<i32>} : memref<8192xf32, #tpu.memory_space<vmem>>, vector<16xf32>,
        %add3A_1330 = arith.constant 32 : i32
        %add3A_1331 = arith.addi %mul3A_1323, %add3A_1330 : i32
        %get3A_1332 = arith.index_cast %add3A_1331 : i32 to index
        %get3A_1333 = tpu.vector_load %arg8[%get3A_1332] {strides = array<i32>} : memref<8192xf32, #tpu.memory_space<vmem>>, vector<16xf32>,
        %add3A_1334 = arith.constant 48 : i32
        %add3A_1335 = arith.addi %mul3A_1323, %add3A_1334 : i32
        %get3A_1336 = arith.index_cast %add3A_1335 : i32 to index
        %get3A_1337 = tpu.vector_load %arg8[%get3A_1336] {strides = array<i32>} : memref<8192xf32, #tpu.memory_space<vmem>>, vector<16xf32>,
        %select_n3A_1338 = arith.select %ne3A_1279, %broadcast_in_dim3A_95, %add3A_1268 : vector<16xf32>
        %add3A_1339 = arith.addf %get3A_1325, %select_n3A_1338 : vector<16xf32>
        %select_n3A_1340 = arith.select %ne3A_1279, %broadcast_in_dim3A_95, %add3A_1270 : vector<16xf32>
        %add3A_1341 = arith.addf %get3A_1329, %select_n3A_1340 : vector<16xf32>
        %select_n3A_1342 = arith.select %ne3A_1279, %broadcast_in_dim3A_95, %add3A_1272 : vector<16xf32>
        %add3A_1343 = arith.addf %get3A_1333, %select_n3A_1342 : vector<16xf32>
        %select_n3A_1344 = arith.select %ne3A_1279, %broadcast_in_dim3A_95, %add3A_1274 : vector<16xf32>
        %add3A_1345 = arith.addf %get3A_1337, %select_n3A_1344 : vector<16xf32>
        %slice3A_1346 = vector.extract_strided_slice %get3A_351 {offsets = [14], sizes = [1], strides = [1]} : vector<16xi32> to vector<1xi32>
        %squeeze3A_1347 = vector.extract %slice3A_1346[0] : i32 from vector<1xi32>
        %slice3A_1348 = vector.extract_strided_slice %get3A_353 {offsets = [14], sizes = [1], strides = [1]} : vector<16xi32> to vector<1xi32>
        %squeeze3A_1349 = vector.extract %slice3A_1348[0] : i32 from vector<1xi32>
        %ne3A_1350 = arith.cmpi ne, %squeeze3A_1349, %squeeze3A_1278 : i32
        %jit3A_1351 = arith.constant 256 : i32
        %eq3A_1352 = arith.constant 0 : i32
        %eq3A_1353 = arith.cmpi eq, %jit3A_1351, %eq3A_1352 : i32
        %jit3A_1354 = arith.constant 1 : i32
        %select_n3A_1355 = arith.select %eq3A_1353, %jit3A_1354, %jit3A_1351 : i32
        %rem3A_1356 = arith.remsi %add3A_1321, %select_n3A_1355 : i32
        %ne3A_1357 = arith.constant 0 : i32
        %ne3A_1358 = arith.cmpi ne, %rem3A_1356, %ne3A_1357 : i32
        %lt3A_1359 = arith.constant 0 : i32
        %lt3A_1360 = arith.cmpi slt, %rem3A_1356, %lt3A_1359 : i32
        %lt3A_1361 = arith.constant 0 : i32
        %lt3A_1362 = arith.cmpi slt, %select_n3A_1355, %lt3A_1361 : i32
        %ne3A_1363 = arith.xori %lt3A_1360, %lt3A_1362 : i1
        %and3A_1364 = arith.andi %ne3A_1363, %ne3A_1358 : i1
        %add3A_1365 = arith.addi %rem3A_1356, %select_n3A_1355 : i32
        %select_n3A_1366 = arith.select %and3A_1364, %add3A_1365, %rem3A_1356 : i32
        %jit3A_1367 = arith.constant 16 : i32
        %eq3A_1368 = arith.constant 0 : i32
        %eq3A_1369 = arith.cmpi eq, %jit3A_1367, %eq3A_1368 : i32
        %jit3A_1370 = arith.constant 1 : i32
        %select_n3A_1371 = arith.select %eq3A_1369, %jit3A_1370, %jit3A_1367 : i32
        %rem3A_1372 = arith.remsi %select_n3A_1366, %select_n3A_1371 : i32
        %ne3A_1373 = arith.constant 0 : i32
        %ne3A_1374 = arith.cmpi ne, %rem3A_1372, %ne3A_1373 : i32
        %lt3A_1375 = arith.constant 0 : i32
        %lt3A_1376 = arith.cmpi slt, %rem3A_1372, %lt3A_1375 : i32
        %lt3A_1377 = arith.constant 0 : i32
        %lt3A_1378 = arith.cmpi slt, %select_n3A_1371, %lt3A_1377 : i32
        %ne3A_1379 = arith.xori %lt3A_1376, %lt3A_1378 : i1
        %and3A_1380 = arith.andi %ne3A_1379, %ne3A_1374 : i1
        %add3A_1381 = arith.addi %rem3A_1372, %select_n3A_1371 : i32
        %select_n3A_1382 = arith.select %and3A_1380, %add3A_1381, %rem3A_1372 : i32
        %eq3A_1383 = vector.broadcast %select_n3A_1382 : i32 to vector<16xi32>
        %eq3A_1384 = arith.cmpi eq, %iota3A, %eq3A_1383 : vector<16xi32>
        %broadcast_in_dim3A_1385 = vector.broadcast %squeeze3A_1278 : i32 to vector<16xi32>
        %select_n3A_1386 = arith.select %eq3A_1384, %broadcast_in_dim3A_1385, %select_n3A_1319 : vector<16xi1>, vector<16xi32>
        %convert_element_type3A_1387 = arith.extui %ne3A_1350 : i1 to i32
        %cond3A_1388 = arith.constant 0 : i32
        %cond3A_1389 = arith.cmpi ne, %convert_element_type3A_1387, %cond3A_1388 : i32
        scf.if %cond3A_1389 {
          %broadcast_in_dim3A_1488 = vector.broadcast %select_n3A_1366 : i32 to vector<16xi32>
          tpu.vector_store_idx %arg9[%broadcast_in_dim3A_1488, %iota3A], %add3A_1339 : memref<256x64xf32, #tpu.memory_space<vmem>>[vector<16xi32>, vector<16xi32>], vector<16xf32>,
          %add3A_1489 = arith.constant 16 : i32
          %add3A_1490 = vector.broadcast %add3A_1489 : i32 to vector<16xi32>
          %add3A_1491 = arith.addi %iota3A, %add3A_1490 : vector<16xi32>
          tpu.vector_store_idx %arg9[%broadcast_in_dim3A_1488, %add3A_1491], %add3A_1341 : memref<256x64xf32, #tpu.memory_space<vmem>>[vector<16xi32>, vector<16xi32>], vector<16xf32>,
          %add3A_1492 = arith.constant 32 : i32
          %add3A_1493 = vector.broadcast %add3A_1492 : i32 to vector<16xi32>
          %add3A_1494 = arith.addi %iota3A, %add3A_1493 : vector<16xi32>
          tpu.vector_store_idx %arg9[%broadcast_in_dim3A_1488, %add3A_1494], %add3A_1343 : memref<256x64xf32, #tpu.memory_space<vmem>>[vector<16xi32>, vector<16xi32>], vector<16xf32>,
          %add3A_1495 = arith.constant 48 : i32
          %add3A_1496 = vector.broadcast %add3A_1495 : i32 to vector<16xi32>
          %add3A_1497 = arith.addi %iota3A, %add3A_1496 : vector<16xi32>
          tpu.vector_store_idx %arg9[%broadcast_in_dim3A_1488, %add3A_1497], %add3A_1345 : memref<256x64xf32, #tpu.memory_space<vmem>>[vector<16xi32>, vector<16xi32>], vector<16xf32>,
          %jit3A_1498 = arith.constant 16 : i32
          %div3A_1499 = arith.divsi %select_n3A_1366, %jit3A_1498 : i32
          %sign3A_1500 = arith.constant 0 : i32
          %sign3A_1501 = arith.cmpi sgt, %select_n3A_1366, %sign3A_1500 : i32
          %sign3A_1502 = arith.extui %sign3A_1501 : i1 to i32
          %sign3A_1503 = arith.constant 0 : i32
          %sign3A_1504 = arith.cmpi slt, %select_n3A_1366, %sign3A_1503 : i32
          %sign3A_1505 = arith.extui %sign3A_1504 : i1 to i32
          %sign3A_1506 = arith.subi %sign3A_1502, %sign3A_1505 : i32
          %sign3A_1507 = arith.constant 0 : i32
          %sign3A_1508 = arith.cmpi sgt, %jit3A_1498, %sign3A_1507 : i32
          %sign3A_1509 = arith.extui %sign3A_1508 : i1 to i32
          %sign3A_1510 = arith.constant 0 : i32
          %sign3A_1511 = arith.cmpi slt, %jit3A_1498, %sign3A_1510 : i32
          %sign3A_1512 = arith.extui %sign3A_1511 : i1 to i32
          %sign3A_1513 = arith.subi %sign3A_1509, %sign3A_1512 : i32
          %ne3A_1514 = arith.cmpi ne, %sign3A_1506, %sign3A_1513 : i32
          %rem3A_1515 = arith.remsi %select_n3A_1366, %jit3A_1498 : i32
          %ne3A_1516 = arith.constant 0 : i32
          %ne3A_1517 = arith.cmpi ne, %rem3A_1515, %ne3A_1516 : i32
          %and3A_1518 = arith.andi %ne3A_1514, %ne3A_1517 : i1
          %sub3A_1519 = arith.constant 1 : i32
          %sub3A_1520 = arith.subi %div3A_1499, %sub3A_1519 : i32
          %select_n3A_1521 = arith.select %and3A_1518, %sub3A_1520, %div3A_1499 : i32
          %mul3A_1522 = arith.constant 16 : i32
          %mul3A_1523 = arith.muli %select_n3A_1521, %mul3A_1522 : i32
          %multiple_of3A_1524 = tpu.assume_multiple %mul3A_1523, 16 : i32
          %swap3A_1525 = arith.index_cast %multiple_of3A_1524 : i32 to index
          %swap3A_1526 = tpu.vector_load %arg10[%swap3A_1525] {strides = array<i32>} : memref<256xi32, #tpu.memory_space<vmem>>, vector<16xi32>,
          tpu.vector_store %arg10[%swap3A_1525], %select_n3A_1386 {strides = array<i32>} : memref<256xi32, #tpu.memory_space<vmem>>, vector<16xi32>,
        } else {
        }
        %select_n3A_1390 = arith.select %ne3A_1350, %select_n3A_1386, %select_n3A_1319 : vector<16xi32>
        %convert_element_type3A_1391 = arith.extui %ne3A_1350 : i1 to i32
        %add3A_1392 = arith.addi %add3A_1321, %convert_element_type3A_1391 : i32
        %mul3A_1393 = arith.constant 64 : i32
        %mul3A_1394 = arith.muli %squeeze3A_1347, %mul3A_1393 : i32
        %get3A_1395 = arith.index_cast %mul3A_1394 : i32 to index
        %get3A_1396 = tpu.vector_load %arg8[%get3A_1395] {strides = array<i32>} : memref<8192xf32, #tpu.memory_space<vmem>>, vector<16xf32>,
        %add3A_1397 = arith.constant 16 : i32
        %add3A_1398 = arith.addi %mul3A_1394, %add3A_1397 : i32
        %get3A_1399 = arith.index_cast %add3A_1398 : i32 to index
        %get3A_1400 = tpu.vector_load %arg8[%get3A_1399] {strides = array<i32>} : memref<8192xf32, #tpu.memory_space<vmem>>, vector<16xf32>,
        %add3A_1401 = arith.constant 32 : i32
        %add3A_1402 = arith.addi %mul3A_1394, %add3A_1401 : i32
        %get3A_1403 = arith.index_cast %add3A_1402 : i32 to index
        %get3A_1404 = tpu.vector_load %arg8[%get3A_1403] {strides = array<i32>} : memref<8192xf32, #tpu.memory_space<vmem>>, vector<16xf32>,
        %add3A_1405 = arith.constant 48 : i32
        %add3A_1406 = arith.addi %mul3A_1394, %add3A_1405 : i32
        %get3A_1407 = arith.index_cast %add3A_1406 : i32 to index
        %get3A_1408 = tpu.vector_load %arg8[%get3A_1407] {strides = array<i32>} : memref<8192xf32, #tpu.memory_space<vmem>>, vector<16xf32>,
        %select_n3A_1409 = arith.select %ne3A_1350, %broadcast_in_dim3A_95, %add3A_1339 : vector<16xf32>
        %add3A_1410 = arith.addf %get3A_1396, %select_n3A_1409 : vector<16xf32>
        %select_n3A_1411 = arith.select %ne3A_1350, %broadcast_in_dim3A_95, %add3A_1341 : vector<16xf32>
        %add3A_1412 = arith.addf %get3A_1400, %select_n3A_1411 : vector<16xf32>
        %select_n3A_1413 = arith.select %ne3A_1350, %broadcast_in_dim3A_95, %add3A_1343 : vector<16xf32>
        %add3A_1414 = arith.addf %get3A_1404, %select_n3A_1413 : vector<16xf32>
        %select_n3A_1415 = arith.select %ne3A_1350, %broadcast_in_dim3A_95, %add3A_1345 : vector<16xf32>
        %add3A_1416 = arith.addf %get3A_1408, %select_n3A_1415 : vector<16xf32>
        %slice3A_1417 = vector.extract_strided_slice %get3A_351 {offsets = [15], sizes = [1], strides = [1]} : vector<16xi32> to vector<1xi32>
        %squeeze3A_1418 = vector.extract %slice3A_1417[0] : i32 from vector<1xi32>
        %slice3A_1419 = vector.extract_strided_slice %get3A_353 {offsets = [15], sizes = [1], strides = [1]} : vector<16xi32> to vector<1xi32>
        %squeeze3A_1420 = vector.extract %slice3A_1419[0] : i32 from vector<1xi32>
        %ne3A_1421 = arith.cmpi ne, %squeeze3A_1420, %squeeze3A_1349 : i32
        %jit3A_1422 = arith.constant 256 : i32
        %eq3A_1423 = arith.constant 0 : i32
        %eq3A_1424 = arith.cmpi eq, %jit3A_1422, %eq3A_1423 : i32
        %jit3A_1425 = arith.constant 1 : i32
        %select_n3A_1426 = arith.select %eq3A_1424, %jit3A_1425, %jit3A_1422 : i32
        %rem3A_1427 = arith.remsi %add3A_1392, %select_n3A_1426 : i32
        %ne3A_1428 = arith.constant 0 : i32
        %ne3A_1429 = arith.cmpi ne, %rem3A_1427, %ne3A_1428 : i32
        %lt3A_1430 = arith.constant 0 : i32
        %lt3A_1431 = arith.cmpi slt, %rem3A_1427, %lt3A_1430 : i32
        %lt3A_1432 = arith.constant 0 : i32
        %lt3A_1433 = arith.cmpi slt, %select_n3A_1426, %lt3A_1432 : i32
        %ne3A_1434 = arith.xori %lt3A_1431, %lt3A_1433 : i1
        %and3A_1435 = arith.andi %ne3A_1434, %ne3A_1429 : i1
        %add3A_1436 = arith.addi %rem3A_1427, %select_n3A_1426 : i32
        %select_n3A_1437 = arith.select %and3A_1435, %add3A_1436, %rem3A_1427 : i32
        %jit3A_1438 = arith.constant 16 : i32
        %eq3A_1439 = arith.constant 0 : i32
        %eq3A_1440 = arith.cmpi eq, %jit3A_1438, %eq3A_1439 : i32
        %jit3A_1441 = arith.constant 1 : i32
        %select_n3A_1442 = arith.select %eq3A_1440, %jit3A_1441, %jit3A_1438 : i32
        %rem3A_1443 = arith.remsi %select_n3A_1437, %select_n3A_1442 : i32
        %ne3A_1444 = arith.constant 0 : i32
        %ne3A_1445 = arith.cmpi ne, %rem3A_1443, %ne3A_1444 : i32
        %lt3A_1446 = arith.constant 0 : i32
        %lt3A_1447 = arith.cmpi slt, %rem3A_1443, %lt3A_1446 : i32
        %lt3A_1448 = arith.constant 0 : i32
        %lt3A_1449 = arith.cmpi slt, %select_n3A_1442, %lt3A_1448 : i32
        %ne3A_1450 = arith.xori %lt3A_1447, %lt3A_1449 : i1
        %and3A_1451 = arith.andi %ne3A_1450, %ne3A_1445 : i1
        %add3A_1452 = arith.addi %rem3A_1443, %select_n3A_1442 : i32
        %select_n3A_1453 = arith.select %and3A_1451, %add3A_1452, %rem3A_1443 : i32
        %eq3A_1454 = vector.broadcast %select_n3A_1453 : i32 to vector<16xi32>
        %eq3A_1455 = arith.cmpi eq, %iota3A, %eq3A_1454 : vector<16xi32>
        %broadcast_in_dim3A_1456 = vector.broadcast %squeeze3A_1349 : i32 to vector<16xi32>
        %select_n3A_1457 = arith.select %eq3A_1455, %broadcast_in_dim3A_1456, %select_n3A_1390 : vector<16xi1>, vector<16xi32>
        %convert_element_type3A_1458 = arith.extui %ne3A_1421 : i1 to i32
        %cond3A_1459 = arith.constant 0 : i32
        %cond3A_1460 = arith.cmpi ne, %convert_element_type3A_1458, %cond3A_1459 : i32
        scf.if %cond3A_1460 {
          %broadcast_in_dim3A_1488 = vector.broadcast %select_n3A_1437 : i32 to vector<16xi32>
          tpu.vector_store_idx %arg9[%broadcast_in_dim3A_1488, %iota3A], %add3A_1410 : memref<256x64xf32, #tpu.memory_space<vmem>>[vector<16xi32>, vector<16xi32>], vector<16xf32>,
          %add3A_1489 = arith.constant 16 : i32
          %add3A_1490 = vector.broadcast %add3A_1489 : i32 to vector<16xi32>
          %add3A_1491 = arith.addi %iota3A, %add3A_1490 : vector<16xi32>
          tpu.vector_store_idx %arg9[%broadcast_in_dim3A_1488, %add3A_1491], %add3A_1412 : memref<256x64xf32, #tpu.memory_space<vmem>>[vector<16xi32>, vector<16xi32>], vector<16xf32>,
          %add3A_1492 = arith.constant 32 : i32
          %add3A_1493 = vector.broadcast %add3A_1492 : i32 to vector<16xi32>
          %add3A_1494 = arith.addi %iota3A, %add3A_1493 : vector<16xi32>
          tpu.vector_store_idx %arg9[%broadcast_in_dim3A_1488, %add3A_1494], %add3A_1414 : memref<256x64xf32, #tpu.memory_space<vmem>>[vector<16xi32>, vector<16xi32>], vector<16xf32>,
          %add3A_1495 = arith.constant 48 : i32
          %add3A_1496 = vector.broadcast %add3A_1495 : i32 to vector<16xi32>
          %add3A_1497 = arith.addi %iota3A, %add3A_1496 : vector<16xi32>
          tpu.vector_store_idx %arg9[%broadcast_in_dim3A_1488, %add3A_1497], %add3A_1416 : memref<256x64xf32, #tpu.memory_space<vmem>>[vector<16xi32>, vector<16xi32>], vector<16xf32>,
          %jit3A_1498 = arith.constant 16 : i32
          %div3A_1499 = arith.divsi %select_n3A_1437, %jit3A_1498 : i32
          %sign3A_1500 = arith.constant 0 : i32
          %sign3A_1501 = arith.cmpi sgt, %select_n3A_1437, %sign3A_1500 : i32
          %sign3A_1502 = arith.extui %sign3A_1501 : i1 to i32
          %sign3A_1503 = arith.constant 0 : i32
          %sign3A_1504 = arith.cmpi slt, %select_n3A_1437, %sign3A_1503 : i32
          %sign3A_1505 = arith.extui %sign3A_1504 : i1 to i32
          %sign3A_1506 = arith.subi %sign3A_1502, %sign3A_1505 : i32
          %sign3A_1507 = arith.constant 0 : i32
          %sign3A_1508 = arith.cmpi sgt, %jit3A_1498, %sign3A_1507 : i32
          %sign3A_1509 = arith.extui %sign3A_1508 : i1 to i32
          %sign3A_1510 = arith.constant 0 : i32
          %sign3A_1511 = arith.cmpi slt, %jit3A_1498, %sign3A_1510 : i32
          %sign3A_1512 = arith.extui %sign3A_1511 : i1 to i32
          %sign3A_1513 = arith.subi %sign3A_1509, %sign3A_1512 : i32
          %ne3A_1514 = arith.cmpi ne, %sign3A_1506, %sign3A_1513 : i32
          %rem3A_1515 = arith.remsi %select_n3A_1437, %jit3A_1498 : i32
          %ne3A_1516 = arith.constant 0 : i32
          %ne3A_1517 = arith.cmpi ne, %rem3A_1515, %ne3A_1516 : i32
          %and3A_1518 = arith.andi %ne3A_1514, %ne3A_1517 : i1
          %sub3A_1519 = arith.constant 1 : i32
          %sub3A_1520 = arith.subi %div3A_1499, %sub3A_1519 : i32
          %select_n3A_1521 = arith.select %and3A_1518, %sub3A_1520, %div3A_1499 : i32
          %mul3A_1522 = arith.constant 16 : i32
          %mul3A_1523 = arith.muli %select_n3A_1521, %mul3A_1522 : i32
          %multiple_of3A_1524 = tpu.assume_multiple %mul3A_1523, 16 : i32
          %swap3A_1525 = arith.index_cast %multiple_of3A_1524 : i32 to index
          %swap3A_1526 = tpu.vector_load %arg10[%swap3A_1525] {strides = array<i32>} : memref<256xi32, #tpu.memory_space<vmem>>, vector<16xi32>,
          tpu.vector_store %arg10[%swap3A_1525], %select_n3A_1457 {strides = array<i32>} : memref<256xi32, #tpu.memory_space<vmem>>, vector<16xi32>,
        } else {
        }
        %select_n3A_1461 = arith.select %ne3A_1421, %select_n3A_1457, %select_n3A_1390 : vector<16xi32>
        %convert_element_type3A_1462 = arith.extui %ne3A_1421 : i1 to i32
        %add3A_1463 = arith.addi %add3A_1392, %convert_element_type3A_1462 : i32
        %mul3A_1464 = arith.constant 64 : i32
        %mul3A_1465 = arith.muli %squeeze3A_1418, %mul3A_1464 : i32
        %get3A_1466 = arith.index_cast %mul3A_1465 : i32 to index
        %get3A_1467 = tpu.vector_load %arg8[%get3A_1466] {strides = array<i32>} : memref<8192xf32, #tpu.memory_space<vmem>>, vector<16xf32>,
        %add3A_1468 = arith.constant 16 : i32
        %add3A_1469 = arith.addi %mul3A_1465, %add3A_1468 : i32
        %get3A_1470 = arith.index_cast %add3A_1469 : i32 to index
        %get3A_1471 = tpu.vector_load %arg8[%get3A_1470] {strides = array<i32>} : memref<8192xf32, #tpu.memory_space<vmem>>, vector<16xf32>,
        %add3A_1472 = arith.constant 32 : i32
        %add3A_1473 = arith.addi %mul3A_1465, %add3A_1472 : i32
        %get3A_1474 = arith.index_cast %add3A_1473 : i32 to index
        %get3A_1475 = tpu.vector_load %arg8[%get3A_1474] {strides = array<i32>} : memref<8192xf32, #tpu.memory_space<vmem>>, vector<16xf32>,
        %add3A_1476 = arith.constant 48 : i32
        %add3A_1477 = arith.addi %mul3A_1465, %add3A_1476 : i32
        %get3A_1478 = arith.index_cast %add3A_1477 : i32 to index
        %get3A_1479 = tpu.vector_load %arg8[%get3A_1478] {strides = array<i32>} : memref<8192xf32, #tpu.memory_space<vmem>>, vector<16xf32>,
        %select_n3A_1480 = arith.select %ne3A_1421, %broadcast_in_dim3A_95, %add3A_1410 : vector<16xf32>
        %add3A_1481 = arith.addf %get3A_1467, %select_n3A_1480 : vector<16xf32>
        %select_n3A_1482 = arith.select %ne3A_1421, %broadcast_in_dim3A_95, %add3A_1412 : vector<16xf32>
        %add3A_1483 = arith.addf %get3A_1471, %select_n3A_1482 : vector<16xf32>
        %select_n3A_1484 = arith.select %ne3A_1421, %broadcast_in_dim3A_95, %add3A_1414 : vector<16xf32>
        %add3A_1485 = arith.addf %get3A_1475, %select_n3A_1484 : vector<16xf32>
        %select_n3A_1486 = arith.select %ne3A_1421, %broadcast_in_dim3A_95, %add3A_1416 : vector<16xf32>
        %add3A_1487 = arith.addf %get3A_1479, %select_n3A_1486 : vector<16xf32>
        scf.yield %squeeze3A_1420, %add3A_1463, %select_n3A_1461, %add3A_1481, %add3A_1483, %add3A_1485, %add3A_1487 : i32, i32, vector<16xi32>, vector<16xf32>, vector<16xf32>, vector<16xf32>, vector<16xf32>
      }
      %scan3A_265 = arith.constant 8 : i32
      %sub3A_266 = arith.subi %scan3A_264#1, %scan3A_254 : i32
      %jit3A_267 = arith.constant 64 : i32
      %div3A_268 = arith.divsi %sub3A_266, %jit3A_267 : i32
      %sign3A_269 = arith.constant 0 : i32
      %sign3A_270 = arith.cmpi sgt, %sub3A_266, %sign3A_269 : i32
      %sign3A_271 = arith.extui %sign3A_270 : i1 to i32
      %sign3A_272 = arith.constant 0 : i32
      %sign3A_273 = arith.cmpi slt, %sub3A_266, %sign3A_272 : i32
      %sign3A_274 = arith.extui %sign3A_273 : i1 to i32
      %sign3A_275 = arith.subi %sign3A_271, %sign3A_274 : i32
      %sign3A_276 = arith.constant 0 : i32
      %sign3A_277 = arith.cmpi sgt, %jit3A_267, %sign3A_276 : i32
      %sign3A_278 = arith.extui %sign3A_277 : i1 to i32
      %sign3A_279 = arith.constant 0 : i32
      %sign3A_280 = arith.cmpi slt, %jit3A_267, %sign3A_279 : i32
      %sign3A_281 = arith.extui %sign3A_280 : i1 to i32
      %sign3A_282 = arith.subi %sign3A_278, %sign3A_281 : i32
      %ne3A_283 = arith.cmpi ne, %sign3A_275, %sign3A_282 : i32
      %rem3A_284 = arith.remsi %sub3A_266, %jit3A_267 : i32
      %ne3A_285 = arith.constant 0 : i32
      %ne3A_286 = arith.cmpi ne, %rem3A_284, %ne3A_285 : i32
      %and3A_287 = arith.andi %ne3A_283, %ne3A_286 : i1
      %sub3A_288 = arith.constant 1 : i32
      %sub3A_289 = arith.subi %div3A_268, %sub3A_288 : i32
      %select_n3A_290 = arith.select %and3A_287, %sub3A_289, %div3A_268 : i32
      %sub3A_291 = arith.constant 0 : i32
      %sub3A_292 = arith.subi %select_n3A_290, %sub3A_291 : i32
      %sub3A_293 = arith.constant 1 : i32
      %sub3A_294 = arith.constant 1 : i32
      %sub3A_295 = arith.subi %sub3A_293, %sub3A_294 : i32
      %add3A_296 = arith.addi %sub3A_292, %sub3A_295 : i32
      %div3A_297 = arith.constant 1 : i32
      %div3A_298 = arith.divsi %add3A_296, %div3A_297 : i32
      %while3A_299 = arith.constant 1 : i32
      %while3A_300 = arith.constant 0 : i32
      %while3A_301 = arith.constant 0 : i32
      %while3A_302 = arith.subi %div3A_298, %while3A_301 : i32
      %while3A_303 = arith.addi %while3A_301, %while3A_302 : i32
      %while3A_304 = arith.constant 1 : i32
      %while3A_305 = arith.divsi %while3A_302, %while3A_304 : i32
      %while3A_306 = arith.muli %while3A_305, %while3A_304 : i32
      %while3A_307 = arith.addi %while3A_301, %while3A_306 : i32
      %while3A_308 = arith.constant 1 : i32
      scf.for %while3A_338 = %while3A_301 to %while3A_307 step %while3A_308  : i32 {
        %mul3A_339 = arith.muli %while3A_338, %while3A_299 : i32
        %add3A_340 = arith.addi %while3A_300, %mul3A_339 : i32
        %mul3A_341 = arith.constant 64 : i32
        %mul3A_342 = arith.muli %add3A_340, %mul3A_341 : i32
        %add3A_343 = arith.addi %scan3A_254, %mul3A_342 : i32
        %jit3A_344 = arith.constant 256 : i32
        %eq3A_345 = arith.constant 0 : i32
        %eq3A_346 = arith.cmpi eq, %jit3A_344, %eq3A_345 : i32
        %jit3A_347 = arith.constant 1 : i32
        %select_n3A_348 = arith.select %eq3A_346, %jit3A_347, %jit3A_344 : i32
        %rem3A_349 = arith.remsi %add3A_343, %select_n3A_348 : i32
        %ne3A_350 = arith.constant 0 : i32
        %ne3A_351 = arith.cmpi ne, %rem3A_349, %ne3A_350 : i32
        %lt3A_352 = arith.constant 0 : i32
        %lt3A_353 = arith.cmpi slt, %rem3A_349, %lt3A_352 : i32
        %lt3A_354 = arith.constant 0 : i32
        %lt3A_355 = arith.cmpi slt, %select_n3A_348, %lt3A_354 : i32
        %ne3A_356 = arith.xori %lt3A_353, %lt3A_355 : i1
        %and3A_357 = arith.andi %ne3A_356, %ne3A_351 : i1
        %add3A_358 = arith.addi %rem3A_349, %select_n3A_348 : i32
        %select_n3A_359 = arith.select %and3A_357, %add3A_358, %rem3A_349 : i32
        %multiple_of3A_360 = tpu.assume_multiple %select_n3A_359, 16 : i32
        "tpu.region"() ({
          %run_scoped3A = tpu.sem_alloc : memref<!tpu.dma_semaphore, #tpu.memory_space<semaphore_mem>>
          %dma_start3A_361 = arith.constant 0 : i32
          %dma_start3A_362 = tpu.memref_slice %arg9[%multiple_of3A_360, %dma_start3A_361] : memref<256x64xf32, #tpu.memory_space<vmem>> -> memref<64x64xf32, #tpu.memory_space<vmem>>
          %dma_start3A_363 = tpu.memref_slice %arg10[%multiple_of3A_360] : memref<256xi32, #tpu.memory_space<vmem>> -> memref<64xi32, #tpu.memory_space<vmem>>
          %dma_start3A_364 = arith.constant 0 : i32
          %dma_start3A_365 = arith.constant 0 : i32
          %dma_start3A_366 = tpu.memref_slice %arg12[%dma_start3A_364, %dma_start3A_365] : memref<10240x64xf32, #tpu.memory_space<vmem_shared>> -> memref<10240x64xf32, #tpu.memory_space<vmem_shared>>
          tpu.enqueue_indirect_dma source(%dma_start3A_362 : memref<64x64xf32, #tpu.memory_space<vmem>>) target(%dma_start3A_366 : memref<10240x64xf32, #tpu.memory_space<vmem_shared>>) offsets(%dma_start3A_363 : memref<64xi32, #tpu.memory_space<vmem>>) semaphore(%run_scoped3A : memref<!tpu.dma_semaphore, #tpu.memory_space<semaphore_mem>>) {add = true}
          %dma_wait3A_367 = arith.constant 0 : i32
          %dma_wait3A_368 = tpu.memref_slice %arg9[%multiple_of3A_360, %dma_wait3A_367] : memref<256x64xf32, #tpu.memory_space<vmem>> -> memref<64x64xf32, #tpu.memory_space<vmem>>
          %dma_wait3A_369 = tpu.memref_slice %arg10[%multiple_of3A_360] : memref<256xi32, #tpu.memory_space<vmem>> -> memref<64xi32, #tpu.memory_space<vmem>>
          %dma_wait3A_370 = arith.constant 0 : i32
          %dma_wait3A_371 = arith.constant 0 : i32
          %dma_wait3A_372 = tpu.memref_slice %arg12[%dma_wait3A_370, %dma_wait3A_371] : memref<10240x64xf32, #tpu.memory_space<vmem_shared>> -> memref<10240x64xf32, #tpu.memory_space<vmem_shared>>
          tpu.wait_indirect_dma semaphore(%run_scoped3A : memref<!tpu.dma_semaphore, #tpu.memory_space<semaphore_mem>>) src(%dma_wait3A_368 : memref<64x64xf32, #tpu.memory_space<vmem>>) dst(%dma_wait3A_372 : memref<10240x64xf32, #tpu.memory_space<vmem_shared>>)
          tpu.yield
        }) : () -> ()
      }
      %while3A_309 = arith.constant 1 : i32
      scf.for %while3A_338 = %while3A_307 to %while3A_303 step %while3A_309  : i32 {
        %mul3A_339 = arith.muli %while3A_338, %while3A_299 : i32
        %add3A_340 = arith.addi %while3A_300, %mul3A_339 : i32
        %mul3A_341 = arith.constant 64 : i32
        %mul3A_342 = arith.muli %add3A_340, %mul3A_341 : i32
        %add3A_343 = arith.addi %scan3A_254, %mul3A_342 : i32
        %jit3A_344 = arith.constant 256 : i32
        %eq3A_345 = arith.constant 0 : i32
        %eq3A_346 = arith.cmpi eq, %jit3A_344, %eq3A_345 : i32
        %jit3A_347 = arith.constant 1 : i32
        %select_n3A_348 = arith.select %eq3A_346, %jit3A_347, %jit3A_344 : i32
        %rem3A_349 = arith.remsi %add3A_343, %select_n3A_348 : i32
        %ne3A_350 = arith.constant 0 : i32
        %ne3A_351 = arith.cmpi ne, %rem3A_349, %ne3A_350 : i32
        %lt3A_352 = arith.constant 0 : i32
        %lt3A_353 = arith.cmpi slt, %rem3A_349, %lt3A_352 : i32
        %lt3A_354 = arith.constant 0 : i32
        %lt3A_355 = arith.cmpi slt, %select_n3A_348, %lt3A_354 : i32
        %ne3A_356 = arith.xori %lt3A_353, %lt3A_355 : i1
        %and3A_357 = arith.andi %ne3A_356, %ne3A_351 : i1
        %add3A_358 = arith.addi %rem3A_349, %select_n3A_348 : i32
        %select_n3A_359 = arith.select %and3A_357, %add3A_358, %rem3A_349 : i32
        %multiple_of3A_360 = tpu.assume_multiple %select_n3A_359, 16 : i32
        "tpu.region"() ({
          %run_scoped3A = tpu.sem_alloc : memref<!tpu.dma_semaphore, #tpu.memory_space<semaphore_mem>>
          %dma_start3A_361 = arith.constant 0 : i32
          %dma_start3A_362 = tpu.memref_slice %arg9[%multiple_of3A_360, %dma_start3A_361] : memref<256x64xf32, #tpu.memory_space<vmem>> -> memref<64x64xf32, #tpu.memory_space<vmem>>
          %dma_start3A_363 = tpu.memref_slice %arg10[%multiple_of3A_360] : memref<256xi32, #tpu.memory_space<vmem>> -> memref<64xi32, #tpu.memory_space<vmem>>
          %dma_start3A_364 = arith.constant 0 : i32
          %dma_start3A_365 = arith.constant 0 : i32
          %dma_start3A_366 = tpu.memref_slice %arg12[%dma_start3A_364, %dma_start3A_365] : memref<10240x64xf32, #tpu.memory_space<vmem_shared>> -> memref<10240x64xf32, #tpu.memory_space<vmem_shared>>
          tpu.enqueue_indirect_dma source(%dma_start3A_362 : memref<64x64xf32, #tpu.memory_space<vmem>>) target(%dma_start3A_366 : memref<10240x64xf32, #tpu.memory_space<vmem_shared>>) offsets(%dma_start3A_363 : memref<64xi32, #tpu.memory_space<vmem>>) semaphore(%run_scoped3A : memref<!tpu.dma_semaphore, #tpu.memory_space<semaphore_mem>>) {add = true}
          %dma_wait3A_367 = arith.constant 0 : i32
          %dma_wait3A_368 = tpu.memref_slice %arg9[%multiple_of3A_360, %dma_wait3A_367] : memref<256x64xf32, #tpu.memory_space<vmem>> -> memref<64x64xf32, #tpu.memory_space<vmem>>
          %dma_wait3A_369 = tpu.memref_slice %arg10[%multiple_of3A_360] : memref<256xi32, #tpu.memory_space<vmem>> -> memref<64xi32, #tpu.memory_space<vmem>>
          %dma_wait3A_370 = arith.constant 0 : i32
          %dma_wait3A_371 = arith.constant 0 : i32
          %dma_wait3A_372 = tpu.memref_slice %arg12[%dma_wait3A_370, %dma_wait3A_371] : memref<10240x64xf32, #tpu.memory_space<vmem_shared>> -> memref<10240x64xf32, #tpu.memory_space<vmem_shared>>
          tpu.wait_indirect_dma semaphore(%run_scoped3A : memref<!tpu.dma_semaphore, #tpu.memory_space<semaphore_mem>>) src(%dma_wait3A_368 : memref<64x64xf32, #tpu.memory_space<vmem>>) dst(%dma_wait3A_372 : memref<10240x64xf32, #tpu.memory_space<vmem_shared>>)
          tpu.yield
        }) : () -> ()
      }
      %sub3A_310 = arith.subi %scan3A_264#1, %scan3A_254 : i32
      %jit3A_311 = arith.constant 64 : i32
      %div3A_312 = arith.divsi %sub3A_310, %jit3A_311 : i32
      %sign3A_313 = arith.constant 0 : i32
      %sign3A_314 = arith.cmpi sgt, %sub3A_310, %sign3A_313 : i32
      %sign3A_315 = arith.extui %sign3A_314 : i1 to i32
      %sign3A_316 = arith.constant 0 : i32
      %sign3A_317 = arith.cmpi slt, %sub3A_310, %sign3A_316 : i32
      %sign3A_318 = arith.extui %sign3A_317 : i1 to i32
      %sign3A_319 = arith.subi %sign3A_315, %sign3A_318 : i32
      %sign3A_320 = arith.constant 0 : i32
      %sign3A_321 = arith.cmpi sgt, %jit3A_311, %sign3A_320 : i32
      %sign3A_322 = arith.extui %sign3A_321 : i1 to i32
      %sign3A_323 = arith.constant 0 : i32
      %sign3A_324 = arith.cmpi slt, %jit3A_311, %sign3A_323 : i32
      %sign3A_325 = arith.extui %sign3A_324 : i1 to i32
      %sign3A_326 = arith.subi %sign3A_322, %sign3A_325 : i32
      %ne3A_327 = arith.cmpi ne, %sign3A_319, %sign3A_326 : i32
      %rem3A_328 = arith.remsi %sub3A_310, %jit3A_311 : i32
      %ne3A_329 = arith.constant 0 : i32
      %ne3A_330 = arith.cmpi ne, %rem3A_328, %ne3A_329 : i32
      %and3A_331 = arith.andi %ne3A_327, %ne3A_330 : i1
      %sub3A_332 = arith.constant 1 : i32
      %sub3A_333 = arith.subi %div3A_312, %sub3A_332 : i32
      %select_n3A_334 = arith.select %and3A_331, %sub3A_333, %div3A_312 : i32
      %mul3A_335 = arith.constant 64 : i32
      %mul3A_336 = arith.muli %select_n3A_334, %mul3A_335 : i32
      %add3A_337 = arith.addi %scan3A_254, %mul3A_336 : i32
      scf.yield %scan3A_264#0, %scan3A_264#1, %add3A_337, %scan3A_264#2, %scan3A_264#3, %scan3A_264#4, %scan3A_264#5, %scan3A_264#6 : i32, i32, i32, vector<16xi32>, vector<16xf32>, vector<16xf32>, vector<16xf32>, vector<16xf32>
    }
    %scan3A_106 = arith.constant 80 : i32
    %jit3A = arith.constant 256 : i32
    %eq3A = arith.constant 0 : i32
    %eq3A_107 = arith.cmpi eq, %jit3A, %eq3A : i32
    %jit3A_108 = arith.constant 1 : i32
    %select_n3A = arith.select %eq3A_107, %jit3A_108, %jit3A : i32
    %rem3A = arith.remsi %scan3A_105#1, %select_n3A : i32
    %ne3A = arith.constant 0 : i32
    %ne3A_109 = arith.cmpi ne, %rem3A, %ne3A : i32
    %lt3A = arith.constant 0 : i32
    %lt3A_110 = arith.cmpi slt, %rem3A, %lt3A : i32
    %lt3A_111 = arith.constant 0 : i32
    %lt3A_112 = arith.cmpi slt, %select_n3A, %lt3A_111 : i32
    %ne3A_113 = arith.xori %lt3A_110, %lt3A_112 : i1
    %and3A = arith.andi %ne3A_113, %ne3A_109 : i1
    %add3A_114 = arith.addi %rem3A, %select_n3A : i32
    %select_n3A_115 = arith.select %and3A, %add3A_114, %rem3A : i32
    %jit3A_116 = arith.constant 16 : i32
    %eq3A_117 = arith.constant 0 : i32
    %eq3A_118 = arith.cmpi eq, %jit3A_116, %eq3A_117 : i32
    %jit3A_119 = arith.constant 1 : i32
    %select_n3A_120 = arith.select %eq3A_118, %jit3A_119, %jit3A_116 : i32
    %rem3A_121 = arith.remsi %select_n3A_115, %select_n3A_120 : i32
    %ne3A_122 = arith.constant 0 : i32
    %ne3A_123 = arith.cmpi ne, %rem3A_121, %ne3A_122 : i32
    %lt3A_124 = arith.constant 0 : i32
    %lt3A_125 = arith.cmpi slt, %rem3A_121, %lt3A_124 : i32
    %lt3A_126 = arith.constant 0 : i32
    %lt3A_127 = arith.cmpi slt, %select_n3A_120, %lt3A_126 : i32
    %ne3A_128 = arith.xori %lt3A_125, %lt3A_127 : i1
    %and3A_129 = arith.andi %ne3A_128, %ne3A_123 : i1
    %add3A_130 = arith.addi %rem3A_121, %select_n3A_120 : i32
    %select_n3A_131 = arith.select %and3A_129, %add3A_130, %rem3A_121 : i32
    %eq3A_132 = vector.broadcast %select_n3A_131 : i32 to vector<16xi32>
    %eq3A_133 = arith.cmpi eq, %iota3A, %eq3A_132 : vector<16xi32>
    %broadcast_in_dim3A_134 = vector.broadcast %scan3A_105#0 : i32 to vector<16xi32>
    %select_n3A_135 = arith.select %eq3A_133, %broadcast_in_dim3A_134, %scan3A_105#3 : vector<16xi1>, vector<16xi32>
    %broadcast_in_dim3A_136 = vector.broadcast %select_n3A_115 : i32 to vector<16xi32>
    tpu.vector_store_idx %arg9[%broadcast_in_dim3A_136, %iota3A], %scan3A_105#4 : memref<256x64xf32, #tpu.memory_space<vmem>>[vector<16xi32>, vector<16xi32>], vector<16xf32>,
    %add3A_137 = arith.constant 16 : i32
    %add3A_138 = vector.broadcast %add3A_137 : i32 to vector<16xi32>
    %add3A_139 = arith.addi %iota3A, %add3A_138 : vector<16xi32>
    tpu.vector_store_idx %arg9[%broadcast_in_dim3A_136, %add3A_139], %scan3A_105#5 : memref<256x64xf32, #tpu.memory_space<vmem>>[vector<16xi32>, vector<16xi32>], vector<16xf32>,
    %add3A_140 = arith.constant 32 : i32
    %add3A_141 = vector.broadcast %add3A_140 : i32 to vector<16xi32>
    %add3A_142 = arith.addi %iota3A, %add3A_141 : vector<16xi32>
    tpu.vector_store_idx %arg9[%broadcast_in_dim3A_136, %add3A_142], %scan3A_105#6 : memref<256x64xf32, #tpu.memory_space<vmem>>[vector<16xi32>, vector<16xi32>], vector<16xf32>,
    %add3A_143 = arith.constant 48 : i32
    %add3A_144 = vector.broadcast %add3A_143 : i32 to vector<16xi32>
    %add3A_145 = arith.addi %iota3A, %add3A_144 : vector<16xi32>
    tpu.vector_store_idx %arg9[%broadcast_in_dim3A_136, %add3A_145], %scan3A_105#7 : memref<256x64xf32, #tpu.memory_space<vmem>>[vector<16xi32>, vector<16xi32>], vector<16xf32>,
    %jit3A_146 = arith.constant 16 : i32
    %div3A = arith.divsi %select_n3A_115, %jit3A_146 : i32
    %sign3A = arith.constant 0 : i32
    %sign3A_147 = arith.cmpi sgt, %select_n3A_115, %sign3A : i32
    %sign3A_148 = arith.extui %sign3A_147 : i1 to i32
    %sign3A_149 = arith.constant 0 : i32
    %sign3A_150 = arith.cmpi slt, %select_n3A_115, %sign3A_149 : i32
    %sign3A_151 = arith.extui %sign3A_150 : i1 to i32
    %sign3A_152 = arith.subi %sign3A_148, %sign3A_151 : i32
    %sign3A_153 = arith.constant 0 : i32
    %sign3A_154 = arith.cmpi sgt, %jit3A_146, %sign3A_153 : i32
    %sign3A_155 = arith.extui %sign3A_154 : i1 to i32
    %sign3A_156 = arith.constant 0 : i32
    %sign3A_157 = arith.cmpi slt, %jit3A_146, %sign3A_156 : i32
    %sign3A_158 = arith.extui %sign3A_157 : i1 to i32
    %sign3A_159 = arith.subi %sign3A_155, %sign3A_158 : i32
    %ne3A_160 = arith.cmpi ne, %sign3A_152, %sign3A_159 : i32
    %rem3A_161 = arith.remsi %select_n3A_115, %jit3A_146 : i32
    %ne3A_162 = arith.constant 0 : i32
    %ne3A_163 = arith.cmpi ne, %rem3A_161, %ne3A_162 : i32
    %and3A_164 = arith.andi %ne3A_160, %ne3A_163 : i1
    %sub3A = arith.constant 1 : i32
    %sub3A_165 = arith.subi %div3A, %sub3A : i32
    %select_n3A_166 = arith.select %and3A_164, %sub3A_165, %div3A : i32
    %mul3A_167 = arith.constant 16 : i32
    %mul3A_168 = arith.muli %select_n3A_166, %mul3A_167 : i32
    %multiple_of3A = tpu.assume_multiple %mul3A_168, 16 : i32
    %swap3A = arith.index_cast %multiple_of3A : i32 to index
    %swap3A_169 = tpu.vector_load %arg10[%swap3A] {strides = array<i32>} : memref<256xi32, #tpu.memory_space<vmem>>, vector<16xi32>,
    tpu.vector_store %arg10[%swap3A], %select_n3A_135 {strides = array<i32>} : memref<256xi32, #tpu.memory_space<vmem>>, vector<16xi32>,
    %add3A_170 = arith.constant 1 : i32
    %add3A_171 = arith.addi %scan3A_105#1, %add3A_170 : i32
    %sub3A_172 = arith.subi %add3A_171, %scan3A_105#2 : i32
    %jit3A_173 = arith.constant 16 : i32
    %div3A_174 = arith.divsi %sub3A_172, %jit3A_173 : i32
    %sign3A_175 = arith.constant 0 : i32
    %sign3A_176 = arith.cmpi sgt, %sub3A_172, %sign3A_175 : i32
    %sign3A_177 = arith.extui %sign3A_176 : i1 to i32
    %sign3A_178 = arith.constant 0 : i32
    %sign3A_179 = arith.cmpi slt, %sub3A_172, %sign3A_178 : i32
    %sign3A_180 = arith.extui %sign3A_179 : i1 to i32
    %sign3A_181 = arith.subi %sign3A_177, %sign3A_180 : i32
    %sign3A_182 = arith.constant 0 : i32
    %sign3A_183 = arith.cmpi sgt, %jit3A_173, %sign3A_182 : i32
    %sign3A_184 = arith.extui %sign3A_183 : i1 to i32
    %sign3A_185 = arith.constant 0 : i32
    %sign3A_186 = arith.cmpi slt, %jit3A_173, %sign3A_185 : i32
    %sign3A_187 = arith.extui %sign3A_186 : i1 to i32
    %sign3A_188 = arith.subi %sign3A_184, %sign3A_187 : i32
    %ne3A_189 = arith.cmpi ne, %sign3A_181, %sign3A_188 : i32
    %rem3A_190 = arith.remsi %sub3A_172, %jit3A_173 : i32
    %ne3A_191 = arith.constant 0 : i32
    %ne3A_192 = arith.cmpi ne, %rem3A_190, %ne3A_191 : i32
    %and3A_193 = arith.andi %ne3A_189, %ne3A_192 : i1
    %sub3A_194 = arith.constant 1 : i32
    %sub3A_195 = arith.subi %div3A_174, %sub3A_194 : i32
    %select_n3A_196 = arith.select %and3A_193, %sub3A_195, %div3A_174 : i32
    %sub3A_197 = arith.constant 0 : i32
    %sub3A_198 = arith.subi %select_n3A_196, %sub3A_197 : i32
    %sub3A_199 = arith.constant 1 : i32
    %sub3A_200 = arith.constant 1 : i32
    %sub3A_201 = arith.subi %sub3A_199, %sub3A_200 : i32
    %add3A_202 = arith.addi %sub3A_198, %sub3A_201 : i32
    %div3A_203 = arith.constant 1 : i32
    %div3A_204 = arith.divsi %add3A_202, %div3A_203 : i32
    %while3A = arith.constant 1 : i32
    %while3A_205 = arith.constant 0 : i32
    %while3A_206 = arith.constant 0 : i32
    %while3A_207 = arith.subi %div3A_204, %while3A_206 : i32
    %while3A_208 = arith.addi %while3A_206, %while3A_207 : i32
    %while3A_209 = arith.constant 1 : i32
    %while3A_210 = arith.divsi %while3A_207, %while3A_209 : i32
    %while3A_211 = arith.muli %while3A_210, %while3A_209 : i32
    %while3A_212 = arith.addi %while3A_206, %while3A_211 : i32
    %while3A_213 = arith.constant 1 : i32
    scf.for %while3A_251 = %while3A_206 to %while3A_212 step %while3A_213  : i32 {
      %mul3A_252 = arith.muli %while3A_251, %while3A : i32
      %add3A_253 = arith.addi %while3A_205, %mul3A_252 : i32
      %mul3A_254 = arith.constant 16 : i32
      %mul3A_255 = arith.muli %add3A_253, %mul3A_254 : i32
      %add3A_256 = arith.addi %scan3A_105#2, %mul3A_255 : i32
      %jit3A_257 = arith.constant 256 : i32
      %eq3A_258 = arith.constant 0 : i32
      %eq3A_259 = arith.cmpi eq, %jit3A_257, %eq3A_258 : i32
      %jit3A_260 = arith.constant 1 : i32
      %select_n3A_261 = arith.select %eq3A_259, %jit3A_260, %jit3A_257 : i32
      %rem3A_262 = arith.remsi %add3A_256, %select_n3A_261 : i32
      %ne3A_263 = arith.constant 0 : i32
      %ne3A_264 = arith.cmpi ne, %rem3A_262, %ne3A_263 : i32
      %lt3A_265 = arith.constant 0 : i32
      %lt3A_266 = arith.cmpi slt, %rem3A_262, %lt3A_265 : i32
      %lt3A_267 = arith.constant 0 : i32
      %lt3A_268 = arith.cmpi slt, %select_n3A_261, %lt3A_267 : i32
      %ne3A_269 = arith.xori %lt3A_266, %lt3A_268 : i1
      %and3A_270 = arith.andi %ne3A_269, %ne3A_264 : i1
      %add3A_271 = arith.addi %rem3A_262, %select_n3A_261 : i32
      %select_n3A_272 = arith.select %and3A_270, %add3A_271, %rem3A_262 : i32
      %multiple_of3A_273 = tpu.assume_multiple %select_n3A_272, 16 : i32
      "tpu.region"() ({
        %run_scoped3A = tpu.sem_alloc : memref<!tpu.dma_semaphore, #tpu.memory_space<semaphore_mem>>
        %dma_start3A_274 = arith.constant 0 : i32
        %dma_start3A_275 = tpu.memref_slice %arg9[%multiple_of3A_273, %dma_start3A_274] : memref<256x64xf32, #tpu.memory_space<vmem>> -> memref<16x64xf32, #tpu.memory_space<vmem>>
        %dma_start3A_276 = tpu.memref_slice %arg10[%multiple_of3A_273] : memref<256xi32, #tpu.memory_space<vmem>> -> memref<16xi32, #tpu.memory_space<vmem>>
        %dma_start3A_277 = arith.constant 0 : i32
        %dma_start3A_278 = arith.constant 0 : i32
        %dma_start3A_279 = tpu.memref_slice %arg12[%dma_start3A_277, %dma_start3A_278] : memref<10240x64xf32, #tpu.memory_space<vmem_shared>> -> memref<10240x64xf32, #tpu.memory_space<vmem_shared>>
        tpu.enqueue_indirect_dma source(%dma_start3A_275 : memref<16x64xf32, #tpu.memory_space<vmem>>) target(%dma_start3A_279 : memref<10240x64xf32, #tpu.memory_space<vmem_shared>>) offsets(%dma_start3A_276 : memref<16xi32, #tpu.memory_space<vmem>>) semaphore(%run_scoped3A : memref<!tpu.dma_semaphore, #tpu.memory_space<semaphore_mem>>) {add = true}
        %dma_wait3A_280 = arith.constant 0 : i32
        %dma_wait3A_281 = tpu.memref_slice %arg9[%multiple_of3A_273, %dma_wait3A_280] : memref<256x64xf32, #tpu.memory_space<vmem>> -> memref<16x64xf32, #tpu.memory_space<vmem>>
        %dma_wait3A_282 = tpu.memref_slice %arg10[%multiple_of3A_273] : memref<256xi32, #tpu.memory_space<vmem>> -> memref<16xi32, #tpu.memory_space<vmem>>
        %dma_wait3A_283 = arith.constant 0 : i32
        %dma_wait3A_284 = arith.constant 0 : i32
        %dma_wait3A_285 = tpu.memref_slice %arg12[%dma_wait3A_283, %dma_wait3A_284] : memref<10240x64xf32, #tpu.memory_space<vmem_shared>> -> memref<10240x64xf32, #tpu.memory_space<vmem_shared>>
        tpu.wait_indirect_dma semaphore(%run_scoped3A : memref<!tpu.dma_semaphore, #tpu.memory_space<semaphore_mem>>) src(%dma_wait3A_281 : memref<16x64xf32, #tpu.memory_space<vmem>>) dst(%dma_wait3A_285 : memref<10240x64xf32, #tpu.memory_space<vmem_shared>>)
        tpu.yield
      }) : () -> ()
    }
    %while3A_214 = arith.constant 1 : i32
    scf.for %while3A_251 = %while3A_212 to %while3A_208 step %while3A_214  : i32 {
      %mul3A_252 = arith.muli %while3A_251, %while3A : i32
      %add3A_253 = arith.addi %while3A_205, %mul3A_252 : i32
      %mul3A_254 = arith.constant 16 : i32
      %mul3A_255 = arith.muli %add3A_253, %mul3A_254 : i32
      %add3A_256 = arith.addi %scan3A_105#2, %mul3A_255 : i32
      %jit3A_257 = arith.constant 256 : i32
      %eq3A_258 = arith.constant 0 : i32
      %eq3A_259 = arith.cmpi eq, %jit3A_257, %eq3A_258 : i32
      %jit3A_260 = arith.constant 1 : i32
      %select_n3A_261 = arith.select %eq3A_259, %jit3A_260, %jit3A_257 : i32
      %rem3A_262 = arith.remsi %add3A_256, %select_n3A_261 : i32
      %ne3A_263 = arith.constant 0 : i32
      %ne3A_264 = arith.cmpi ne, %rem3A_262, %ne3A_263 : i32
      %lt3A_265 = arith.constant 0 : i32
      %lt3A_266 = arith.cmpi slt, %rem3A_262, %lt3A_265 : i32
      %lt3A_267 = arith.constant 0 : i32
      %lt3A_268 = arith.cmpi slt, %select_n3A_261, %lt3A_267 : i32
      %ne3A_269 = arith.xori %lt3A_266, %lt3A_268 : i1
      %and3A_270 = arith.andi %ne3A_269, %ne3A_264 : i1
      %add3A_271 = arith.addi %rem3A_262, %select_n3A_261 : i32
      %select_n3A_272 = arith.select %and3A_270, %add3A_271, %rem3A_262 : i32
      %multiple_of3A_273 = tpu.assume_multiple %select_n3A_272, 16 : i32
      "tpu.region"() ({
        %run_scoped3A = tpu.sem_alloc : memref<!tpu.dma_semaphore, #tpu.memory_space<semaphore_mem>>
        %dma_start3A_274 = arith.constant 0 : i32
        %dma_start3A_275 = tpu.memref_slice %arg9[%multiple_of3A_273, %dma_start3A_274] : memref<256x64xf32, #tpu.memory_space<vmem>> -> memref<16x64xf32, #tpu.memory_space<vmem>>
        %dma_start3A_276 = tpu.memref_slice %arg10[%multiple_of3A_273] : memref<256xi32, #tpu.memory_space<vmem>> -> memref<16xi32, #tpu.memory_space<vmem>>
        %dma_start3A_277 = arith.constant 0 : i32
        %dma_start3A_278 = arith.constant 0 : i32
        %dma_start3A_279 = tpu.memref_slice %arg12[%dma_start3A_277, %dma_start3A_278] : memref<10240x64xf32, #tpu.memory_space<vmem_shared>> -> memref<10240x64xf32, #tpu.memory_space<vmem_shared>>
        tpu.enqueue_indirect_dma source(%dma_start3A_275 : memref<16x64xf32, #tpu.memory_space<vmem>>) target(%dma_start3A_279 : memref<10240x64xf32, #tpu.memory_space<vmem_shared>>) offsets(%dma_start3A_276 : memref<16xi32, #tpu.memory_space<vmem>>) semaphore(%run_scoped3A : memref<!tpu.dma_semaphore, #tpu.memory_space<semaphore_mem>>) {add = true}
        %dma_wait3A_280 = arith.constant 0 : i32
        %dma_wait3A_281 = tpu.memref_slice %arg9[%multiple_of3A_273, %dma_wait3A_280] : memref<256x64xf32, #tpu.memory_space<vmem>> -> memref<16x64xf32, #tpu.memory_space<vmem>>
        %dma_wait3A_282 = tpu.memref_slice %arg10[%multiple_of3A_273] : memref<256xi32, #tpu.memory_space<vmem>> -> memref<16xi32, #tpu.memory_space<vmem>>
        %dma_wait3A_283 = arith.constant 0 : i32
        %dma_wait3A_284 = arith.constant 0 : i32
        %dma_wait3A_285 = tpu.memref_slice %arg12[%dma_wait3A_283, %dma_wait3A_284] : memref<10240x64xf32, #tpu.memory_space<vmem_shared>> -> memref<10240x64xf32, #tpu.memory_space<vmem_shared>>
        tpu.wait_indirect_dma semaphore(%run_scoped3A : memref<!tpu.dma_semaphore, #tpu.memory_space<semaphore_mem>>) src(%dma_wait3A_281 : memref<16x64xf32, #tpu.memory_space<vmem>>) dst(%dma_wait3A_285 : memref<10240x64xf32, #tpu.memory_space<vmem_shared>>)
        tpu.yield
      }) : () -> ()
    }
    %sub3A_215 = arith.subi %add3A_171, %scan3A_105#2 : i32
    %jit3A_216 = arith.constant 16 : i32
    %div3A_217 = arith.divsi %sub3A_215, %jit3A_216 : i32
    %sign3A_218 = arith.constant 0 : i32
    %sign3A_219 = arith.cmpi sgt, %sub3A_215, %sign3A_218 : i32
    %sign3A_220 = arith.extui %sign3A_219 : i1 to i32
    %sign3A_221 = arith.constant 0 : i32
    %sign3A_222 = arith.cmpi slt, %sub3A_215, %sign3A_221 : i32
    %sign3A_223 = arith.extui %sign3A_222 : i1 to i32
    %sign3A_224 = arith.subi %sign3A_220, %sign3A_223 : i32
    %sign3A_225 = arith.constant 0 : i32
    %sign3A_226 = arith.cmpi sgt, %jit3A_216, %sign3A_225 : i32
    %sign3A_227 = arith.extui %sign3A_226 : i1 to i32
    %sign3A_228 = arith.constant 0 : i32
    %sign3A_229 = arith.cmpi slt, %jit3A_216, %sign3A_228 : i32
    %sign3A_230 = arith.extui %sign3A_229 : i1 to i32
    %sign3A_231 = arith.subi %sign3A_227, %sign3A_230 : i32
    %ne3A_232 = arith.cmpi ne, %sign3A_224, %sign3A_231 : i32
    %rem3A_233 = arith.remsi %sub3A_215, %jit3A_216 : i32
    %ne3A_234 = arith.constant 0 : i32
    %ne3A_235 = arith.cmpi ne, %rem3A_233, %ne3A_234 : i32
    %and3A_236 = arith.andi %ne3A_232, %ne3A_235 : i1
    %sub3A_237 = arith.constant 1 : i32
    %sub3A_238 = arith.subi %div3A_217, %sub3A_237 : i32
    %select_n3A_239 = arith.select %and3A_236, %sub3A_238, %div3A_217 : i32
    %mul3A_240 = arith.constant 16 : i32
    %mul3A_241 = arith.muli %select_n3A_239, %mul3A_240 : i32
    %add3A_242 = arith.addi %scan3A_105#2, %mul3A_241 : i32
    %sub3A_243 = arith.subi %add3A_171, %add3A_242 : i32
    %gt3A = arith.constant 0 : i32
    %gt3A_244 = arith.cmpi sgt, %sub3A_243, %gt3A : i32
    %convert_element_type3A = arith.extui %gt3A_244 : i1 to i32
    %cond3A = arith.constant 0 : i32
    %cond3A_245 = arith.cmpi ne, %convert_element_type3A, %cond3A : i32
    scf.if %cond3A_245 {
      %jit3A_251 = arith.constant 256 : i32
      %eq3A_252 = arith.constant 0 : i32
      %eq3A_253 = arith.cmpi eq, %jit3A_251, %eq3A_252 : i32
      %jit3A_254 = arith.constant 1 : i32
      %select_n3A_255 = arith.select %eq3A_253, %jit3A_254, %jit3A_251 : i32
      %rem3A_256 = arith.remsi %add3A_242, %select_n3A_255 : i32
      %ne3A_257 = arith.constant 0 : i32
      %ne3A_258 = arith.cmpi ne, %rem3A_256, %ne3A_257 : i32
      %lt3A_259 = arith.constant 0 : i32
      %lt3A_260 = arith.cmpi slt, %rem3A_256, %lt3A_259 : i32
      %lt3A_261 = arith.constant 0 : i32
      %lt3A_262 = arith.cmpi slt, %select_n3A_255, %lt3A_261 : i32
      %ne3A_263 = arith.xori %lt3A_260, %lt3A_262 : i1
      %and3A_264 = arith.andi %ne3A_263, %ne3A_258 : i1
      %add3A_265 = arith.addi %rem3A_256, %select_n3A_255 : i32
      %select_n3A_266 = arith.select %and3A_264, %add3A_265, %rem3A_256 : i32
      %multiple_of3A_267 = tpu.assume_multiple %select_n3A_266, 16 : i32
      %get3A = arith.index_cast %multiple_of3A_267 : i32 to index
      %get3A_268 = tpu.vector_load %arg10[%get3A] {strides = array<i32>} : memref<256xi32, #tpu.memory_space<vmem>>, vector<16xi32>,
      %lt3A_269 = vector.broadcast %sub3A_243 : i32 to vector<16xi32>
      %lt3A_270 = arith.cmpi slt, %iota3A, %lt3A_269 : vector<16xi32>
      %broadcast_in_dim3A_271 = arith.constant 10239 : i32
      %broadcast_in_dim3A_272 = vector.broadcast %broadcast_in_dim3A_271 : i32 to vector<16xi32>
      %select_n3A_273 = arith.select %lt3A_270, %get3A_268, %broadcast_in_dim3A_272 : vector<16xi1>, vector<16xi32>
      %swap3A_274 = arith.index_cast %multiple_of3A_267 : i32 to index
      %swap3A_275 = tpu.vector_load %arg10[%swap3A_274] {strides = array<i32>} : memref<256xi32, #tpu.memory_space<vmem>>, vector<16xi32>,
      tpu.vector_store %arg10[%swap3A_274], %select_n3A_273 {strides = array<i32>} : memref<256xi32, #tpu.memory_space<vmem>>, vector<16xi32>,
      "tpu.region"() ({
        %run_scoped3A = tpu.sem_alloc : memref<!tpu.dma_semaphore, #tpu.memory_space<semaphore_mem>>
        %dma_start3A_276 = arith.constant 0 : i32
        %dma_start3A_277 = tpu.memref_slice %arg9[%multiple_of3A_267, %dma_start3A_276] : memref<256x64xf32, #tpu.memory_space<vmem>> -> memref<16x64xf32, #tpu.memory_space<vmem>>
        %dma_start3A_278 = tpu.memref_slice %arg10[%multiple_of3A_267] : memref<256xi32, #tpu.memory_space<vmem>> -> memref<16xi32, #tpu.memory_space<vmem>>
        %dma_start3A_279 = arith.constant 0 : i32
        %dma_start3A_280 = arith.constant 0 : i32
        %dma_start3A_281 = tpu.memref_slice %arg12[%dma_start3A_279, %dma_start3A_280] : memref<10240x64xf32, #tpu.memory_space<vmem_shared>> -> memref<10240x64xf32, #tpu.memory_space<vmem_shared>>
        tpu.enqueue_indirect_dma source(%dma_start3A_277 : memref<16x64xf32, #tpu.memory_space<vmem>>) target(%dma_start3A_281 : memref<10240x64xf32, #tpu.memory_space<vmem_shared>>) offsets(%dma_start3A_278 : memref<16xi32, #tpu.memory_space<vmem>>) semaphore(%run_scoped3A : memref<!tpu.dma_semaphore, #tpu.memory_space<semaphore_mem>>) {add = true}
        %dma_wait3A_282 = arith.constant 0 : i32
        %dma_wait3A_283 = tpu.memref_slice %arg9[%multiple_of3A_267, %dma_wait3A_282] : memref<256x64xf32, #tpu.memory_space<vmem>> -> memref<16x64xf32, #tpu.memory_space<vmem>>
        %dma_wait3A_284 = tpu.memref_slice %arg10[%multiple_of3A_267] : memref<256xi32, #tpu.memory_space<vmem>> -> memref<16xi32, #tpu.memory_space<vmem>>
        %dma_wait3A_285 = arith.constant 0 : i32
        %dma_wait3A_286 = arith.constant 0 : i32
        %dma_wait3A_287 = tpu.memref_slice %arg12[%dma_wait3A_285, %dma_wait3A_286] : memref<10240x64xf32, #tpu.memory_space<vmem_shared>> -> memref<10240x64xf32, #tpu.memory_space<vmem_shared>>
        tpu.wait_indirect_dma semaphore(%run_scoped3A : memref<!tpu.dma_semaphore, #tpu.memory_space<semaphore_mem>>) src(%dma_wait3A_283 : memref<16x64xf32, #tpu.memory_space<vmem>>) dst(%dma_wait3A_287 : memref<10240x64xf32, #tpu.memory_space<vmem_shared>>)
        tpu.yield
      }) : () -> ()
    } else {
    }
    %barrier3A_246 = arith.constant 0 : index
    tpu.barrier barrier_id(%barrier3A_246)
    %mul3A_247 = arith.constant 640 : i32
    %mul3A_248 = arith.muli %arg1, %mul3A_247 : i32
    %mul3A_249 = arith.constant 640 : i32
    %mul3A_250 = arith.muli %arg1, %mul3A_249 : i32
    "tpu.region"() ({
      %run_scoped3A = tpu.sem_alloc : memref<!tpu.dma_semaphore, #tpu.memory_space<semaphore_mem>>
      %dma_start3A_251 = arith.constant 0 : i32
      %dma_start3A_252 = tpu.memref_slice %arg5[%arg0, %mul3A_250, %dma_start3A_251] : memref<2x10240x64xf32, #tpu.memory_space<hbm>> -> memref<1x640x64xf32, #tpu.memory_space<hbm>>
      %dma_start3A_253 = tpu.memref_squeeze %dma_start3A_252 : memref<1x640x64xf32, #tpu.memory_space<hbm>> -> memref<640x64xf32, #tpu.memory_space<hbm>>
      %dma_start3A_254 = arith.constant 0 : i32
      %dma_start3A_255 = tpu.memref_slice %arg12[%mul3A_248, %dma_start3A_254] : memref<10240x64xf32, #tpu.memory_space<vmem_shared>> -> memref<640x64xf32, #tpu.memory_space<vmem_shared>>
      tpu.enqueue_dma source(%dma_start3A_255 : memref<640x64xf32, #tpu.memory_space<vmem_shared>>) target(%dma_start3A_253 : memref<640x64xf32, #tpu.memory_space<hbm>>) target_semaphore(%run_scoped3A : memref<!tpu.dma_semaphore, #tpu.memory_space<semaphore_mem>>)
      %dma_wait3A_256 = arith.constant 0 : i32
      %dma_wait3A_257 = tpu.memref_slice %arg5[%arg0, %mul3A_250, %dma_wait3A_256] : memref<2x10240x64xf32, #tpu.memory_space<hbm>> -> memref<1x640x64xf32, #tpu.memory_space<hbm>>
      %dma_wait3A_258 = tpu.memref_squeeze %dma_wait3A_257 : memref<1x640x64xf32, #tpu.memory_space<hbm>> -> memref<640x64xf32, #tpu.memory_space<hbm>>
      %dma_wait3A_259 = arith.constant 0 : i32
      %dma_wait3A_260 = tpu.memref_slice %arg12[%mul3A_248, %dma_wait3A_259] : memref<10240x64xf32, #tpu.memory_space<vmem_shared>> -> memref<640x64xf32, #tpu.memory_space<vmem_shared>>
      tpu.wait_dma2 semaphore(%run_scoped3A : memref<!tpu.dma_semaphore, #tpu.memory_space<semaphore_mem>>) src(%dma_wait3A_260 : memref<640x64xf32, #tpu.memory_space<vmem_shared>>) dst(%dma_wait3A_258 : memref<640x64xf32, #tpu.memory_space<hbm>>)
      tpu.yield
    }) : () -> ()
    return
  }
}

module attributes {stable_mosaic.version = 14 : i64} {
  func.func @_table_body(%arg0: memref<128x128xf32, #tpu.memory_space<vmem>>, %arg1: memref<128x128xf32, #tpu.memory_space<vmem>>, %arg2: memref<1x128xf32, #tpu.memory_space<vmem>>, %arg3: memref<128x64xf32, #tpu.memory_space<vmem>>, %arg4: memref<1x64xf32, #tpu.memory_space<vmem>>, %arg5: memref<128x64xf32, #tpu.memory_space<vmem>>) attributes {dimension_semantics = [], scalar_prefetch = 0 : i64, scratch_operands = 0 : i64, tpu.core_type = #tpu.core_type<tc>} {
    %get3A = arith.constant 0 : index
    %get3A_0 = arith.constant 0 : index
    %get3A_1 = vector.load %arg0[%get3A, %get3A_0] : memref<128x128xf32, #tpu.memory_space<vmem>>, vector<128x128xf32>
    %convert_element_type3A = arith.truncf %get3A_1 : vector<128x128xf32> to vector<128x128xbf16>
    %get3A_2 = arith.constant 0 : index
    %get3A_3 = arith.constant 0 : index
    %get3A_4 = vector.load %arg1[%get3A_2, %get3A_3] : memref<128x128xf32, #tpu.memory_space<vmem>>, vector<128x128xf32>
    %convert_element_type3A_5 = arith.truncf %get3A_4 : vector<128x128xf32> to vector<128x128xbf16>
    %dot_general3A = arith.constant dense<0.000000e+00> : vector<128x128xf32>
    %dot_general3A_6 = tpu.matmul %convert_element_type3A, %convert_element_type3A_5, %dot_general3A {dimension_numbers = #tpu.dot_dimension_numbers<[1], [0], [0], [1], [0, 0, 1, 1], [], []>, transpose_lhs_hint = false} : vector<128x128xbf16>, vector<128x128xbf16>, vector<128x128xf32> -> vector<128x128xf32>
    %get3A_7 = arith.constant 0 : index
    %get3A_8 = arith.constant 0 : index
    %get3A_9 = vector.load %arg2[%get3A_7, %get3A_8] : memref<1x128xf32, #tpu.memory_space<vmem>>, vector<1x128xf32>
    %add3A = vector.broadcast %get3A_9 : vector<1x128xf32> to vector<128x128xf32>
    %add3A_10 = arith.addf %dot_general3A_6, %add3A : vector<128x128xf32>
    %max3A = arith.constant 0.000000e+00 : f32
    %max3A_11 = vector.broadcast %max3A : f32 to vector<128x128xf32>
    %max3A_12 = arith.maximumf %add3A_10, %max3A_11 : vector<128x128xf32>
    %convert_element_type3A_13 = arith.truncf %max3A_12 : vector<128x128xf32> to vector<128x128xbf16>
    %get3A_14 = arith.constant 0 : index
    %get3A_15 = arith.constant 0 : index
    %get3A_16 = vector.load %arg3[%get3A_14, %get3A_15] : memref<128x64xf32, #tpu.memory_space<vmem>>, vector<128x64xf32>
    %convert_element_type3A_17 = arith.truncf %get3A_16 : vector<128x64xf32> to vector<128x64xbf16>
    %dot_general3A_18 = arith.constant dense<0.000000e+00> : vector<128x64xf32>
    %dot_general3A_19 = tpu.matmul %convert_element_type3A_13, %convert_element_type3A_17, %dot_general3A_18 {dimension_numbers = #tpu.dot_dimension_numbers<[1], [0], [0], [1], [0, 0, 1, 1], [], []>, transpose_lhs_hint = false} : vector<128x128xbf16>, vector<128x64xbf16>, vector<128x64xf32> -> vector<128x64xf32>
    %get3A_20 = arith.constant 0 : index
    %get3A_21 = arith.constant 0 : index
    %get3A_22 = vector.load %arg4[%get3A_20, %get3A_21] : memref<1x64xf32, #tpu.memory_space<vmem>>, vector<1x64xf32>
    %add3A_23 = vector.broadcast %get3A_22 : vector<1x64xf32> to vector<128x64xf32>
    %add3A_24 = arith.addf %dot_general3A_19, %add3A_23 : vector<128x64xf32>
    %swap3A = arith.constant 0 : index
    %swap3A_25 = arith.constant 0 : index
    %swap3A_26 = vector.load %arg5[%swap3A, %swap3A_25] : memref<128x64xf32, #tpu.memory_space<vmem>>, vector<128x64xf32>
    tpu.vector_store %arg5[%swap3A, %swap3A_25], %add3A_24 {strides = array<i32>} : memref<128x64xf32, #tpu.memory_space<vmem>>, vector<128x64xf32>,
    return
  }
}

module attributes {stable_mosaic.version = 14 : i64} {
  func.func @_head_body(%arg0: memref<2x10240x64xf32, #tpu.memory_space<vmem>>, %arg1: memref<64x64xf32, #tpu.memory_space<vmem>>, %arg2: memref<1x64xf32, #tpu.memory_space<vmem>>, %arg3: memref<1x64xf32, #tpu.memory_space<vmem>>, %arg4: memref<1x1xf32, #tpu.memory_space<vmem>>, %arg5: memref<10000x1xf32, #tpu.memory_space<vmem>>) attributes {dimension_semantics = [], scalar_prefetch = 0 : i64, scratch_operands = 0 : i64, tpu.core_type = #tpu.core_type<tc>} {
    %get3A = arith.constant 0 : index
    %get3A_0 = arith.constant 0 : index
    %get3A_1 = arith.constant 0 : index
    %get3A_2 = vector.load %arg0[%get3A, %get3A_0, %get3A_1] : memref<2x10240x64xf32, #tpu.memory_space<vmem>>, vector<1x10000x64xf32>
    %get3A_3 = vector.shape_cast %get3A_2 : vector<1x10000x64xf32> to vector<10000x64xf32>
    %get3A_4 = arith.constant 1 : index
    %get3A_5 = arith.constant 0 : index
    %get3A_6 = arith.constant 0 : index
    %get3A_7 = vector.load %arg0[%get3A_4, %get3A_5, %get3A_6] : memref<2x10240x64xf32, #tpu.memory_space<vmem>>, vector<1x10000x64xf32>
    %get3A_8 = vector.shape_cast %get3A_7 : vector<1x10000x64xf32> to vector<10000x64xf32>
    %add3A = arith.addf %get3A_3, %get3A_8 : vector<10000x64xf32>
    %convert_element_type3A = arith.truncf %add3A : vector<10000x64xf32> to vector<10000x64xbf16>
    %get3A_9 = arith.constant 0 : index
    %get3A_10 = arith.constant 0 : index
    %get3A_11 = vector.load %arg1[%get3A_9, %get3A_10] : memref<64x64xf32, #tpu.memory_space<vmem>>, vector<64x64xf32>
    %convert_element_type3A_12 = arith.truncf %get3A_11 : vector<64x64xf32> to vector<64x64xbf16>
    %dot_general3A = arith.constant dense<0.000000e+00> : vector<10000x64xf32>
    %dot_general3A_13 = tpu.matmul %convert_element_type3A, %convert_element_type3A_12, %dot_general3A {dimension_numbers = #tpu.dot_dimension_numbers<[1], [0], [0], [1], [0, 0, 1, 1], [], []>, transpose_lhs_hint = false} : vector<10000x64xbf16>, vector<64x64xbf16>, vector<10000x64xf32> -> vector<10000x64xf32>
    %get3A_14 = arith.constant 0 : index
    %get3A_15 = arith.constant 0 : index
    %get3A_16 = vector.load %arg2[%get3A_14, %get3A_15] : memref<1x64xf32, #tpu.memory_space<vmem>>, vector<1x64xf32>
    %add3A_17 = vector.broadcast %get3A_16 : vector<1x64xf32> to vector<10000x64xf32>
    %add3A_18 = arith.addf %dot_general3A_13, %add3A_17 : vector<10000x64xf32>
    %max3A = arith.constant 0.000000e+00 : f32
    %max3A_19 = vector.broadcast %max3A : f32 to vector<10000x64xf32>
    %max3A_20 = arith.maximumf %add3A_18, %max3A_19 : vector<10000x64xf32>
    %convert_element_type3A_21 = arith.truncf %max3A_20 : vector<10000x64xf32> to vector<10000x64xbf16>
    %convert_element_type3A_22 = arith.extf %convert_element_type3A_21 : vector<10000x64xbf16> to vector<10000x64xf32>
    %get3A_23 = arith.constant 0 : index
    %get3A_24 = arith.constant 0 : index
    %get3A_25 = vector.load %arg3[%get3A_23, %get3A_24] : memref<1x64xf32, #tpu.memory_space<vmem>>, vector<1x64xf32>
    %convert_element_type3A_26 = arith.truncf %get3A_25 : vector<1x64xf32> to vector<1x64xbf16>
    %convert_element_type3A_27 = arith.extf %convert_element_type3A_26 : vector<1x64xbf16> to vector<1x64xf32>
    %mul3A = vector.broadcast %convert_element_type3A_27 : vector<1x64xf32> to vector<10000x64xf32>
    %mul3A_28 = arith.mulf %convert_element_type3A_22, %mul3A : vector<10000x64xf32>
    %reduce_sum3A = arith.constant dense<0.000000e+00> : vector<10000xf32>
    %reduce_sum3A_29 = vector.multi_reduction <add>, %mul3A_28, %reduce_sum3A [1] : vector<10000x64xf32> to vector<10000xf32>
    %broadcast_in_dim3A = vector.shape_cast %reduce_sum3A_29 : vector<10000xf32> to vector<10000x1xf32>
    %get3A_30 = arith.constant 0 : index
    %get3A_31 = arith.constant 0 : index
    %get3A_32 = vector.load %arg4[%get3A_30, %get3A_31] : memref<1x1xf32, #tpu.memory_space<vmem>>, vector<1x1xf32>
    %add3A_33 = vector.broadcast %get3A_32 : vector<1x1xf32> to vector<10000x1xf32>
    %add3A_34 = arith.addf %broadcast_in_dim3A, %add3A_33 : vector<10000x1xf32>
    %swap3A = arith.constant 0 : index
    %swap3A_35 = arith.constant 0 : index
    %swap3A_36 = vector.load %arg5[%swap3A, %swap3A_35] : memref<10000x1xf32, #tpu.memory_space<vmem>>, vector<10000x1xf32>
    tpu.vector_store %arg5[%swap3A, %swap3A_35], %add3A_34 {strides = array<i32>} : memref<10000x1xf32, #tpu.memory_space<vmem>>, vector<10000x1xf32>,
    return
  }
}

</mosaic_0001>

<sc_bundles>
// kernel: kernel.5.cloned.1.call-start
scs
__scs_entry_jumppad:
0x0: {  	(pc) =	sbr.rel $0x88, $3  }
0x1: {  	(tag) =	ssettag $0x0;
	lr =	simm.s32 $0x1  }
0x2: {  	[smem:$0x3F96] =	sst lr;
	_ =	strace $0xD0000000  }
0x3: {  	_ = 	snop  }
0x4: {  	_ = 	snop  }
0x5: {  	_ = 	snop  }
0x6: {  	_ = 	snop  }
0x7: {  	_ = 	snop  }
__scs_overlays_trampoline_lowered:
0x8: {  	[smem:$0x3FA5] =	sst s0  }
0x9: {  	[smem:$0x3FA6] =	sst s1  }
0xa: {  	[smem:$0x3FA7] =	sst s2  }
0xb: {  	[smem:$0x3FA8] =	sst s3  }
0xc: {  	[smem:$0x3FA9] =	sst s4  }
0xd: {  	[smem:$0x3FAA] =	sst s5  }
0xe: {  	[smem:$0x3FAB] =	sst s6  }
0xf: {  	[smem:$0x3FAC] =	sst s7  }
0x10: {  	[smem:$0x3FAD] =	sst s8  }
0x11: {  	[smem:$0x3FAE] =	sst s9;
	s0 =	simm.s32 @!p0 $0x0  }
0x12: {  	s1 =	sld [smem:$0x3F94];
	s0 =	simm.s32 @p0 $0x1  }
0x13: {  	[smem:$0x3FAF] =	sst s0;
	s0 =	simm.s32 @!p1 $0x0  }
0x14: {  	s2 =	sld [smem:$0x3F93];
	s0 =	simm.s32 @p1 $0x1  }
0x15: {  	[smem:$0x3FB0] =	sst s0;
	s0 =	simm.s32 @!p2 $0x0  }
0x16: {  	s3 =	sld [smem:$0x3FDB];
	s0 =	simm.s32 @p2 $0x1  }
0x17: {  	s4 =	simm.s32 $0x1BF5;
	[smem:$0x3FB2] =	sst s0  }
0x18: {  	s0 =	sld [smem:$0x3F95];
	_ =	swait.ge [sflag:s4], $0x0  }
0x19: {  	s7 =	sld [smem:$0x3F96]  }
0x1a: {  	s8 =	sadd.s32 $0xFFFFE003, lr  }
0x1b: {  	s9 =	sadd.s32 $0xFFFFFEF7, lr;
	s5 =	simm.s32 $0xFFFFFFFF;
	p2 =	slt.u32 s8, $0xFFFFF086  }
0x1c: {  	p1 =	slt.u32 s9, $0xF7A;
	s5 =	simm.s32 @!p2 $0x0  }
0x1d: {  	s5 =	simm.s32 @p1 $0x1;
	p0 =	seq.s32 s7, s2  }
0x1e: {  	s7 =	smul.u32 @!p0 $0xF7A, s2;
	p2 =	seq.s32 @!p0 s5, $0x0  }
0x1f: {  	s9 =	smul.u32 $0xF7A, s1;
	s8 =	simm.s32 @!p0 $0x1BF5;
	p2 =	por !p2, p0  }
0x20: {  	[sflag:s8] =	ssyncset.s32 @!p0 $0xFFFFF086;
	s6 =	sadd.s32 @!p0 s3, s7;
	s7 =	simm.s32 @!p0 $0x108  }
0x21: {  	s3 =	sadd.s32 s3, s9;
	s6 =	sadd.s32 @!p0 $0x88, s6;
	s7 =	simm.s32 @p2 $0x1082  }
0x22: {  	[simem:s7], [sflag:s8] =	dma.local @!p0 [hbm:s6], $0xF7A  }
0x23: {  	s9 =	sor.u32 $0xD0000000, s2;
	s6 =	simm.s32 $0x108;
	_ =	swait.ge @!p0 [sflag:s8], $0x0  }
0x24: {  	s3 =	sadd.s32 $0x88, s3;
	s6 =	simm.s32 @!p1 $0x1082;
	[sflag:s4] =	ssyncset.s32 $0xFFFFF086  }
0x25: {  	[simem:s6], [sflag:s4] =	dma.local [hbm:s3], $0xF7A  }
0x26: {  	[smem:$0x3F96] =	sst s1;
	(tag) =	ssettag s2;
	_ =	strace s9  }
0x27: {  	s1 =	sld [smem:$0x3FA6]  }
0x28: {  	s2 =	sld [smem:$0x3FA7]  }
0x29: {  	s4 =	sld [smem:$0x3FA9]  }
0x2a: {  	p0 =	seq.s32 s5, $0x0;
	s5 =	sld [smem:$0x3FAA]  }
0x2b: {  	s6 =	sld [smem:$0x3FAB]  }
0x2c: {  	s7 =	sld [smem:$0x3FAC]  }
0x2d: {  	s3 =	simm.s32 $0x108;
	s8 =	sld [smem:$0x3FAD]  }
0x2e: {  	s3 =	simm.s32 @!p0 $0x1082;
	s9 =	sld [smem:$0x3FAE]  }
0x2f: {  	lr =	sadd.s32 s0, s3;
	s0 =	sld [smem:$0x3FA5]  }
0x30: {  	s3 =	sld [smem:$0x3FA8]  }
0x31: {  	[smem:$0x3FB1] =	sst s10  }
0x32: {  	s10 =	sld [smem:$0x3FAF];
	_ =	sdelay $0x3  }
0x33: {  	p0 =	seq.s32 s10, $0x1;
	s10 =	sld [smem:$0x3FB1];
	_ =	sdelay $0x3  }
0x34: {  	[smem:$0x3FB1] =	sst s10  }
0x35: {  	s10 =	sld [smem:$0x3FB0];
	_ =	sdelay $0x3  }
0x36: {  	p1 =	seq.s32 s10, $0x1;
	s10 =	sld [smem:$0x3FB1];
	_ =	sdelay $0x3  }
0x37: {  	[smem:$0x3FB1] =	sst s10  }
0x38: {  	s10 =	sld [smem:$0x3FB2]  }
0x39: {  	_ = 	snop;
	(pc) =	sbr.ind lr, $3  }
0x3a: {  	_ = 	snop  }
0x3b: {  	_ = 	snop  }
0x3c: {  	p2 =	seq.s32 s10, $0x1;
	s10 =	sld [smem:$0x3FB1]  }
0x3d: {  	_ =	shalt  }
0x3e: {  	_ =	shalt  }
0x3f: {  	_ =	shalt  }
0x40: {  	_ =	shalt  }
0x41: {  	_ =	shalt  }
0x42: {  	_ =	shalt  }
0x43: {  	_ =	shalt  }
0x44: {  	_ =	shalt  }
0x45: {  	_ =	shalt  }
0x46: {  	_ =	shalt  }
0x47: {  	_ =	shalt  }
0x48: {  	_ =	shalt  }
0x49: {  	_ =	shalt  }
0x4a: {  	_ =	shalt  }
0x4b: {  	_ =	shalt  }
0x4c: {  	_ =	shalt  }
0x4d: {  	_ =	shalt  }
0x4e: {  	_ =	shalt  }
0x4f: {  	_ =	shalt  }
0x50: {  	_ =	shalt  }
0x51: {  	_ =	shalt  }
0x52: {  	_ =	shalt  }
0x53: {  	_ =	shalt  }
0x54: {  	_ =	shalt  }
0x55: {  	_ =	shalt  }
0x56: {  	_ =	shalt  }
0x57: {  	_ =	shalt  }
0x58: {  	_ =	shalt  }
0x59: {  	_ =	shalt  }
0x5a: {  	_ =	shalt  }
0x5b: {  	_ =	shalt  }
0x5c: {  	_ =	shalt  }
0x5d: {  	_ =	shalt  }
0x5e: {  	_ =	shalt  }
0x5f: {  	_ =	shalt  }
0x60: {  	_ =	shalt  }
0x61: {  	_ =	shalt  }
0x62: {  	_ =	shalt  }
0x63: {  	_ =	shalt  }
0x64: {  	_ =	shalt  }
0x65: {  	_ =	shalt  }
0x66: {  	_ =	shalt  }
0x67: {  	_ =	shalt  }
0x68: {  	_ =	shalt  }
0x69: {  	_ =	shalt  }
0x6a: {  	_ =	shalt  }
0x6b: {  	_ =	shalt  }
0x6c: {  	_ =	shalt  }
0x6d: {  	_ =	shalt  }
0x6e: {  	_ =	shalt  }
0x6f: {  	_ =	shalt  }
0x70: {  	_ =	shalt  }
0x71: {  	_ =	shalt  }
0x72: {  	_ =	shalt  }
0x73: {  	_ =	shalt  }
0x74: {  	_ =	shalt  }
0x75: {  	_ =	shalt  }
0x76: {  	_ =	shalt  }
0x77: {  	_ =	shalt  }
0x78: {  	_ =	shalt  }
0x79: {  	_ =	shalt  }
0x7a: {  	_ =	shalt  }
0x7b: {  	_ =	shalt  }
0x7c: {  	_ =	shalt  }
0x7d: {  	_ =	shalt  }
0x7e: {  	_ =	shalt  }
0x7f: {  	_ =	shalt  }
0x80: {  	_ =	shalt  }
0x81: {  	_ =	shalt  }
0x82: {  	_ =	shalt  }
0x83: {  	_ =	shalt  }
0x84: {  	_ =	shalt  }
0x85: {  	_ =	shalt  }
0x86: {  	_ =	shalt  }
0x87: {  	_ =	shalt  }
.Lfunc_end0:
.L_simem_size_0:
called_computation_lowered:
.L_overlay_start_0:
0x88: {  	s2 =	sld [smem:$0x3FD9]  }
0x89: {  	s3 =	sld [smem:$0x3FFE];
	_ =	sdelay $0x1  }
0x8a: {  	s1 =	srdreg.scid  }
0x8b: {  	s0 =	sand.u32 $0x1, s1  }
0x8c: {  	s17 =	sshll.u32 s0, $0xA;
	s2 =	sadd.s32 s3, s2  }
0x8d: {  	s2 =	sadd.s32 s2, s17  }
0x8e: {  	[smem:$0x3FBD] =	sst s2  }
0x8f: {  	_ = 	snop  }
0x90: {  	s2 =	sld [smem:$0x3FD0];
	(tm) =	ssettm $0x1  }
0x91: {  	s18 =	sld [smem:$0x3FFB];
	_ =	sdelay $0x3  }
0x92: {  	_ =	strace s18  }
0x93: {  	s3 =	sld [smem:$0x3FFC];
	_ =	sdelay $0x3  }
0x94: {  	_ =	strace s3  }
0x95: {  	s3 =	sld [smem:$0x3FFD];
	_ =	sdelay $0x3  }
0x96: {  	_ =	strace s3  }
0x97: {  	_ =	strace $0x8FFFFFFF  }
0x98: {  	s19 =	sld [smem:$0x3FDB];
	_ =	sdelay $0x1  }
0x99: {  	s4 =	simm.s32 $_scs_section_size  }
0x9a: {  	s5 =	simm.s32 $_size__tile_overlayer_lowered;
	s6 =	simm.s32 $_tile_overlayer_lowered  }
0x9b: {  	s22 =	simm.s32 $0x1BFF;
	s21 =	sshll.u32 s6, $0x1;
	s3 =	sadd.s32 s4, s19  }
0x9c: {  	s7 =	simm.s32 $0x0;
	s20 =	sshll.u32 s5, $0x1;
	s5 =	sadd.s32 s21, s3  }
0x9d: {  	[timem:s7], [sflag:s22] =	dma.local [hbm:s5], s20  }
0x9e: {  	_ =	swait.ge [sflag:s22], s20  }
0x9f: {  	s4 =	ssub.s32 $0x0, s20;
	[sflag:s22] =	ssyncset.done $0x0  }
0xa0: {  	[sflag:s22] =	ssyncadd.s32 s4;
	_ =	sdelay $0x1  }
0xa1: {  	s23 =	simm.s32 $0x1B8B  }
0xa2: {  	_ =	swait.ge [sflag:s23], $0x1  }
0xa3: {  	[sflag:s23] =	ssyncset.done $0x0  }
0xa4: {  	s25 =	simm.s32 $0x1B8E;
	s24 =	sld [smem:$0x3FFE];
	[sflag:s23] =	ssyncadd.s32 $0xFFFFFFFF  }
0xa5: {  	s26 =	simm.s32 $execute0_lowered;
	[smem:$0x3FD2] =	sst s25  }
0xa6: {  	s5 =	sshll.u32 s26, $0x1;
	_ =	strace $0x80000046;
	[dreg:$0x1] =	wrdreg $0xFFFFFFFF  }
0xa7: {  	s28 =	simm.s32 $_size_execute0_lowered;
	s3 =	sadd.s32 s3, s5;
	[dreg:$0x0] =	wrdreg $0x0  }
0xa8: {  	s5 =	sshll.u32 s28, $0x1;
	[dreg:$0x2] =	wrdreg s3  }
0xa9: {  	[dreg:$0x3] =	wrdreg s5  }
0xaa: {  	[dreg:$0x4] =	wrdreg $0xC0  }
0xab: {  	_ =	task [dreg:s7], $0x5FFFF  }
0xac: {  	[dreg:$0x1] =	wrdreg $0xFFFFFFFF  }
0xad: {  	[dreg:$0x0] =	wrdreg $0x60  }
0xae: {  	[dreg:$0x2] =	wrdreg s24  }
0xaf: {  	[dreg:$0x3] =	wrdreg s2  }
0xb0: {  	[dreg:$0x4] =	wrdreg $0xD1000  }
0xb1: {  	[dreg:$0x5] =	wrdreg $0x9  }
0xb2: {  	_ =	task.clear_ibuf [dreg:s7], $0x6FFFF;
	_ =	strace $0x90000046  }
0xb3: {  	s29 =	simm.s32 $0x9;
	_ =	strace $0x80000048  }
0xb4: {  	_ =	swait.ge [sflag:s29], $0x1  }
0xb5: {  	[sflag:s29] =	ssyncadd.s32 $0xFFFFFFFF  }
0xb6: {  	_ =	strace $0x90000048  }
0xb7: {  	_ =	sfence  }
0xb8: {  	s30 =	sld [smem:$0x0];
	_ =	sdelay $0x2  }
0xb9: {  	s31 =	sshll.u32 s1, $0xD;
	s1 =	sshrl.u32 s1, $0x2  }
0xba: {  	s3 =	sand.u32 $0x4000, s31;
	s1 =	sadd.s32 s1, s30  }
0xbb: {  	s0 =	sor.u32 s3, s0;
	s1 =	sshll.u32 s1, $0x11  }
0xbc: {  	s0 =	sor.u32 s1, s0  }
0xbd: {  	s0 =	sadd.s32 $0x8F2B, s0  }
0xbe: {  	[sflag:s0] =	ssyncadd.remote.s32 $0x1  }
0xbf: {  	_ =	sfence.sel $0xFFFF  }
0xc0: {  	[dreg:$0x0] =	wrdreg $0xFFFFFFFF;
	(pc) =	sbr.abs _section_cstart, $3  }
0xc1: {  	[dreg:$0x1] =	wrdreg $0xFFFFFFFF  }
0xc2: {  	_ =	task.clear_ibuf [dreg:s7], $0x2FFFF;
	_ =	strace $0x9FFFFFFF  }
0xc3: {  	(tm) =	ssettm $0x7FFFFFFF  }
tec
execute0_lowered:
.L_overlay_start_1:
0x0: {  	(tag) =	ssettag $0x1  }
0x1: {  	s0 =	rddreg [dreg:$0x0]  }
0x2: {  	s3 =	rddreg [dreg:$0x2];
	s2 =	srdreg.scid  }
0x3: {  	s1 =	stileid.u32;
	s4 =	simm.s32 $0x0;
	s16 =	simm.s32 $0xB100  }
0x4: {  	s17 =	simm.s32 $0x2;
	s18 =	simm.s32 $0x1;
	s19 =	simm.s32 $0x40  }
0x5: {  	s20 =	simm.s32 $0x3;
	s21 =	simm.s32 $0x7000;
	s22 =	simm.s32 $0x10  }
0x6: {  	s23 =	simm.s32 $0x0;
	s2 =	sand.u32 $0x1, s2;
	s7 =	smul.u32 $0xA000, s1  }
0x7: {  	s5 =	sshll.u32 s1, $0x1;
	[smem:$0x7FF] =	sst s4;
	s8 =	smul.u32 $0x28000, s1  }
0x8: {  	s5 =	sor.u32 s2, s5;
	s6 =	smul.u32 $0xA0000, s2;
	s2 =	ssub.s32 $0x2, s2  }
0x9: {  	_ =	strace $0x80000047;
	s5 =	smul.u32 $0x500, s5;
	s29 =	sshrl.u32 s2, $0x1  }
0xa: {  	s30 =	sshrl.u32 s8, $0x2;
	s6 =	sadd.s32 s7, s6;
	s2 =	ssub.s32 s2, s29  }
.Ltmp0:
0xb: {  	s11 =	sadd.s32 s30, s3;
	s7 =	sadd.s32 s7, s3;
	(pc) =	sbr.rel .LBB2_1-.Ltmp0, $4  }
0xc: {  	s9 =	sadd.s32 s5, s0;
	s28 =	sshrl.u32 s6, $0x3;
	s8 =	sadd.s32 $0x2000, s11  }
0xd: {  	s10 =	sadd.s32 $0x6000, s11;
	s13 =	smax.u32 s2, $0x1;
	s0 =	sadd.s32 s28, s0  }
0xe: {  	s31 =	sadd.s32 $0xB200, s9;
	s6 =	sadd.s32 $0x1200, s9;
	s9 =	sadd.s32 $0x4000, s11  }
0xf: {  	v0 =	vimm.f32 $0.0e+00;
	v1 =	vlaneseq.u32;
	s11 =	sadd.s32 $0x8000, s11;
	[dreg:$0x4] =	wrdreg s31;
	s12 =	sadd.s32 $0x15200, s0  }
.LBB2_14:
0x10: {  	[sflag:s20] =	ssyncset.done $0x0  }
0x11: {  	[sflag:s20] =	ssyncadd.s32 $0xFFFFFC00  }
.LBB2_15:
0x12: {  	s0 =	sshll.u32 s2, $0x4  }
0x13: {  	s0 =	sadd.s32 s29, s0  }
0x14: {  	s1 =	ssub.s32 s25, s0  }
0x15: {  	p0 =	slt.s32 s1, $0x1  }
0x16: {  	s0 =	sand.u32 @!p0 $0xF0, s0  }
0x17: {  	v2 =	vld @!p0 [tilespmem:s0+$0xB000];
	_ =	sdelay $0x2  }
0x18: {  	v3 =	vmov @!p0 s1;
	v4 =	vlaneseq.u32 @!p0  }
0x19: {  	vm0 =	vgt.s32 @!p0 v3, v4  }
0x1a: {  	s1 =	sshll.u32 @!p0 s0, $0x6;
	v2 =	vnsel @!p0 vm0, $0x27FF, v2  }
0x1b: {  	s2 =	sor.u32 @!p0 $0xB000, s0;
	[tilespmem:s0+$0xB000] =	vst @!p0 v2;
	s0 =	sadd.s32 @!p0 $0x7000, s1;
	s1 =	simm.s32 @!p0 $0x10  }
0x1c: {  	[spmem:s3] =	stream.indirect.scatter.add.f32 @!p0 [tilespmem:s0], [sflag:$0x3], $0x40, s2, s1, $0xb8;
	[tilespmem:$0x17100] =	vst v63  }
0x1d: {  	s0 =	simm.s32 @!p0 $0x3  }
0x1e: {  	s30 =	stileid.u32;
	_ =	swait.ge @!p0 [sflag:s0], $0x400  }
0x1f: {  	s31 =	sshrl.u32 s7, $0x3;
	s23 =	sadd.s32 $0x1, s23;
	[sflag:s0] =	ssyncset.done @!p0 $0x0  }
0x20: {  	[sflag:s0] =	ssyncadd.s32 @!p0 $0xFFFFFC00;
	s0 =	sshll.u32 s30, $0x6;
	p0 =	sne.s32 s23, s13  }
.Ltmp1:
0x21: {  	[bflag:$0x0] =	sbarrier.arrive $0xFFFF;
	s0 =	sor.u32 $0x1C03, s0;
	(pc) =	sbr.rel @!p0 .LBB2_16-.Ltmp1, $4  }
0x22: {  	[hbm:s12], [sflag:s0] =	dma.local [spmem:s31], $0x1400  }
0x23: {  	_ =	swait.ge [sflag:s20], $0x1400  }
0x24: {  	[sflag:s20] =	ssyncset.done $0x0  }
0x25: {  	[sflag:s20] =	ssyncadd.s32 $0xFFFFEC00  }
.LBB2_1:
0x26: {  	s0 =	rddreg [dreg:$0x1];
	s1 =	simm.s32 $0x5000  }
0x27: {  	[tilespmem:s1], [sflag:$0x1] =	stream.linear.gather [hbm4b:s0+s4], $0x2000, $0x38;
	[tilespmem:$0x17100] =	vst v63  }
0x28: {  	s30 =	rddreg [dreg:$0x4]  }
0x29: {  	[tilespmem:s4], [sflag:$0x1] =	stream.linear.gather [hbm4b:s30+s4], $0x2800, $0x38;
	[tilespmem:$0x17100] =	vst v63  }
0x2a: {  	s31 =	simm.s32 $0x2800;
	s2 =	simm.s32 $0x100;
	s0 =	simm.s32 $0x0  }
0x2b: {  	[tilespmem:s31], [sflag:$0x1] =	stream.linear.gather [hbm4b:s6+s4], $0x2800, $0x38;
	[tilespmem:$0x17100] =	vst v63  }
.LBB2_2:
0x2c: {  	p0 =	sne.s32 s2, $0x7F00;
	[tilespmem:s0+$0xB130] =	vst v0;
	s14 =	smov.u32 s2;
	s2 =	sadd.s32 $0x100, s2  }
.Ltmp2:
0x2d: {  	[tilespmem:s0+$0xB120] =	vst v0;
	(pc) =	sbr.rel @p0 .LBB2_2-.Ltmp2, $3  }
0x2e: {  	[tilespmem:s0+$0xB100] =	vst v0  }
0x2f: {  	[tilespmem:s0+$0xB110] =	vst v0;
	_ =	sdelay $0x1  }
0x30: {  	s0 =	sshra.s32 s14, $0x2  }
0x31: {  	[tilespmem:s0+$0xB130] =	vst v0  }
0x32: {  	[tilespmem:s0+$0xB120] =	vst v0  }
0x33: {  	[tilespmem:s0+$0xB100] =	vst v0  }
0x34: {  	[tilespmem:s0+$0xB110] =	vst v0  }
0x35: {  	[spmem:s7] =	stream.linear.scatter [tilespmem:s16], [sflag:$0x2], $0x2000, $0x38;
	[tilespmem:$0x17100] =	vst v63  }
0x36: {  	_ = 	snop  }
0x37: {  	[spmem:s8] =	stream.linear.scatter [tilespmem:s16], [sflag:$0x2], $0x2000, $0x38;
	[tilespmem:$0x17100] =	vst v63  }
0x38: {  	_ = 	snop  }
0x39: {  	[spmem:s9] =	stream.linear.scatter [tilespmem:s16], [sflag:$0x2], $0x2000, $0x38;
	[tilespmem:$0x17100] =	vst v63  }
0x3a: {  	_ = 	snop  }
0x3b: {  	[spmem:s10] =	stream.linear.scatter [tilespmem:s16], [sflag:$0x2], $0x2000, $0x38;
	[tilespmem:$0x17100] =	vst v63  }
0x3c: {  	_ = 	snop  }
0x3d: {  	[spmem:s11] =	stream.linear.scatter [tilespmem:s16], [sflag:$0x2], $0x2000, $0x38;
	[tilespmem:$0x17100] =	vst v63  }
0x3e: {  	_ =	swait.ge [sflag:s17], $0x2000  }
0x3f: {  	[sflag:s17] =	ssyncset.done $0x0  }
0x40: {  	[sflag:s17] =	ssyncadd.s32 $0xFFFFE000  }
0x41: {  	_ =	swait.ge [sflag:s17], $0x2000  }
0x42: {  	[sflag:s17] =	ssyncset.done $0x0  }
0x43: {  	[sflag:s17] =	ssyncadd.s32 $0xFFFFE000  }
0x44: {  	_ =	swait.ge [sflag:s17], $0x2000  }
0x45: {  	[sflag:s17] =	ssyncset.done $0x0  }
0x46: {  	[sflag:s17] =	ssyncadd.s32 $0xFFFFE000  }
0x47: {  	_ =	swait.ge [sflag:s17], $0x2000  }
0x48: {  	[sflag:s17] =	ssyncset.done $0x0  }
0x49: {  	[sflag:s17] =	ssyncadd.s32 $0xFFFFE000  }
0x4a: {  	_ =	swait.ge [sflag:s17], $0x2000  }
0x4b: {  	[sflag:s17] =	ssyncset.done $0x0  }
0x4c: {  	[sflag:s17] =	ssyncadd.s32 $0xFFFFE000  }
0x4d: {  	_ =	swait.ge [sflag:s18], $0x2000  }
0x4e: {  	[sflag:s18] =	ssyncset.done $0x0  }
0x4f: {  	[sflag:s18] =	ssyncadd.s32 $0xFFFFE000  }
0x50: {  	_ =	swait.ge [sflag:s18], $0x2800  }
0x51: {  	[sflag:s18] =	ssyncset.done $0x0  }
0x52: {  	[sflag:s18] =	ssyncadd.s32 $0xFFFFD800  }
.Ltmp3:
0x53: {  	_ =	swait.ge [sflag:s18], $0x2800;
	(pc) =	sbr.rel .LBB2_4-.Ltmp3, $4  }
0x54: {  	[sflag:s18] =	ssyncset.done $0x0  }
0x55: {  	s30 =	simm.s32 $0x27FF;
	[sflag:s18] =	ssyncadd.s32 $0xFFFFD800  }
0x56: {  	s29 =	simm.s32 $0x0;
	v6 =	vimm.s32 $0x0;
	v7 =	vimm.f32 $0.0e+00;
	s25 =	simm.s32 $0x2800;
	[bflag:$0x0] =	sbarrier.arrive $0xFFFF  }
0x57: {  	s26 =	simm.s32 $0x0;
	v8 =	vimm.f32 $0.0e+00;
	v9 =	vimm.f32 $0.0e+00;
	v10 =	vimm.f32 $0.0e+00;
	s31 =	simm.s32 $0x0;
	s28 =	simm.s32 $0x0  }
.LBB2_9:
0x58: {  	[sflag:s20] =	ssyncset.done $0x0  }
0x59: {  	[sflag:s20] =	ssyncadd.s32 $0xFFFFF000  }
.LBB2_10:
0x5a: {  	s28 =	sadd.s32 $0x1, s28  }
0x5b: {  	p2 =	sne.s32 s28, $0x50  }
.Ltmp4:
0x5c: {  	_ = 	snop;
	(pc) =	sbr.rel @!p2 .LBB2_11-.Ltmp4, $3  }
0x5d: {  	_ =	sdelay $0x1  }
0x5e: {  	s1 =	sshll.u32 s2, $0x6  }
0x5f: {  	s26 =	sadd.s32 $0x80, s26;
	s25 =	sadd.s32 $0x80, s25;
	s29 =	sadd.s32 s24, s1  }
.LBB2_4:
0x60: {  	v3 =	vmov s26  }
0x61: {  	v4 =	vmov s25;
	_ =	sdelay $0x1  }
0x62: {  	s24 =	smov.u32 s29;
	s29 =	simm.s32 $0x0  }
.LBB2_5:
0x63: {  	s0 =	sshra.s32 s29, $0x2  }
0x64: {  	v5 =	vld.idx.msk [tilespmem:v3+s0+$0x0 ss:$0x1], $0xffff  }
0x65: {  	v2 =	vld.idx.msk [tilespmem:v4+s0+$0x0 ss:$0x1], $0xffff;
	_ =	sdelay $0x3  }
0x66: {  	(v2sf) =	vpush v5, $0x0  }
0x67: {  	(v2sf) =	vpush v2, $0x0;
	_ =	sdelay $0xb  }
0x68: {  	(v2sf) =	vpush v5, $0x1  }
0x69: {  	(v2sf) =	vpush v2, $0x1  }
0x6a: {  	s5 =	spop (v2sf)  }
0x6b: {  	s2 =	spop (v2sf)  }
0x6c: {  	p1 =	seq.s32 s2, s30  }
0x6d: {  	s14 =	sand.u32 @!p1 $0xFF, s31  }
0x6e: {  	v11 =	vlaneseq.u32 @!p1;
	s14 =	sshll.u32 @!p1 s14, $0x6  }
0x6f: {  	v13 =	vor.u32 @!p1 $0x10, v11;
	v12 =	vor.u32 @!p1 s14, v11  }
0x70: {  	v14 =	vor.u32 @!p1 $0x20, v11;
	v13 =	vor.u32 @!p1 s14, v13  }
0x71: {  	v15 =	vor.u32 @!p1 $0x30, v11;
	v14 =	vor.u32 @!p1 s14, v14  }
0x72: {  	v15 =	vor.u32 @!p1 s14, v15  }
0x73: {  	s14 =	simm.s32 @!p1 $0x7000  }
0x74: {  	(v2sf) =	vpush v5, $0x2;
	s15 =	sand.u32 @!p1 $0xF, s31;
	[tilespmem:v12+s14+$0x0] =	vst.idx.msk @!p1 $0xffff, v10  }
0x75: {  	(v2sf) =	vpush v2, $0x2;
	v12 =	vmov @!p1 s15;
	[tilespmem:v13+s14+$0x0] =	vst.idx.msk @!p1 $0xffff, v9  }
0x76: {  	s0 =	sshll.u32 s5, $0x8;
	p0 =	sne.s32 s2, s30;
	vm0 =	veq.s32 @!p1 v12, v11;
	[tilespmem:v14+s14+$0x0] =	vst.idx.msk @!p1 $0xffff, v8  }
0x77: {  	s1 =	sshra.s32 s0, $0x2;
	v11 =	vsel @!p1 vm0, s30, v6;
	s30 =	spop (v2sf);
	[tilespmem:v15+s14+$0x0] =	vst.idx.msk @!p1 $0xffff, v7;
	s14 =	simm.s32 $0x1  }
0x78: {  	s15 =	sand.u32 @!p1 $0xF0, s31;
	s0 =	spop (v2sf);
	s14 =	simm.s32 @!p0 $0x0  }
0x79: {  	[tilespmem:s15+$0xB000] =	vst @!p1 v11;
	p0 =	seq.s32 s0, s2;
	s14 =	sadd.s32 s14, s31  }
0x7a: {  	v62 =	vld [tilespmem:s1+$0x5000];
	s31 =	sand.u32 @!p0 $0xFF, s14  }
0x7b: {  	v13 =	vld [tilespmem:s1+$0x5010];
	v15 =	vlaneseq.u32 @!p0;
	s31 =	sshll.u32 @!p0 s31, $0x6  }
0x7c: {  	v14 =	vld [tilespmem:s1+$0x5020];
	v18 =	vor.u32 @!p0 $0x10, v15;
	v17 =	vor.u32 @!p0 s31, v15  }
0x7d: {  	v16 =	vld [tilespmem:s1+$0x5030];
	v19 =	vor.u32 @!p0 $0x20, v15;
	v18 =	vor.u32 @!p0 s31, v18  }
0x7e: {  	v10 =	vpsel !p1, $0x0, v10;
	v20 =	vor.u32 @!p0 $0x30, v15;
	v19 =	vor.u32 @!p0 s31, v19  }
0x7f: {  	v9 =	vpsel !p1, $0x0, v9;
	v12 =	vor.u32 @!p0 s31, v20;
	v10 =	vadd.f32 v62, v10  }
0x80: {  	v8 =	vpsel !p1, $0x0, v8;
	(v2sf) =	vpush v5, $0x3;
	s15 =	simm.s32 @!p0 $0x7000;
	v9 =	vadd.f32 v13, v9  }
0x81: {  	v7 =	vpsel !p1, $0x0, v7;
	(v2sf) =	vpush v2, $0x3;
	s31 =	sand.u32 @!p0 $0xF, s14;
	v8 =	vadd.f32 v14, v8;
	[tilespmem:v17+s15+$0x0] =	vst.idx.msk @!p0 $0xffff, v10  }
0x82: {  	s5 =	sshll.u32 s30, $0x8;
	v7 =	vadd.f32 v16, v7;
	v13 =	vmov @!p0 s31;
	v14 =	vbroadcast @!p0 v2, $0x0;
	[tilespmem:v18+s15+$0x0] =	vst.idx.msk @!p0 $0xffff, v9  }
0x83: {  	v6 =	vpsel p1, v6, v11;
	p1 =	sne.s32 s0, s2;
	s2 =	simm.s32 $0x1;
	s1 =	spop (v2sf);
	vm0 =	veq.s32 @!p0 v13, v15;
	[tilespmem:v19+s15+$0x0] =	vst.idx.msk @!p0 $0xffff, v8  }
0x84: {  	s2 =	simm.s32 @!p1 $0x0;
	s30 =	spop (v2sf);
	s31 =	sand.u32 @!p0 $0xF0, s14;
	v11 =	vsel @!p0 vm0, v14, v6;
	[tilespmem:v12+s15+$0x0] =	vst.idx.msk @!p0 $0xffff, v7  }
0x85: {  	s2 =	sadd.s32 s2, s14;
	p1 =	seq.s32 s30, s0;
	s15 =	sshra.s32 s5, $0x2;
	[tilespmem:s31+$0xB000] =	vst @!p0 v11  }
0x86: {  	s14 =	sand.u32 @!p1 $0xFF, s2;
	v12 =	vld [tilespmem:s15+$0x5000]  }
0x87: {  	v15 =	vlaneseq.u32 @!p1;
	s14 =	sshll.u32 @!p1 s14, $0x6;
	v63 =	vld [tilespmem:s15+$0x5010]  }
0x88: {  	v17 =	vor.u32 @!p1 s14, v15;
	v18 =	vor.u32 @!p1 $0x10, v15;
	v24 =	vld [tilespmem:s15+$0x5020]  }
0x89: {  	v18 =	vor.u32 @!p1 s14, v18;
	v19 =	vor.u32 @!p1 $0x20, v15;
	v25 =	vld [tilespmem:s15+$0x5030]  }
0x8a: {  	v20 =	vor.u32 @!p1 $0x30, v15;
	v10 =	vpsel !p0, $0x0, v10;
	v19 =	vor.u32 @!p1 s14, v19  }
0x8b: {  	v9 =	vpsel !p0, $0x0, v9;
	v10 =	vadd.f32 v12, v10;
	v12 =	vor.u32 @!p1 s14, v20  }
0x8c: {  	v8 =	vpsel !p0, $0x0, v8;
	v9 =	vadd.f32 v63, v9;
	s14 =	simm.s32 @!p1 $0x7000  }
0x8d: {  	(v2sf) =	vpush v5, $0x4;
	v7 =	vpsel !p0, $0x0, v7;
	v8 =	vadd.f32 v24, v8;
	[tilespmem:v17+s14+$0x0] =	vst.idx.msk @!p1 $0xffff, v10  }
0x8e: {  	(v2sf) =	vpush v2, $0x4;
	s15 =	sand.u32 @!p1 $0xF, s2;
	v7 =	vadd.f32 v25, v7;
	[tilespmem:v18+s14+$0x0] =	vst.idx.msk @!p1 $0xffff, v9  }
0x8f: {  	v14 =	vbroadcast @!p1 v2, $0x1;
	v6 =	vpsel p0, v6, v11;
	s5 =	sshll.u32 s1, $0x8;
	p0 =	sne.s32 s30, s0;
	v13 =	vmov @!p1 s15;
	[tilespmem:v19+s14+$0x0] =	vst.idx.msk @!p1 $0xffff, v8  }
0x90: {  	s1 =	spop (v2sf);
	s0 =	sshra.s32 s5, $0x2;
	vm0 =	veq.s32 @!p1 v13, v15;
	[tilespmem:v12+s14+$0x0] =	vst.idx.msk @!p1 $0xffff, v7;
	s14 =	simm.s32 $0x1  }
0x91: {  	s5 =	spop (v2sf);
	s15 =	sand.u32 @!p1 $0xF0, s2;
	v11 =	vsel @!p1 vm0, v14, v6;
	s14 =	simm.s32 @!p0 $0x0  }
0x92: {  	[tilespmem:s15+$0xB000] =	vst @!p1 v11;
	p0 =	seq.s32 s5, s30;
	s2 =	sadd.s32 s14, s2  }
0x93: {  	v12 =	vld [tilespmem:s0+$0x5000];
	s14 =	sand.u32 @!p0 $0xFF, s2  }
0x94: {  	v26 =	vld [tilespmem:s0+$0x5010];
	v15 =	vlaneseq.u32 @!p0;
	s14 =	sshll.u32 @!p0 s14, $0x6  }
0x95: {  	v27 =	vld [tilespmem:s0+$0x5020];
	v18 =	vor.u32 @!p0 $0x10, v15;
	v17 =	vor.u32 @!p0 s14, v15  }
0x96: {  	v28 =	vld [tilespmem:s0+$0x5030];
	v19 =	vor.u32 @!p0 $0x20, v15;
	v18 =	vor.u32 @!p0 s14, v18  }
0x97: {  	v10 =	vpsel !p1, $0x0, v10;
	v20 =	vor.u32 @!p0 $0x30, v15;
	v19 =	vor.u32 @!p0 s14, v19  }
0x98: {  	v9 =	vpsel !p1, $0x0, v9;
	v10 =	vadd.f32 v12, v10;
	v12 =	vor.u32 @!p0 s14, v20  }
0x99: {  	v8 =	vpsel !p1, $0x0, v8;
	v9 =	vadd.f32 v26, v9;
	s14 =	simm.s32 @!p0 $0x7000  }
0x9a: {  	v7 =	vpsel !p1, $0x0, v7;
	v8 =	vadd.f32 v27, v8;
	[tilespmem:v17+s14+$0x0] =	vst.idx.msk @!p0 $0xffff, v10  }
0x9b: {  	(v2sf) =	vpush v5, $0x5;
	s15 =	sand.u32 @!p0 $0xF, s2;
	v7 =	vadd.f32 v28, v7;
	[tilespmem:v18+s14+$0x0] =	vst.idx.msk @!p0 $0xffff, v9  }
0x9c: {  	(v2sf) =	vpush v2, $0x5;
	s1 =	sshll.u32 s1, $0x8;
	v14 =	vbroadcast @!p0 v2, $0x2;
	v13 =	vmov @!p0 s15;
	[tilespmem:v19+s14+$0x0] =	vst.idx.msk @!p0 $0xffff, v8  }
0x9d: {  	s31 =	spop (v2sf);
	v6 =	vpsel p1, v6, v11;
	p1 =	sne.s32 s5, s30;
	vm0 =	veq.s32 @!p0 v13, v15;
	[tilespmem:v12+s14+$0x0] =	vst.idx.msk @!p0 $0xffff, v7;
	s14 =	simm.s32 $0x1  }
0x9e: {  	s30 =	spop (v2sf);
	s15 =	sand.u32 @!p0 $0xF0, s2;
	v11 =	vsel @!p0 vm0, v14, v6;
	s14 =	simm.s32 @!p1 $0x0  }
0x9f: {  	s1 =	sshra.s32 s1, $0x2;
	[tilespmem:s15+$0xB000] =	vst @!p0 v11;
	p1 =	seq.s32 s30, s5;
	s2 =	sadd.s32 s14, s2  }
0xa0: {  	v12 =	vld [tilespmem:s1+$0x5000];
	s14 =	sand.u32 @!p1 $0xFF, s2  }
0xa1: {  	v29 =	vld [tilespmem:s1+$0x5010];
	v15 =	vlaneseq.u32 @!p1;
	s14 =	sshll.u32 @!p1 s14, $0x6  }
0xa2: {  	v30 =	vld [tilespmem:s1+$0x5020];
	v18 =	vor.u32 @!p1 $0x10, v15;
	v17 =	vor.u32 @!p1 s14, v15  }
0xa3: {  	v31 =	vld [tilespmem:s1+$0x5030];
	v19 =	vor.u32 @!p1 $0x20, v15;
	v18 =	vor.u32 @!p1 s14, v18  }
0xa4: {  	v10 =	vpsel !p0, $0x0, v10;
	v20 =	vor.u32 @!p1 $0x30, v15;
	v19 =	vor.u32 @!p1 s14, v19  }
0xa5: {  	v9 =	vpsel !p0, $0x0, v9;
	v10 =	vadd.f32 v12, v10;
	v12 =	vor.u32 @!p1 s14, v20  }
0xa6: {  	v8 =	vpsel !p0, $0x0, v8;
	s1 =	simm.s32 @!p1 $0x7000;
	v9 =	vadd.f32 v29, v9  }
0xa7: {  	(v2sf) =	vpush v5, $0x6;
	v7 =	vpsel !p0, $0x0, v7;
	v8 =	vadd.f32 v30, v8;
	[tilespmem:v17+s1+$0x0] =	vst.idx.msk @!p1 $0xffff, v10  }
0xa8: {  	(v2sf) =	vpush v2, $0x6;
	v7 =	vadd.f32 v31, v7;
	s14 =	sand.u32 @!p1 $0xF, s2;
	[tilespmem:v18+s1+$0x0] =	vst.idx.msk @!p1 $0xffff, v9  }
0xa9: {  	v6 =	vpsel p0, v6, v11;
	p0 =	sne.s32 s30, s5;
	s5 =	sshll.u32 s31, $0x8;
	v14 =	vbroadcast @!p1 v2, $0x3;
	v13 =	vmov @!p1 s14;
	[tilespmem:v19+s1+$0x0] =	vst.idx.msk @!p1 $0xffff, v8  }
0xaa: {  	s15 =	spop (v2sf);
	s0 =	sshra.s32 s5, $0x2;
	vm0 =	veq.s32 @!p1 v13, v15;
	[tilespmem:v12+s1+$0x0] =	vst.idx.msk @!p1 $0xffff, v7;
	s1 =	simm.s32 $0x1  }
0xab: {  	s5 =	spop (v2sf);
	s14 =	sand.u32 @!p1 $0xF0, s2;
	v11 =	vsel @!p1 vm0, v14, v6;
	s1 =	simm.s32 @!p0 $0x0  }
0xac: {  	[tilespmem:s14+$0xB000] =	vst @!p1 v11;
	p0 =	seq.s32 s5, s30;
	s1 =	sadd.s32 s1, s2  }
0xad: {  	v12 =	vld [tilespmem:s0+$0x5000];
	s2 =	sand.u32 @!p0 $0xFF, s1  }
0xae: {  	v32 =	vld [tilespmem:s0+$0x5010];
	v15 =	vlaneseq.u32 @!p0;
	s2 =	sshll.u32 @!p0 s2, $0x6  }
0xaf: {  	v33 =	vld [tilespmem:s0+$0x5020];
	v18 =	vor.u32 @!p0 $0x10, v15;
	v17 =	vor.u32 @!p0 s2, v15  }
0xb0: {  	v34 =	vld [tilespmem:s0+$0x5030];
	v19 =	vor.u32 @!p0 $0x20, v15;
	v18 =	vor.u32 @!p0 s2, v18  }
0xb1: {  	v10 =	vpsel !p1, $0x0, v10;
	v20 =	vor.u32 @!p0 $0x30, v15;
	v19 =	vor.u32 @!p0 s2, v19  }
0xb2: {  	v9 =	vpsel !p1, $0x0, v9;
	v10 =	vadd.f32 v12, v10;
	v12 =	vor.u32 @!p0 s2, v20  }
0xb3: {  	v8 =	vpsel !p1, $0x0, v8;
	v9 =	vadd.f32 v32, v9;
	s2 =	simm.s32 @!p0 $0x7000  }
0xb4: {  	v7 =	vpsel !p1, $0x0, v7;
	v8 =	vadd.f32 v33, v8;
	[tilespmem:v17+s2+$0x0] =	vst.idx.msk @!p0 $0xffff, v10  }
0xb5: {  	(v2sf) =	vpush v5, $0x7;
	s14 =	sand.u32 @!p0 $0xF, s1;
	v7 =	vadd.f32 v34, v7;
	[tilespmem:v18+s2+$0x0] =	vst.idx.msk @!p0 $0xffff, v9  }
0xb6: {  	(v2sf) =	vpush v2, $0x7;
	s15 =	sshll.u32 s15, $0x8;
	v14 =	vbroadcast @!p0 v2, $0x4;
	v13 =	vmov @!p0 s14;
	[tilespmem:v19+s2+$0x0] =	vst.idx.msk @!p0 $0xffff, v8  }
0xb7: {  	s31 =	spop (v2sf);
	v6 =	vpsel p1, v6, v11;
	p1 =	sne.s32 s5, s30;
	vm0 =	veq.s32 @!p0 v13, v15;
	[tilespmem:v12+s2+$0x0] =	vst.idx.msk @!p0 $0xffff, v7;
	s2 =	simm.s32 $0x1  }
0xb8: {  	s30 =	spop (v2sf);
	s14 =	sand.u32 @!p0 $0xF0, s1;
	v11 =	vsel @!p0 vm0, v14, v6;
	s2 =	simm.s32 @!p1 $0x0  }
0xb9: {  	s15 =	sshra.s32 s15, $0x2;
	[tilespmem:s14+$0xB000] =	vst @!p0 v11;
	p1 =	seq.s32 s30, s5;
	s1 =	sadd.s32 s2, s1  }
0xba: {  	v12 =	vld [tilespmem:s15+$0x5000];
	s2 =	sand.u32 @!p1 $0xFF, s1  }
0xbb: {  	v35 =	vld [tilespmem:s15+$0x5010];
	v15 =	vlaneseq.u32 @!p1;
	s2 =	sshll.u32 @!p1 s2, $0x6  }
0xbc: {  	v36 =	vld [tilespmem:s15+$0x5020];
	v18 =	vor.u32 @!p1 $0x10, v15;
	v17 =	vor.u32 @!p1 s2, v15  }
0xbd: {  	v37 =	vld [tilespmem:s15+$0x5030];
	v19 =	vor.u32 @!p1 $0x20, v15;
	v18 =	vor.u32 @!p1 s2, v18  }
0xbe: {  	v10 =	vpsel !p0, $0x0, v10;
	v20 =	vor.u32 @!p1 $0x30, v15;
	v19 =	vor.u32 @!p1 s2, v19  }
0xbf: {  	v9 =	vpsel !p0, $0x0, v9;
	v10 =	vadd.f32 v12, v10;
	v12 =	vor.u32 @!p1 s2, v20  }
0xc0: {  	v8 =	vpsel !p0, $0x0, v8;
	v9 =	vadd.f32 v35, v9;
	s2 =	simm.s32 @!p1 $0x7000  }
0xc1: {  	(v2sf) =	vpush v5, $0x8;
	v7 =	vpsel !p0, $0x0, v7;
	v8 =	vadd.f32 v36, v8;
	[tilespmem:v17+s2+$0x0] =	vst.idx.msk @!p1 $0xffff, v10  }
0xc2: {  	(v2sf) =	vpush v2, $0x8;
	s14 =	sand.u32 @!p1 $0xF, s1;
	v7 =	vadd.f32 v37, v7;
	[tilespmem:v18+s2+$0x0] =	vst.idx.msk @!p1 $0xffff, v9  }
0xc3: {  	v6 =	vpsel p0, v6, v11;
	p0 =	sne.s32 s30, s5;
	s5 =	sshll.u32 s31, $0x8;
	v14 =	vbroadcast @!p1 v2, $0x5;
	v13 =	vmov @!p1 s14;
	[tilespmem:v19+s2+$0x0] =	vst.idx.msk @!p1 $0xffff, v8  }
0xc4: {  	s15 =	spop (v2sf);
	s0 =	sshra.s32 s5, $0x2;
	vm0 =	veq.s32 @!p1 v13, v15;
	[tilespmem:v12+s2+$0x0] =	vst.idx.msk @!p1 $0xffff, v7;
	s2 =	simm.s32 $0x1  }
0xc5: {  	s5 =	spop (v2sf);
	s14 =	sand.u32 @!p1 $0xF0, s1;
	v11 =	vsel @!p1 vm0, v14, v6;
	s2 =	simm.s32 @!p0 $0x0  }
0xc6: {  	[tilespmem:s14+$0xB000] =	vst @!p1 v11;
	p0 =	seq.s32 s5, s30;
	s1 =	sadd.s32 s2, s1  }
0xc7: {  	v12 =	vld [tilespmem:s0+$0x5000];
	s2 =	sand.u32 @!p0 $0xFF, s1  }
0xc8: {  	v38 =	vld [tilespmem:s0+$0x5010];
	v15 =	vlaneseq.u32 @!p0;
	s2 =	sshll.u32 @!p0 s2, $0x6  }
0xc9: {  	v39 =	vld [tilespmem:s0+$0x5020];
	v18 =	vor.u32 @!p0 $0x10, v15;
	v17 =	vor.u32 @!p0 s2, v15  }
0xca: {  	v40 =	vld [tilespmem:s0+$0x5030];
	v19 =	vor.u32 @!p0 $0x20, v15;
	v18 =	vor.u32 @!p0 s2, v18  }
0xcb: {  	v10 =	vpsel !p1, $0x0, v10;
	v20 =	vor.u32 @!p0 $0x30, v15;
	v19 =	vor.u32 @!p0 s2, v19  }
0xcc: {  	v9 =	vpsel !p1, $0x0, v9;
	v10 =	vadd.f32 v12, v10;
	v12 =	vor.u32 @!p0 s2, v20  }
0xcd: {  	v8 =	vpsel !p1, $0x0, v8;
	v9 =	vadd.f32 v38, v9;
	s2 =	simm.s32 @!p0 $0x7000  }
0xce: {  	v7 =	vpsel !p1, $0x0, v7;
	v8 =	vadd.f32 v39, v8;
	[tilespmem:v17+s2+$0x0] =	vst.idx.msk @!p0 $0xffff, v10  }
0xcf: {  	(v2sf) =	vpush v5, $0x9;
	s14 =	sand.u32 @!p0 $0xF, s1;
	v7 =	vadd.f32 v40, v7;
	[tilespmem:v18+s2+$0x0] =	vst.idx.msk @!p0 $0xffff, v9  }
0xd0: {  	(v2sf) =	vpush v2, $0x9;
	s15 =	sshll.u32 s15, $0x8;
	v14 =	vbroadcast @!p0 v2, $0x6;
	v13 =	vmov @!p0 s14;
	[tilespmem:v19+s2+$0x0] =	vst.idx.msk @!p0 $0xffff, v8  }
0xd1: {  	s31 =	spop (v2sf);
	v6 =	vpsel p1, v6, v11;
	p1 =	sne.s32 s5, s30;
	vm0 =	veq.s32 @!p0 v13, v15;
	[tilespmem:v12+s2+$0x0] =	vst.idx.msk @!p0 $0xffff, v7;
	s2 =	simm.s32 $0x1  }
0xd2: {  	s30 =	spop (v2sf);
	s14 =	sand.u32 @!p0 $0xF0, s1;
	v11 =	vsel @!p0 vm0, v14, v6;
	s2 =	simm.s32 @!p1 $0x0  }
0xd3: {  	s15 =	sshra.s32 s15, $0x2;
	p2 =	seq.s32 s30, s5;
	[tilespmem:s14+$0xB000] =	vst @!p0 v11;
	s1 =	sadd.s32 s2, s1  }
0xd4: {  	v12 =	vld [tilespmem:s15+$0x5000];
	s2 =	sand.u32 @!p2 $0xFF, s1  }
0xd5: {  	v15 =	vlaneseq.u32 @!p2;
	v41 =	vld [tilespmem:s15+$0x5010];
	s2 =	sshll.u32 @!p2 s2, $0x6  }
0xd6: {  	v18 =	vor.u32 @!p2 $0x10, v15;
	v42 =	vld [tilespmem:s15+$0x5020];
	v17 =	vor.u32 @!p2 s2, v15  }
0xd7: {  	v19 =	vor.u32 @!p2 $0x20, v15;
	v43 =	vld [tilespmem:s15+$0x5030];
	v18 =	vor.u32 @!p2 s2, v18  }
0xd8: {  	v20 =	vor.u32 @!p2 $0x30, v15;
	v10 =	vpsel !p0, $0x0, v10;
	v19 =	vor.u32 @!p2 s2, v19  }
0xd9: {  	v9 =	vpsel !p0, $0x0, v9;
	v10 =	vadd.f32 v12, v10;
	v12 =	vor.u32 @!p2 s2, v20  }
0xda: {  	v8 =	vpsel !p0, $0x0, v8;
	v9 =	vadd.f32 v41, v9;
	s2 =	simm.s32 @!p2 $0x7000  }
0xdb: {  	(v2sf) =	vpush v5, $0xA;
	v7 =	vpsel !p0, $0x0, v7;
	v8 =	vadd.f32 v42, v8;
	[tilespmem:v17+s2+$0x0] =	vst.idx.msk @!p2 $0xffff, v10  }
0xdc: {  	(v2sf) =	vpush v2, $0xA;
	s14 =	sand.u32 @!p2 $0xF, s1;
	v7 =	vadd.f32 v43, v7;
	[tilespmem:v18+s2+$0x0] =	vst.idx.msk @!p2 $0xffff, v9  }
0xdd: {  	v14 =	vbroadcast @!p2 v2, $0x7;
	v6 =	vpsel p0, v6, v11;
	p0 =	sne.s32 s30, s5;
	v13 =	vmov @!p2 s14;
	[tilespmem:v19+s2+$0x0] =	vst.idx.msk @!p2 $0xffff, v8  }
0xde: {  	s5 =	sshll.u32 s31, $0x8;
	s15 =	spop (v2sf);
	vm0 =	veq.s32 @!p2 v13, v15;
	[tilespmem:v12+s2+$0x0] =	vst.idx.msk @!p2 $0xffff, v7;
	s2 =	simm.s32 $0x1  }
0xdf: {  	s0 =	spop (v2sf);
	s14 =	sand.u32 @!p2 $0xF0, s1;
	v11 =	vsel @!p2 vm0, v14, v6;
	s2 =	simm.s32 @!p0 $0x0  }
0xe0: {  	s5 =	sshra.s32 s5, $0x2;
	p1 =	seq.s32 s0, s30;
	[tilespmem:s14+$0xB000] =	vst @!p2 v11;
	s1 =	sadd.s32 s2, s1  }
0xe1: {  	v12 =	vld [tilespmem:s5+$0x5000];
	s2 =	sand.u32 @!p1 $0xFF, s1  }
0xe2: {  	v15 =	vlaneseq.u32 @!p1;
	v44 =	vld [tilespmem:s5+$0x5010];
	s2 =	sshll.u32 @!p1 s2, $0x6  }
0xe3: {  	v18 =	vor.u32 @!p1 $0x10, v15;
	v45 =	vld [tilespmem:s5+$0x5020];
	v17 =	vor.u32 @!p1 s2, v15  }
0xe4: {  	v19 =	vor.u32 @!p1 $0x20, v15;
	v46 =	vld [tilespmem:s5+$0x5030];
	v18 =	vor.u32 @!p1 s2, v18  }
0xe5: {  	v20 =	vor.u32 @!p1 $0x30, v15;
	v10 =	vpsel !p2, $0x0, v10;
	v19 =	vor.u32 @!p1 s2, v19  }
0xe6: {  	v9 =	vpsel !p2, $0x0, v9;
	v10 =	vadd.f32 v12, v10;
	v12 =	vor.u32 @!p1 s2, v20  }
0xe7: {  	v8 =	vpsel !p2, $0x0, v8;
	v9 =	vadd.f32 v44, v9;
	s2 =	simm.s32 @!p1 $0x7000  }
0xe8: {  	(v2sf) =	vpush v5, $0xB;
	v7 =	vpsel !p2, $0x0, v7;
	v8 =	vadd.f32 v45, v8;
	[tilespmem:v17+s2+$0x0] =	vst.idx.msk @!p1 $0xffff, v10  }
0xe9: {  	(v2sf) =	vpush v2, $0xB;
	s14 =	sand.u32 @!p1 $0xF, s1;
	v7 =	vadd.f32 v46, v7;
	[tilespmem:v18+s2+$0x0] =	vst.idx.msk @!p1 $0xffff, v9  }
0xea: {  	s15 =	sshll.u32 s15, $0x8;
	v14 =	vbroadcast @!p1 v2, $0x8;
	v13 =	vmov @!p1 s14;
	[tilespmem:v19+s2+$0x0] =	vst.idx.msk @!p1 $0xffff, v8  }
0xeb: {  	s31 =	spop (v2sf);
	v6 =	vpsel p2, v6, v11;
	p0 =	sne.s32 s0, s30;
	vm0 =	veq.s32 @!p1 v13, v15;
	[tilespmem:v12+s2+$0x0] =	vst.idx.msk @!p1 $0xffff, v7;
	s2 =	simm.s32 $0x1  }
0xec: {  	s30 =	spop (v2sf);
	s14 =	sand.u32 @!p1 $0xF0, s1;
	v11 =	vsel @!p1 vm0, v14, v6;
	s2 =	simm.s32 @!p0 $0x0  }
0xed: {  	s5 =	sshra.s32 s15, $0x2;
	[tilespmem:s14+$0xB000] =	vst @!p1 v11;
	p0 =	seq.s32 s30, s0;
	s1 =	sadd.s32 s2, s1  }
0xee: {  	v12 =	vld [tilespmem:s5+$0x5000];
	s2 =	sand.u32 @!p0 $0xFF, s1  }
0xef: {  	v47 =	vld [tilespmem:s5+$0x5010];
	v15 =	vlaneseq.u32 @!p0;
	s2 =	sshll.u32 @!p0 s2, $0x6  }
0xf0: {  	v48 =	vld [tilespmem:s5+$0x5020];
	v18 =	vor.u32 @!p0 $0x10, v15;
	v17 =	vor.u32 @!p0 s2, v15  }
0xf1: {  	v49 =	vld [tilespmem:s5+$0x5030];
	v19 =	vor.u32 @!p0 $0x20, v15;
	v18 =	vor.u32 @!p0 s2, v18  }
0xf2: {  	v10 =	vpsel !p1, $0x0, v10;
	v20 =	vor.u32 @!p0 $0x30, v15;
	v19 =	vor.u32 @!p0 s2, v19  }
0xf3: {  	v9 =	vpsel !p1, $0x0, v9;
	v10 =	vadd.f32 v12, v10;
	v12 =	vor.u32 @!p0 s2, v20  }
0xf4: {  	(v2sf) =	vpush v5, $0xC;
	v8 =	vpsel !p1, $0x0, v8;
	v9 =	vadd.f32 v47, v9;
	s2 =	simm.s32 @!p0 $0x7000  }
0xf5: {  	(v2sf) =	vpush v2, $0xC;
	v7 =	vpsel !p1, $0x0, v7;
	s14 =	sand.u32 @!p0 $0xF, s1;
	v8 =	vadd.f32 v48, v8;
	[tilespmem:v17+s2+$0x0] =	vst.idx.msk @!p0 $0xffff, v10  }
0xf6: {  	s15 =	sshll.u32 s31, $0x8;
	v14 =	vbroadcast @!p0 v2, $0x9;
	v13 =	vmov @!p0 s14;
	v7 =	vadd.f32 v49, v7;
	[tilespmem:v18+s2+$0x0] =	vst.idx.msk @!p0 $0xffff, v9  }
0xf7: {  	v6 =	vpsel p1, v6, v11;
	p1 =	sne.s32 s30, s0;
	s0 =	simm.s32 $0x1;
	s5 =	spop (v2sf);
	vm0 =	veq.s32 @!p0 v13, v15;
	[tilespmem:v19+s2+$0x0] =	vst.idx.msk @!p0 $0xffff, v8  }
0xf8: {  	s0 =	simm.s32 @!p1 $0x0;
	s31 =	spop (v2sf);
	s14 =	sand.u32 @!p0 $0xF0, s1;
	v11 =	vsel @!p0 vm0, v14, v6;
	[tilespmem:v12+s2+$0x0] =	vst.idx.msk @!p0 $0xffff, v7  }
0xf9: {  	s1 =	sadd.s32 s0, s1;
	p1 =	seq.s32 s31, s30;
	s2 =	sshra.s32 s15, $0x2;
	[tilespmem:s14+$0xB000] =	vst @!p0 v11  }
0xfa: {  	s0 =	sand.u32 @!p1 $0xFF, s1;
	v12 =	vld [tilespmem:s2+$0x5000]  }
0xfb: {  	v15 =	vlaneseq.u32 @!p1;
	s0 =	sshll.u32 @!p1 s0, $0x6;
	v50 =	vld [tilespmem:s2+$0x5010]  }
0xfc: {  	v17 =	vor.u32 @!p1 s0, v15;
	v18 =	vor.u32 @!p1 $0x10, v15;
	v51 =	vld [tilespmem:s2+$0x5020]  }
0xfd: {  	v18 =	vor.u32 @!p1 s0, v18;
	v19 =	vor.u32 @!p1 $0x20, v15;
	v52 =	vld [tilespmem:s2+$0x5030]  }
0xfe: {  	v20 =	vor.u32 @!p1 $0x30, v15;
	v10 =	vpsel !p0, $0x0, v10;
	v19 =	vor.u32 @!p1 s0, v19  }
0xff: {  	v9 =	vpsel !p0, $0x0, v9;
	v10 =	vadd.f32 v12, v10;
	v12 =	vor.u32 @!p1 s0, v20  }
0x100: {  	(v2sf) =	vpush v5, $0xD;
	v8 =	vpsel !p0, $0x0, v8;
	v9 =	vadd.f32 v50, v9;
	s0 =	simm.s32 @!p1 $0x7000  }
0x101: {  	(v2sf) =	vpush v2, $0xD;
	v7 =	vpsel !p0, $0x0, v7;
	s2 =	sand.u32 @!p1 $0xF, s1;
	v8 =	vadd.f32 v51, v8;
	[tilespmem:v17+s0+$0x0] =	vst.idx.msk @!p1 $0xffff, v10  }
0x102: {  	v14 =	vbroadcast @!p1 v2, $0xA;
	s15 =	sshll.u32 s5, $0x8;
	v13 =	vmov @!p1 s2;
	v7 =	vadd.f32 v52, v7;
	[tilespmem:v18+s0+$0x0] =	vst.idx.msk @!p1 $0xffff, v9  }
0x103: {  	v6 =	vpsel p0, v6, v11;
	p0 =	sne.s32 s31, s30;
	s14 =	simm.s32 $0x1;
	s30 =	spop (v2sf);
	vm0 =	veq.s32 @!p1 v13, v15;
	[tilespmem:v19+s0+$0x0] =	vst.idx.msk @!p1 $0xffff, v8  }
0x104: {  	s14 =	simm.s32 @!p0 $0x0;
	s2 =	sand.u32 @!p1 $0xF0, s1;
	v11 =	vsel @!p1 vm0, v14, v6;
	[tilespmem:v12+s0+$0x0] =	vst.idx.msk @!p1 $0xffff, v7;
	s0 =	spop (v2sf)  }
0x105: {  	s5 =	sshra.s32 s15, $0x2;
	s1 =	sadd.s32 s14, s1;
	[tilespmem:s2+$0xB000] =	vst @!p1 v11;
	p0 =	seq.s32 s0, s31  }
0x106: {  	v12 =	vld [tilespmem:s5+$0x5000];
	s14 =	sand.u32 @!p0 $0xFF, s1  }
0x107: {  	v53 =	vld [tilespmem:s5+$0x5010];
	v14 =	vlaneseq.u32 @!p0;
	s14 =	sshll.u32 @!p0 s14, $0x6  }
0x108: {  	v54 =	vld [tilespmem:s5+$0x5020];
	v17 =	vor.u32 @!p0 $0x10, v14;
	v16 =	vor.u32 @!p0 s14, v14  }
0x109: {  	v18 =	vld [tilespmem:s5+$0x5030];
	v19 =	vor.u32 @!p0 $0x20, v14;
	v17 =	vor.u32 @!p0 s14, v17  }
0x10a: {  	v10 =	vpsel !p1, $0x0, v10;
	v20 =	vor.u32 @!p0 $0x30, v14;
	v19 =	vor.u32 @!p0 s14, v19  }
0x10b: {  	v9 =	vpsel !p1, $0x0, v9;
	v10 =	vadd.f32 v12, v10;
	v12 =	vor.u32 @!p0 s14, v20  }
0x10c: {  	(v2sf) =	vpush v5, $0xE;
	v8 =	vpsel !p1, $0x0, v8;
	s2 =	simm.s32 @!p0 $0x7000;
	v9 =	vadd.f32 v53, v9  }
0x10d: {  	v7 =	vpsel !p1, $0x0, v7;
	(v2sf) =	vpush v2, $0xE;
	v8 =	vadd.f32 v54, v8;
	s14 =	sand.u32 @!p0 $0xF, s1;
	[tilespmem:v16+s2+$0x0] =	vst.idx.msk @!p0 $0xffff, v10  }
0x10e: {  	v15 =	vbroadcast @!p0 v2, $0xB;
	v7 =	vadd.f32 v18, v7;
	v13 =	vmov @!p0 s14;
	[tilespmem:v17+s2+$0x0] =	vst.idx.msk @!p0 $0xffff, v9  }
0x10f: {  	s15 =	sshll.u32 s30, $0x8;
	v6 =	vpsel p1, v6, v11;
	p1 =	sne.s32 s0, s31;
	vm0 =	veq.s32 @!p0 v13, v14;
	[tilespmem:v19+s2+$0x0] =	vst.idx.msk @!p0 $0xffff, v8  }
0x110: {  	s5 =	spop (v2sf);
	s14 =	sand.u32 @!p0 $0xF0, s1;
	v11 =	vsel @!p0 vm0, v15, v6;
	[tilespmem:v12+s2+$0x0] =	vst.idx.msk @!p0 $0xffff, v7;
	s2 =	simm.s32 $0x1  }
0x111: {  	s15 =	sshra.s32 s15, $0x2;
	s30 =	spop (v2sf);
	[tilespmem:s14+$0xB000] =	vst @!p0 v11;
	s2 =	simm.s32 @!p1 $0x0  }
0x112: {  	p1 =	seq.s32 s30, s0;
	s1 =	sadd.s32 s2, s1;
	v12 =	vld [tilespmem:s15+$0x5000]  }
0x113: {  	s2 =	sand.u32 @!p1 $0xFF, s1  }
0x114: {  	v55 =	vld [tilespmem:s15+$0x5010];
	v14 =	vlaneseq.u32 @!p1;
	s2 =	sshll.u32 @!p1 s2, $0x6  }
0x115: {  	v56 =	vld [tilespmem:s15+$0x5020];
	v17 =	vor.u32 @!p1 $0x10, v14;
	v16 =	vor.u32 @!p1 s2, v14  }
0x116: {  	v10 =	vpsel !p0, $0x0, v10;
	v57 =	vld [tilespmem:s15+$0x5030];
	v19 =	vor.u32 @!p1 $0x20, v14;
	v17 =	vor.u32 @!p1 s2, v17  }
0x117: {  	v10 =	vadd.f32 v12, v10;
	v12 =	vor.u32 @!p1 s2, v19;
	v19 =	vor.u32 @!p1 $0x30, v14  }
0x118: {  	v9 =	vpsel !p0, $0x0, v9;
	v19 =	vor.u32 @!p1 s2, v19  }
0x119: {  	(v2sf) =	vpush v5, $0xF;
	v5 =	vpsel !p0, $0x0, v8;
	v8 =	vadd.f32 v55, v9;
	s2 =	simm.s32 @!p1 $0x7000  }
0x11a: {  	(v2sf) =	vpush v2, $0xF;
	v7 =	vpsel !p0, $0x0, v7;
	s14 =	sand.u32 @!p1 $0xF, s1;
	v5 =	vadd.f32 v56, v5;
	[tilespmem:v16+s2+$0x0] =	vst.idx.msk @!p1 $0xffff, v10  }
0x11b: {  	s5 =	sshll.u32 s5, $0x8;
	v13 =	vbroadcast @!p1 v2, $0xC;
	v7 =	vadd.f32 v57, v7;
	v9 =	vmov @!p1 s14;
	[tilespmem:v17+s2+$0x0] =	vst.idx.msk @!p1 $0xffff, v8  }
0x11c: {  	v6 =	vpsel p0, v6, v11;
	p0 =	sne.s32 s30, s0;
	s0 =	simm.s32 $0x1;
	s15 =	spop (v2sf);
	vm0 =	veq.s32 @!p1 v9, v14;
	[tilespmem:v12+s2+$0x0] =	vst.idx.msk @!p1 $0xffff, v5  }
0x11d: {  	s0 =	simm.s32 @!p0 $0x0;
	s31 =	spop (v2sf);
	v9 =	vsel @!p1 vm0, v13, v6;
	[tilespmem:v19+s2+$0x0] =	vst.idx.msk @!p1 $0xffff, v7;
	s2 =	sand.u32 @!p1 $0xF0, s1  }
0x11e: {  	s0 =	sadd.s32 s0, s1;
	p0 =	seq.s32 s31, s30;
	s14 =	sshra.s32 s5, $0x2;
	[tilespmem:s2+$0xB000] =	vst @!p1 v9  }
0x11f: {  	s2 =	sand.u32 @!p0 $0xFF, s0;
	v11 =	vld [tilespmem:s14+$0x5000]  }
0x120: {  	v13 =	vlaneseq.u32 @!p0;
	v12 =	vld [tilespmem:s14+$0x5010];
	s2 =	sshll.u32 @!p0 s2, $0x6  }
0x121: {  	v16 =	vor.u32 @!p0 $0x10, v13;
	v58 =	vld [tilespmem:s14+$0x5020];
	v15 =	vor.u32 @!p0 s2, v13  }
0x122: {  	v18 =	vor.u32 @!p0 $0x20, v13;
	v17 =	vld [tilespmem:s14+$0x5030];
	v16 =	vor.u32 @!p0 s2, v16  }
0x123: {  	v10 =	vpsel !p1, $0x0, v10;
	v19 =	vor.u32 @!p0 $0x30, v13;
	v18 =	vor.u32 @!p0 s2, v18  }
0x124: {  	v8 =	vpsel !p1, $0x0, v8;
	v10 =	vadd.f32 v11, v10;
	v11 =	vor.u32 @!p0 s2, v19  }
0x125: {  	v5 =	vpsel !p1, $0x0, v5;
	s1 =	simm.s32 @!p0 $0x7000;
	v8 =	vadd.f32 v12, v8  }
0x126: {  	v7 =	vpsel !p1, $0x0, v7;
	v5 =	vadd.f32 v58, v5;
	s2 =	sand.u32 @!p0 $0xF, s0;
	[tilespmem:v15+s1+$0x0] =	vst.idx.msk @!p0 $0xffff, v10  }
0x127: {  	s15 =	sshll.u32 s15, $0x8;
	v14 =	vbroadcast @!p0 v2, $0xD;
	v7 =	vadd.f32 v17, v7;
	v12 =	vmov @!p0 s2;
	[tilespmem:v16+s1+$0x0] =	vst.idx.msk @!p0 $0xffff, v8  }
0x128: {  	s5 =	spop (v2sf);
	v6 =	vpsel p1, v6, v9;
	p1 =	sne.s32 s31, s30;
	s14 =	simm.s32 $0x1;
	vm0 =	veq.s32 @!p0 v12, v13;
	[tilespmem:v18+s1+$0x0] =	vst.idx.msk @!p0 $0xffff, v5  }
0x129: {  	s30 =	spop (v2sf);
	s14 =	simm.s32 @!p1 $0x0;
	s2 =	sand.u32 @!p0 $0xF0, s0;
	v9 =	vsel @!p0 vm0, v14, v6;
	[tilespmem:v11+s1+$0x0] =	vst.idx.msk @!p0 $0xffff, v7  }
0x12a: {  	p1 =	seq.s32 s30, s31;
	s0 =	sadd.s32 s14, s0;
	s1 =	sshra.s32 s15, $0x2;
	[tilespmem:s2+$0xB000] =	vst @!p0 v9  }
0x12b: {  	s2 =	sand.u32 @!p1 $0xFF, s0;
	v11 =	vld [tilespmem:s1+$0x5000]  }
0x12c: {  	v13 =	vlaneseq.u32 @!p1;
	v59 =	vld [tilespmem:s1+$0x5010];
	s2 =	sshll.u32 @!p1 s2, $0x6  }
0x12d: {  	v16 =	vor.u32 @!p1 $0x10, v13;
	v60 =	vld [tilespmem:s1+$0x5020];
	v15 =	vor.u32 @!p1 s2, v13  }
0x12e: {  	v18 =	vor.u32 @!p1 $0x20, v13;
	v61 =	vld [tilespmem:s1+$0x5030];
	v16 =	vor.u32 @!p1 s2, v16  }
0x12f: {  	v10 =	vpsel !p0, $0x0, v10;
	v19 =	vor.u32 @!p1 $0x30, v13;
	v18 =	vor.u32 @!p1 s2, v18  }
0x130: {  	v8 =	vpsel !p0, $0x0, v8;
	v10 =	vadd.f32 v11, v10;
	v11 =	vor.u32 @!p1 s2, v19  }
0x131: {  	v5 =	vpsel !p0, $0x0, v5;
	s1 =	simm.s32 @!p1 $0x7000;
	v8 =	vadd.f32 v59, v8  }
0x132: {  	v7 =	vpsel !p0, $0x0, v7;
	v5 =	vadd.f32 v60, v5;
	s2 =	sand.u32 @!p1 $0xF, s0;
	[tilespmem:v15+s1+$0x0] =	vst.idx.msk @!p1 $0xffff, v10  }
0x133: {  	v14 =	vbroadcast @!p1 v2, $0xE;
	v7 =	vadd.f32 v61, v7;
	v12 =	vmov @!p1 s2;
	[tilespmem:v16+s1+$0x0] =	vst.idx.msk @!p1 $0xffff, v8  }
0x134: {  	v6 =	vpsel p0, v6, v9;
	vm0 =	veq.s32 @!p1 v12, v13;
	[tilespmem:v18+s1+$0x0] =	vst.idx.msk @!p1 $0xffff, v5  }
0x135: {  	s14 =	sshll.u32 s5, $0x8;
	v12 =	vsel @!p1 vm0, v14, v6;
	[tilespmem:v11+s1+$0x0] =	vst.idx.msk @!p1 $0xffff, v7;
	s1 =	sand.u32 @!p1 $0xF0, s0  }
0x136: {  	s15 =	sshra.s32 s14, $0x2;
	[tilespmem:s1+$0xB000] =	vst @!p1 v12  }
0x137: {  	v9 =	vld [tilespmem:s15+$0x5000]  }
0x138: {  	v11 =	vld [tilespmem:s15+$0x5010]  }
0x139: {  	s29 =	sadd.s32 $0x40, s29;
	p0 =	sne.s32 s30, s31;
	s1 =	simm.s32 $0x1;
	v62 =	vld [tilespmem:s15+$0x5020]  }
0x13a: {  	v63 =	vld [tilespmem:s15+$0x5030];
	s1 =	simm.s32 @!p0 $0x0;
	p0 =	sne.s32 s29, $0x200  }
.Ltmp5:
0x13b: {  	_ = 	snop;
	(pc) =	sbr.rel @p0 .LBB2_5-.Ltmp5, $4  }
0x13c: {  	_ = 	snop  }
0x13d: {  	v10 =	vpsel !p1, $0x0, v10;
	v8 =	vpsel !p1, $0x0, v8;
	v5 =	vpsel !p1, $0x0, v5  }
0x13e: {  	v7 =	vpsel !p1, $0x0, v7;
	v10 =	vadd.f32 v9, v10;
	v9 =	vadd.f32 v11, v8  }
0x13f: {  	v6 =	vpsel p1, v6, v12;
	s31 =	sadd.s32 s1, s0;
	v8 =	vadd.f32 v62, v5;
	v7 =	vadd.f32 v63, v7  }
0x140: {  	s0 =	ssub.s32 s31, s24;
	p0 =	sne.s32 s31, s24;
	s1 =	simm.s32 $0x1  }
0x141: {  	s2 =	sshra.s32 s0, $0x1F;
	s1 =	simm.s32 @!p0 $0x0  }
0x142: {  	s5 =	sand.u32 $0x3F, s31;
	s1 =	sor.u32 s1, s2  }
0x143: {  	p1 =	sne.s32 s5, $0x0;
	p0 =	sne.s32 s1, $0x1  }
0x144: {  	s29 =	sshrl.u32 s2, $0x1A;
	p2 =	por !p1, !p0  }
0x145: {  	s0 =	sadd.s32 s29, s0;
	s1 =	simm.s32 $0x1;
	p2 =	por !p2, !p2  }
0x146: {  	s0 =	sshra.s32 s0, $0x6;
	s1 =	simm.s32 @!p2 $0x0  }
0x147: {  	s2 =	ssub.s32 s0, s1  }
0x148: {  	p2 =	slt.s32 s2, $0x1  }
.Ltmp6:
0x149: {  	_ = 	snop;
	(pc) =	sbr.rel @p2 .LBB2_10-.Ltmp6, $1  }
0x14a: {  	_ =	sdelay $0x3  }
0x14b: {  	p2 =	sne.s32 s2, $0x1  }
.Ltmp7:
0x14c: {  	s1 =	sand.u32 $0xC0, s24;
	(pc) =	sbr.rel @!p2 .LBB2_9-.Ltmp7, $4  }
0x14d: {  	s5 =	sshll.u32 s1, $0x6  }
0x14e: {  	s1 =	sor.u32 $0xB000, s1;
	s5 =	sadd.s32 $0x7000, s5  }
0x14f: {  	[spmem:s3] =	stream.indirect.scatter.add.f32 [tilespmem:s5], [sflag:$0x3], $0x40, s1, s19, $0xb8;
	[tilespmem:$0x17100] =	vst v63  }
0x150: {  	s29 =	sadd.s32 $0xFFFFFFFF, s2;
	s14 =	sadd.s32 $0x40, s24;
	_ =	swait.ge [sflag:s20], $0x1000  }
.LBB2_8:
0x151: {  	s1 =	sand.u32 $0xC0, s14  }
0x152: {  	[sflag:s20] =	ssyncset.done $0x0;
	p2 =	sne.s32 s29, $0x1;
	s5 =	sshll.u32 s1, $0x6  }
.Ltmp8:
0x153: {  	s1 =	sor.u32 $0xB000, s1;
	[sflag:s20] =	ssyncadd.s32 $0xFFFFF000;
	(pc) =	sbr.rel @p2 .LBB2_8-.Ltmp8, $4  }
0x154: {  	s29 =	sadd.s32 $0xFFFFFFFF, s29;
	s5 =	sadd.s32 $0x7000, s5  }
0x155: {  	[spmem:s3] =	stream.indirect.scatter.add.f32 [tilespmem:s5], [sflag:$0x3], $0x40, s1, s19, $0xb8;
	[tilespmem:$0x17100] =	vst v63  }
0x156: {  	_ = 	snop  }
0x157: {  	s14 =	sadd.s32 $0x40, s14;
	_ =	swait.ge [sflag:s20], $0x1000  }
.Ltmp9:
0x158: {  	_ = 	snop;
	(pc) =	sbr.rel .LBB2_9-.Ltmp9, $1  }
0x159: {  	_ =	sdelay $0x3  }
.LBB2_11:
0x15a: {  	s25 =	sadd.s32 $0x1, s31  }
0x15b: {  	s5 =	simm.s32 $0x1;
	s2 =	ssub.s32 s25, s29;
	p2 =	sne.s32 s25, s29  }
0x15c: {  	s14 =	sshra.s32 s2, $0x1F;
	s5 =	simm.s32 @!p2 $0x0  }
0x15d: {  	s1 =	sand.u32 $0xFF, s31;
	s15 =	sand.u32 $0xF, s25;
	s5 =	sor.u32 s5, s14  }
0x15e: {  	s1 =	sshll.u32 s1, $0x6;
	p3 =	sne.s32 s15, $0x0;
	p6 =	sne.s32 s5, $0x1  }
0x15f: {  	v4 =	vor.u32 $0x10, v1;
	v3 =	vor.u32 s1, v1;
	s28 =	sshrl.u32 s14, $0x1C;
	p2 =	por !p3, !p6  }
0x160: {  	v5 =	vor.u32 $0x20, v1;
	v4 =	vor.u32 s1, v4;
	s2 =	sadd.s32 s28, s2;
	s5 =	simm.s32 $0x1;
	p2 =	por !p2, !p2  }
0x161: {  	v11 =	vor.u32 $0x30, v1;
	v5 =	vor.u32 s1, v5;
	s30 =	sshra.s32 s2, $0x4;
	s5 =	simm.s32 @!p2 $0x0  }
0x162: {  	v11 =	vor.u32 s1, v11;
	s2 =	ssub.s32 s30, s5  }
0x163: {  	p2 =	slt.s32 s2, $0x1  }
.Ltmp10:
0x164: {  	s26 =	sand.u32 $0xF, s31;
	[tilespmem:v3+s21+$0x0] =	vst.idx.msk $0xffff, v10;
	(pc) =	sbr.rel @p2 .LBB2_15-.Ltmp10, $4  }
0x165: {  	v2 =	vbroadcast v2, $0xF;
	v3 =	vmov s26;
	[tilespmem:v4+s21+$0x0] =	vst.idx.msk $0xffff, v9  }
0x166: {  	vm0 =	veq.s32 v3, v1;
	[tilespmem:v5+s21+$0x0] =	vst.idx.msk $0xffff, v8  }
0x167: {  	s31 =	sand.u32 $0xF0, s31;
	v2 =	vsel vm0, v2, v6;
	[tilespmem:v11+s21+$0x0] =	vst.idx.msk $0xffff, v7  }
0x168: {  	[tilespmem:s31+$0xB000] =	vst v2  }
0x169: {  	p0 =	por !p0, !p1  }
0x16a: {  	s1 =	simm.s32 $0x1;
	p0 =	por !p0, !p0  }
0x16b: {  	s1 =	simm.s32 @!p0 $0x0  }
0x16c: {  	s0 =	ssub.s32 s0, s1  }
0x16d: {  	s0 =	sshll.u32 s0, $0x6  }
0x16e: {  	p0 =	sne.s32 s2, $0x1;
	s31 =	sadd.s32 s0, s24  }
.Ltmp11:
0x16f: {  	s0 =	sand.u32 $0xF0, s31;
	(pc) =	sbr.rel @!p0 .LBB2_14-.Ltmp11, $4  }
0x170: {  	s5 =	sshll.u32 s0, $0x6  }
0x171: {  	s0 =	sor.u32 $0xB000, s0;
	s5 =	sadd.s32 $0x7000, s5  }
0x172: {  	[spmem:s3] =	stream.indirect.scatter.add.f32 [tilespmem:s5], [sflag:$0x3], $0x40, s0, s22, $0xb8;
	[tilespmem:$0x17100] =	vst v63  }
0x173: {  	s14 =	sadd.s32 $0x10, s31;
	s0 =	sadd.s32 $0xFFFFFFFF, s2;
	_ =	swait.ge [sflag:s20], $0x400  }
.LBB2_13:
0x174: {  	s1 =	sand.u32 $0xF0, s14  }
0x175: {  	[sflag:s20] =	ssyncset.done $0x0;
	p0 =	sne.s32 s0, $0x1;
	s5 =	sshll.u32 s1, $0x6  }
.Ltmp12:
0x176: {  	s1 =	sor.u32 $0xB000, s1;
	[sflag:s20] =	ssyncadd.s32 $0xFFFFFC00;
	(pc) =	sbr.rel @p0 .LBB2_13-.Ltmp12, $4  }
0x177: {  	s0 =	sadd.s32 $0xFFFFFFFF, s0;
	s5 =	sadd.s32 $0x7000, s5  }
0x178: {  	[spmem:s3] =	stream.indirect.scatter.add.f32 [tilespmem:s5], [sflag:$0x3], $0x40, s1, s22, $0xb8;
	[tilespmem:$0x17100] =	vst v63  }
0x179: {  	_ = 	snop  }
0x17a: {  	s14 =	sadd.s32 $0x10, s14;
	_ =	swait.ge [sflag:s20], $0x400  }
.Ltmp13:
0x17b: {  	_ = 	snop;
	(pc) =	sbr.rel .LBB2_14-.Ltmp13, $1  }
0x17c: {  	_ =	sdelay $0x3  }
.LBB2_16:
0x17d: {  	_ =	sfence.sel $0x180000  }
0x17e: {  	[bflag:$0x0] =	sbarrier.arrive $0xFFFF  }
0x17f: {  	_ =	strace $0x90000047  }
0x180: {  	s0 =	stileid.u32;
	[bflag:$0x2] =	sbarrier.arrive $0xFFFF  }
0x181: {  	p0 =	sne.s32 s0, $0x0;
	s0 =	rddreg [dreg:$0x3]  }
0x182: {  	s0 =	sadd.s32 @!p0 $0x100000, s0  }
0x183: {  	[sflag:s0] =	ssyncadd.tile.s32 @!p0 $0x1;
	_ =	shalt  }
.Lfunc_end2:
_tile_overlayer_lowered:
.L_overlay_start_2:
0x184: {  	(tag) =	ssettag $0x2  }
0x185: {  	s0 =	rddreg [dreg:$0x0];
	s2 =	stileid.u32  }
0x186: {  	s1 =	rddreg [dreg:$0x1];
	p0 =	sne.s32 s2, $0x0  }
0x187: {  	s3 =	rddreg [dreg:$0x2];
	[bflag:$0x3] =	sbarrier.arrive $0xFFFF;
	s2 =	simm.s32 @!p0 $0x1C03  }
0x188: {  	[timem:s3], [sflag:s2] =	dma.local @!p0 [hbm:s0], s1  }
0x189: {  	s0 =	simm.s32 @!p0 $0x3  }
0x18a: {  	_ =	swait.ge @!p0 [sflag:s0], s1  }
0x18b: {  	s1 =	ssub.s32 @!p0 $0x0, s1;
	[sflag:s0] =	ssyncset.done @!p0 $0x0  }
0x18c: {  	[sflag:s0] =	ssyncadd.s32 @!p0 s1  }
0x18d: {  	[bflag:$0x3] =	sbarrier.arrive $0xFFFF  }
0x18e: {  	_ =	shalt  }

</sc_bundles>
